<compile_context>
chip_gen: v7x
topology: tpu7x:2x2x1
jax: 0.10.2.dev20260603
libtpu: 0.0.44.dev20260713+nightly
codegen_flags: <defaults>
</compile_context>

<pallas_src>
import jax
import jax.numpy as jnp
from jax import lax
from jax.experimental import pallas as pl
from jax.experimental.pallas import tpu as pltpu
from jax.experimental.pallas import tpu_sc as plsc

_N = 10000
_E = 320000
_D = 128
_NEG = 0.2

_NC = 2
_NS = 16
_NW = _NC * _NS
_EPW = _E // _NW
_K = 80
_NCHUNK = _EPW // _K
_NF = 10
_RF = _N // _NF

_IB = 5
_NB = _NCHUNK // _IB

_BN = 1000
_GRID = _N // _BN


def _pre_body(x_ref, w_ref, att_ref, h_ref, asd_ref):
    h = jnp.dot(x_ref[...], w_ref[...], preferred_element_type=jnp.float32)
    h_ref[...] = h
    asd_ref[...] = jnp.dot(h, att_ref[...], preferred_element_type=jnp.float32)


_pre = pl.pallas_call(
    _pre_body,
    grid=(_GRID,),
    in_specs=[
        pl.BlockSpec((_BN, _D), lambda i: (i, 0)),
        pl.BlockSpec((_D, _D), lambda i: (0, 0)),
        pl.BlockSpec((_D, 2), lambda i: (0, 0)),
    ],
    out_specs=[
        pl.BlockSpec((_BN, _D), lambda i: (i, 0)),
        pl.BlockSpec((_BN, 2), lambda i: (i, 0)),
    ],
    out_shape=[
        jax.ShapeDtypeStruct((_N, _D), jnp.float32),
        jax.ShapeDtypeStruct((_N, 2), jnp.float32),
    ],
)


def _sc_body(h_hbm, asd_hbm, eidx_hbm, acc_hbm, den_hbm,
             asd_v, sidxB, didxB, rows2, wtmp2, zden_v,
             acc_sh, den_sh, gsem, isem, ssem):
    cid = lax.axis_index("c")
    sid = lax.axis_index("s")
    wid = cid * _NS + sid

    pltpu.sync_copy(asd_hbm, asd_v)

    zero16 = jnp.zeros((16,), jnp.float32)
    f0 = sid * _RF

    @pl.when(sid < _NF)
    def _zinit():
        def _zrow(i, carry):
            for c2 in range(_D // 16):
                rows2[0, i, pl.ds(c2 * 16, 16)] = zero16
            return carry

        lax.fori_loop(0, 40, _zrow, 0)

        def _zden(i, carry):
            zden_v[pl.ds(i * 16, 16)] = zero16
            return carry

        lax.fori_loop(0, 63, _zden, 0)

        for b in range(_RF // 40):
            pltpu.sync_copy(rows2.at[0, pl.ds(0, 40)],
                            acc_sh.at[pl.ds(f0 + b * 40, 40)])
        pltpu.sync_copy(zden_v.at[pl.ds(0, _RF)], den_sh.at[pl.ds(f0, _RF)])

    plsc.subcore_barrier()

    two = jnp.full((16,), 2, jnp.int32)
    one = jnp.full((16,), 1, jnp.int32)

    def load_idxb(m, mb):
        row0 = (wid * _NB + m) * _IB
        pltpu.async_copy(eidx_hbm.at[pl.ds(row0, _IB)], sidxB.at[mb], isem)
        pltpu.async_copy(eidx_hbm.at[pl.ds(_NW * _NCHUNK + row0, _IB)],
                         didxB.at[mb], isem)

    def wait_idxb(mb):
        pltpu.make_async_copy(eidx_hbm.at[pl.ds(0, _IB)], sidxB.at[mb],
                              isem).wait()
        pltpu.make_async_copy(eidx_hbm.at[pl.ds(0, _IB)], didxB.at[mb],
                              isem).wait()

    def start_gather(b, mb, q):
        pltpu.async_copy(h_hbm.at[sidxB.at[mb, q, 0]],
                         rows2.at[b], gsem)

    def wait_gather(b):
        pltpu.make_async_copy(h_hbm.at[sidxB.at[0, 0, 0]],
                              rows2.at[b], gsem).wait()

    def start_scatter(b, mb, q):
        pltpu.async_copy(rows2.at[b], acc_sh.at[didxB.at[mb, q, 0]], ssem,
                         add=True)
        pltpu.async_copy(wtmp2.at[b], den_sh.at[didxB.at[mb, q, 0]], ssem,
                         add=True)

    def wait_scatter(b):
        pltpu.make_async_copy(rows2.at[b], acc_sh.at[didxB.at[0, 0, 0]],
                              ssem).wait()
        pltpu.make_async_copy(wtmp2.at[b], den_sh.at[didxB.at[0, 0, 0]],
                              ssem).wait()

    def compute(b, mb, q):
        for g in range(_K // 16):
            s16 = sidxB[mb, q, 0, pl.ds(g * 16, 16)]
            d16 = didxB[mb, q, 0, pl.ds(g * 16, 16)]
            av = plsc.load_gather(asd_v, [s16 * two])
            bv = plsc.load_gather(asd_v, [d16 * two + one])
            s = av + bv
            e = jnp.where(s >= 0.0, s, _NEG * s)
            wtmp2[b, pl.ds(g * 16, 16)] = jnp.exp(e)

        def _edge(j, ecarry):
            wb = plsc.load_gather(wtmp2.at[b],
                                  [jnp.zeros((16,), jnp.int32) + j])
            for c2 in range(_D // 16):
                rows2[b, j, pl.ds(c2 * 16, 16)] = (
                    rows2[b, j, pl.ds(c2 * 16, 16)] * wb)
            return ecarry

        lax.fori_loop(0, _K, _edge, 0, unroll=4)

    load_idxb(0, 0)
    wait_idxb(0)
    start_gather(0, 0, 0)

    def _chunk_wrap(c, carry):
        m, q = carry
        b = lax.rem(c, 2)
        bn = lax.rem(c + 1, 2)
        mb = lax.rem(m, 2)
        last_in_batch = q == _IB - 1
        mbn = jnp.where(last_in_batch, lax.rem(m + 1, 2), mb)
        qn = jnp.where(last_in_batch, 0, q + 1)
        mn = jnp.where(last_in_batch, m + 1, m)

        wait_gather(b)

        @pl.when(c >= 1)
        def _():
            wait_scatter(bn)

        @pl.when(jnp.logical_and(q == 0, m <= _NB - 2))
        def _():
            load_idxb(m + 1, lax.rem(m + 1, 2))

        @pl.when(c <= _NCHUNK - 2)
        def _():
            @pl.when(last_in_batch)
            def _():
                wait_idxb(lax.rem(m + 1, 2))

            start_gather(bn, mbn, qn)

        compute(b, mb, q)
        start_scatter(b, mb, q)
        return (mn, qn)

    lax.fori_loop(0, _NCHUNK, _chunk_wrap,
                  (jnp.int32(0), jnp.int32(0)))
    wait_scatter((_NCHUNK - 1) % 2)

    plsc.subcore_barrier()

    @pl.when(sid < _NF)
    def _flush():
        pltpu.sync_copy(acc_sh.at[pl.ds(f0, _RF)],
                        acc_hbm.at[cid, pl.ds(f0, _RF)])
        pltpu.sync_copy(den_sh.at[pl.ds(f0, _RF)], zden_v.at[pl.ds(0, _RF)])
        pltpu.sync_copy(zden_v.at[pl.ds(0, _RF)],
                        den_hbm.at[pl.ds(cid * _N + f0, _RF)])


_sc_edge = pl.kernel(
    _sc_body,
    out_type=[
        jax.ShapeDtypeStruct((_NC, _N, _D), jnp.float32),
        jax.ShapeDtypeStruct((_NC * _N,), jnp.float32),
    ],
    mesh=plsc.VectorSubcoreMesh(core_axis_name="c", subcore_axis_name="s",
                                num_cores=_NC, num_subcores=_NS),
    compiler_params=pltpu.CompilerParams(needs_layout_passes=False),
    scratch_types=[
        pltpu.VMEM((2 * _N,), jnp.float32),
        pltpu.VMEM((2, _IB, 1, _K), jnp.int32),
        pltpu.VMEM((2, _IB, 1, _K), jnp.int32),
        pltpu.VMEM((2, _K, _D), jnp.float32),
        pltpu.VMEM((2, _K), jnp.float32),
        pltpu.VMEM((1008,), jnp.float32),
        pltpu.VMEM_SHARED((_N, _D), jnp.float32),
        pltpu.VMEM_SHARED((_N,), jnp.float32),
        pltpu.SemaphoreType.DMA,
        pltpu.SemaphoreType.DMA,
        pltpu.SemaphoreType.DMA,
    ],
)


def _post_body(h_ref, acc_ref, den_ref, asd_ref, bias_ref, out_ref):
    a = asd_ref[...]
    s = a[:, 0:1] + a[:, 1:2]
    wself = jnp.exp(jnp.where(s >= 0.0, s, _NEG * s))
    den = den_ref[...]
    dent = den[0] + den[1] + wself
    acc = acc_ref[...]
    num = acc[0] + acc[1] + wself * h_ref[...]
    out_ref[...] = jnp.tanh(num / dent + bias_ref[...])


_post = pl.pallas_call(
    _post_body,
    grid=(_GRID,),
    in_specs=[
        pl.BlockSpec((_BN, _D), lambda i: (i, 0)),
        pl.BlockSpec((_NC, _BN, _D), lambda i: (0, i, 0)),
        pl.BlockSpec((_NC, _BN, 1), lambda i: (0, i, 0)),
        pl.BlockSpec((_BN, 2), lambda i: (i, 0)),
        pl.BlockSpec((1, _D), lambda i: (0, 0)),
    ],
    out_specs=pl.BlockSpec((_BN, _D), lambda i: (i, 0)),
    out_shape=jax.ShapeDtypeStruct((_N, _D), jnp.float32),
)


def kernel(x, edge_index, W, att_src, att_dst, bias):
    att2 = jnp.stack([att_src, att_dst], axis=1)
    h, asd = _pre(x, W, att2)
    eidx = edge_index.reshape(2 * _NW * _NCHUNK, 1, _K)
    acc, denf = _sc_edge(h, asd.reshape(2 * _N), eidx)
    den3 = denf.reshape(_NC, _N, 1)
    return _post(h, acc, den3, asd, bias.reshape(1, _D))

# --- scband reference (transcript-rebuilt; emitter-appended) ---
"""Pipeline reference for scband-breadth-49349174231531 (READ-ONLY COPY).

The authoritative reference and input builder live on the scoring server;
editing this copy changes nothing except your own understanding.
"""

import jax, jax.numpy as jnp
import numpy as np

N = 10000
E = 320000
DIN = 128
DOUT = 128
NEG_SLOPE = 0.2


def setup_inputs(seed: int = 0) -> dict:
    key = jax.random.key(seed)
    k1, k2, k3, k4, k5 = jax.random.split(key, 5)
    x = jax.random.normal(k1, (N, DIN), dtype=jnp.float32)
    edge_index = jax.random.randint(k2, (2, E), 0, N, dtype=jnp.int32)
    W = jax.random.normal(k3, (DIN, DOUT), dtype=jnp.float32) * (1.0 / np.sqrt(DIN))
    att_src = jax.random.normal(k4, (DOUT,), dtype=jnp.float32) * 0.1
    att_dst = jax.random.normal(k5, (DOUT,), dtype=jnp.float32) * 0.1
    bias = jnp.zeros((DOUT,), dtype=jnp.float32)
    return {"x": x, "edge_index": edge_index, "W": W, "att_src": att_src, "att_dst": att_dst, "bias": bias}


def reference(x, edge_index, W, att_src, att_dst, bias):
    # PyG-style GATConv (heads=1, concat=True, add_self_loops=True) followed by tanh (Breadth module)
    n = x.shape[0]
    loop = jnp.arange(n, dtype=edge_index.dtype)
    src = jnp.concatenate([edge_index[0], loop])  # source nodes j (messages flow j -> i)
    dst = jnp.concatenate([edge_index[1], loop])  # target nodes i
    h = x @ W  # [N, DOUT]
    a_src = h @ att_src  # [N] contribution of source node
    a_dst = h @ att_dst  # [N] contribution of target node
    e = jax.nn.leaky_relu(a_src[src] + a_dst[dst], negative_slope=NEG_SLOPE)  # [E_total]
    # softmax over incoming edges per target node (numerically stable)
    e_max = jax.ops.segment_max(e, dst, num_segments=n)
    ex = jnp.exp(e - e_max[dst])
    denom = jax.ops.segment_sum(ex, dst, num_segments=n)
    alpha = ex / denom[dst]
    out = jax.ops.segment_sum(alpha[:, None] * h[src], dst, num_segments=n) + bias
    return jnp.tanh(out)

if __name__ == "__main__":
    import jax
    _d = setup_inputs()
    print(jax.jit(kernel)(*tuple(_d.values())))

</pallas_src>

<mosaic_0001>
#map = affine_map<(d0, d1) -> (0, 0)>
#map1 = affine_map<(d0, d1) -> (0)>
#map2 = affine_map<(d0, d1) -> (0, 0, 0)>
module attributes {stable_mosaic.version = 14 : i64} {
  func.func @_sc_body(%arg0: i32, %arg1: i32, %arg2: memref<10000x128xf32, #tpu.memory_space<hbm>>, %arg3: memref<20000xf32, #tpu.memory_space<hbm>>, %arg4: memref<8000x1x80xi32, #tpu.memory_space<hbm>>, %arg5: memref<2x10000x128xf32, #tpu.memory_space<hbm>>, %arg6: memref<20000xf32, #tpu.memory_space<hbm>>, %arg7: memref<20000xf32, #tpu.memory_space<vmem>>, %arg8: memref<2x5x1x80xi32, #tpu.memory_space<vmem>>, %arg9: memref<2x5x1x80xi32, #tpu.memory_space<vmem>>, %arg10: memref<2x80x128xf32, #tpu.memory_space<vmem>>, %arg11: memref<2x80xf32, #tpu.memory_space<vmem>>, %arg12: memref<1008xf32, #tpu.memory_space<vmem>>, %arg13: memref<10000x128xf32, #tpu.memory_space<vmem_shared>>, %arg14: memref<10000xf32, #tpu.memory_space<vmem_shared>>, %arg15: memref<!tpu.dma_semaphore, #tpu.memory_space<semaphore_mem>>, %arg16: memref<!tpu.dma_semaphore, #tpu.memory_space<semaphore_mem>>, %arg17: memref<!tpu.dma_semaphore, #tpu.memory_space<semaphore_mem>>) attributes {dimension_semantics = [#tpu.dimension_semantics<core_parallel>, #tpu.dimension_semantics<subcore_parallel>], iteration_bounds = array<i64: 2, 16>, scalar_prefetch = 0 : i64, scratch_operands = 11 : i64, tpu.core_type = #tpu.core_type<sc_vector_subcore>, window_params = [{transform_indices = #map}, {transform_indices = #map1}, {transform_indices = #map2}, {transform_indices = #map2}, {transform_indices = #map1}]} {
    %mul3A = arith.constant 16 : i32
    %mul3A_0 = arith.muli %arg0, %mul3A : i32
    %add3A = arith.addi %mul3A_0, %arg1 : i32
    "tpu.region"() ({
      %run_scoped3A = tpu.sem_alloc : memref<!tpu.dma_semaphore, #tpu.memory_space<semaphore_mem>>
      tpu.enqueue_dma source(%arg3 : memref<20000xf32, #tpu.memory_space<hbm>>) target(%arg7 : memref<20000xf32, #tpu.memory_space<vmem>>) target_semaphore(%run_scoped3A : memref<!tpu.dma_semaphore, #tpu.memory_space<semaphore_mem>>)
      tpu.wait_dma2 semaphore(%run_scoped3A : memref<!tpu.dma_semaphore, #tpu.memory_space<semaphore_mem>>) src(%arg3 : memref<20000xf32, #tpu.memory_space<hbm>>) dst(%arg7 : memref<20000xf32, #tpu.memory_space<vmem>>)
      tpu.yield
    }) : () -> ()
    %broadcast_in_dim3A = arith.constant 0.000000e+00 : f32
    %broadcast_in_dim3A_1 = vector.broadcast %broadcast_in_dim3A : f32 to vector<16xf32>
    %mul3A_2 = arith.constant 1000 : i32
    %mul3A_3 = arith.muli %arg1, %mul3A_2 : i32
    %lt3A = arith.constant 10 : i32
    %lt3A_4 = arith.cmpi slt, %arg1, %lt3A : i32
    %convert_element_type3A = arith.extui %lt3A_4 : i1 to i32
    %cond3A = arith.constant 0 : i32
    %cond3A_5 = arith.cmpi ne, %convert_element_type3A, %cond3A : i32
    scf.if %cond3A_5 {
      %scan3A_141 = arith.constant 0 : i32
      %scan3A_142 = arith.constant 0 : i32
      %scan3A_143 = arith.constant 40 : i32
      %scan3A_144 = arith.addi %scan3A_142, %scan3A_143 : i32
      %scan3A_145 = arith.constant 1 : i32
      scf.for %scan3A_227 = %scan3A_142 to %scan3A_144 step %scan3A_145  : i32 {
        %swap3A = arith.constant 0 : i32
        %swap3A_228 = arith.index_cast %swap3A : i32 to index
        %swap3A_229 = arith.index_cast %scan3A_227 : i32 to index
        %swap3A_230 = arith.constant 0 : index
        %swap3A_231 = tpu.vector_load %arg10[%swap3A_228, %swap3A_229, %swap3A_230] {strides = array<i32>} : memref<2x80x128xf32, #tpu.memory_space<vmem>>, vector<16xf32>,
        tpu.vector_store %arg10[%swap3A_228, %swap3A_229, %swap3A_230], %broadcast_in_dim3A_1 {strides = array<i32>} : memref<2x80x128xf32, #tpu.memory_space<vmem>>, vector<16xf32>,
        %swap3A_232 = arith.constant 0 : i32
        %swap3A_233 = arith.index_cast %swap3A_232 : i32 to index
        %swap3A_234 = arith.index_cast %scan3A_227 : i32 to index
        %swap3A_235 = arith.constant 16 : index
        %swap3A_236 = tpu.vector_load %arg10[%swap3A_233, %swap3A_234, %swap3A_235] {strides = array<i32>} : memref<2x80x128xf32, #tpu.memory_space<vmem>>, vector<16xf32>,
        tpu.vector_store %arg10[%swap3A_233, %swap3A_234, %swap3A_235], %broadcast_in_dim3A_1 {strides = array<i32>} : memref<2x80x128xf32, #tpu.memory_space<vmem>>, vector<16xf32>,
        %swap3A_237 = arith.constant 0 : i32
        %swap3A_238 = arith.index_cast %swap3A_237 : i32 to index
        %swap3A_239 = arith.index_cast %scan3A_227 : i32 to index
        %swap3A_240 = arith.constant 32 : index
        %swap3A_241 = tpu.vector_load %arg10[%swap3A_238, %swap3A_239, %swap3A_240] {strides = array<i32>} : memref<2x80x128xf32, #tpu.memory_space<vmem>>, vector<16xf32>,
        tpu.vector_store %arg10[%swap3A_238, %swap3A_239, %swap3A_240], %broadcast_in_dim3A_1 {strides = array<i32>} : memref<2x80x128xf32, #tpu.memory_space<vmem>>, vector<16xf32>,
        %swap3A_242 = arith.constant 0 : i32
        %swap3A_243 = arith.index_cast %swap3A_242 : i32 to index
        %swap3A_244 = arith.index_cast %scan3A_227 : i32 to index
        %swap3A_245 = arith.constant 48 : index
        %swap3A_246 = tpu.vector_load %arg10[%swap3A_243, %swap3A_244, %swap3A_245] {strides = array<i32>} : memref<2x80x128xf32, #tpu.memory_space<vmem>>, vector<16xf32>,
        tpu.vector_store %arg10[%swap3A_243, %swap3A_244, %swap3A_245], %broadcast_in_dim3A_1 {strides = array<i32>} : memref<2x80x128xf32, #tpu.memory_space<vmem>>, vector<16xf32>,
        %swap3A_247 = arith.constant 0 : i32
        %swap3A_248 = arith.index_cast %swap3A_247 : i32 to index
        %swap3A_249 = arith.index_cast %scan3A_227 : i32 to index
        %swap3A_250 = arith.constant 64 : index
        %swap3A_251 = tpu.vector_load %arg10[%swap3A_248, %swap3A_249, %swap3A_250] {strides = array<i32>} : memref<2x80x128xf32, #tpu.memory_space<vmem>>, vector<16xf32>,
        tpu.vector_store %arg10[%swap3A_248, %swap3A_249, %swap3A_250], %broadcast_in_dim3A_1 {strides = array<i32>} : memref<2x80x128xf32, #tpu.memory_space<vmem>>, vector<16xf32>,
        %swap3A_252 = arith.constant 0 : i32
        %swap3A_253 = arith.index_cast %swap3A_252 : i32 to index
        %swap3A_254 = arith.index_cast %scan3A_227 : i32 to index
        %swap3A_255 = arith.constant 80 : index
        %swap3A_256 = tpu.vector_load %arg10[%swap3A_253, %swap3A_254, %swap3A_255] {strides = array<i32>} : memref<2x80x128xf32, #tpu.memory_space<vmem>>, vector<16xf32>,
        tpu.vector_store %arg10[%swap3A_253, %swap3A_254, %swap3A_255], %broadcast_in_dim3A_1 {strides = array<i32>} : memref<2x80x128xf32, #tpu.memory_space<vmem>>, vector<16xf32>,
        %swap3A_257 = arith.constant 0 : i32
        %swap3A_258 = arith.index_cast %swap3A_257 : i32 to index
        %swap3A_259 = arith.index_cast %scan3A_227 : i32 to index
        %swap3A_260 = arith.constant 96 : index
        %swap3A_261 = tpu.vector_load %arg10[%swap3A_258, %swap3A_259, %swap3A_260] {strides = array<i32>} : memref<2x80x128xf32, #tpu.memory_space<vmem>>, vector<16xf32>,
        tpu.vector_store %arg10[%swap3A_258, %swap3A_259, %swap3A_260], %broadcast_in_dim3A_1 {strides = array<i32>} : memref<2x80x128xf32, #tpu.memory_space<vmem>>, vector<16xf32>,
        %swap3A_262 = arith.constant 0 : i32
        %swap3A_263 = arith.index_cast %swap3A_262 : i32 to index
        %swap3A_264 = arith.index_cast %scan3A_227 : i32 to index
        %swap3A_265 = arith.constant 112 : index
        %swap3A_266 = tpu.vector_load %arg10[%swap3A_263, %swap3A_264, %swap3A_265] {strides = array<i32>} : memref<2x80x128xf32, #tpu.memory_space<vmem>>, vector<16xf32>,
        tpu.vector_store %arg10[%swap3A_263, %swap3A_264, %swap3A_265], %broadcast_in_dim3A_1 {strides = array<i32>} : memref<2x80x128xf32, #tpu.memory_space<vmem>>, vector<16xf32>,
      }
      %scan3A_146 = arith.constant 40 : i32
      %scan3A_147 = arith.constant 0 : i32
      %scan3A_148 = arith.constant 0 : i32
      %scan3A_149 = arith.constant 63 : i32
      %scan3A_150 = arith.addi %scan3A_148, %scan3A_149 : i32
      %scan3A_151 = arith.constant 1 : i32
      scf.for %scan3A_227 = %scan3A_148 to %scan3A_150 step %scan3A_151  : i32 {
        %mul3A_228 = arith.constant 16 : i32
        %mul3A_229 = arith.muli %scan3A_227, %mul3A_228 : i32
        %swap3A = arith.index_cast %mul3A_229 : i32 to index
        %swap3A_230 = tpu.vector_load %arg12[%swap3A] {strides = array<i32>} : memref<1008xf32, #tpu.memory_space<vmem>>, vector<16xf32>,
        tpu.vector_store %arg12[%swap3A], %broadcast_in_dim3A_1 {strides = array<i32>} : memref<1008xf32, #tpu.memory_space<vmem>>, vector<16xf32>,
      }
      %scan3A_152 = arith.constant 63 : i32
      %add3A_153 = arith.constant 0 : i32
      %add3A_154 = arith.addi %mul3A_3, %add3A_153 : i32
      %run_scoped3A = arith.constant 0 : i32
      "tpu.region"() ({
        %run_scoped3A_227 = tpu.sem_alloc : memref<!tpu.dma_semaphore, #tpu.memory_space<semaphore_mem>>
        %dma_start3A_228 = arith.constant 0 : i32
        %dma_start3A_229 = arith.constant 0 : i32
        %dma_start3A_230 = tpu.memref_slice %arg10[%run_scoped3A, %dma_start3A_228, %dma_start3A_229] : memref<2x80x128xf32, #tpu.memory_space<vmem>> -> memref<1x40x128xf32, #tpu.memory_space<vmem>>
        %dma_start3A_231 = tpu.memref_squeeze %dma_start3A_230 : memref<1x40x128xf32, #tpu.memory_space<vmem>> -> memref<40x128xf32, #tpu.memory_space<vmem>>
        %dma_start3A_232 = arith.constant 0 : i32
        %dma_start3A_233 = tpu.memref_slice %arg13[%add3A_154, %dma_start3A_232] : memref<10000x128xf32, #tpu.memory_space<vmem_shared>> -> memref<40x128xf32, #tpu.memory_space<vmem_shared>>
        %dma_start3A_234 = arith.constant 0 : i32
        %dma_start3A_235 = tpu.memref_slice %arg13[%add3A_154, %dma_start3A_234] : memref<10000x128xf32, #tpu.memory_space<vmem_shared>> -> memref<40x128xf32, #tpu.memory_space<vmem_shared>>
        %dma_start3A_236 = arith.constant 0 : i32
        %dma_start3A_237 = arith.constant 0 : i32
        %dma_start3A_238 = tpu.memref_slice %arg10[%run_scoped3A, %dma_start3A_236, %dma_start3A_237] : memref<2x80x128xf32, #tpu.memory_space<vmem>> -> memref<1x40x128xf32, #tpu.memory_space<vmem>>
        %dma_start3A_239 = tpu.memref_squeeze %dma_start3A_238 : memref<1x40x128xf32, #tpu.memory_space<vmem>> -> memref<40x128xf32, #tpu.memory_space<vmem>>
        tpu.enqueue_dma source(%dma_start3A_239 : memref<40x128xf32, #tpu.memory_space<vmem>>) target(%dma_start3A_235 : memref<40x128xf32, #tpu.memory_space<vmem_shared>>) target_semaphore(%run_scoped3A_227 : memref<!tpu.dma_semaphore, #tpu.memory_space<semaphore_mem>>)
        %dma_wait3A_240 = arith.constant 0 : i32
        %dma_wait3A_241 = arith.constant 0 : i32
        %dma_wait3A_242 = tpu.memref_slice %arg10[%run_scoped3A, %dma_wait3A_240, %dma_wait3A_241] : memref<2x80x128xf32, #tpu.memory_space<vmem>> -> memref<1x40x128xf32, #tpu.memory_space<vmem>>
        %dma_wait3A_243 = tpu.memref_squeeze %dma_wait3A_242 : memref<1x40x128xf32, #tpu.memory_space<vmem>> -> memref<40x128xf32, #tpu.memory_space<vmem>>
        %dma_wait3A_244 = arith.constant 0 : i32
        %dma_wait3A_245 = tpu.memref_slice %arg13[%add3A_154, %dma_wait3A_244] : memref<10000x128xf32, #tpu.memory_space<vmem_shared>> -> memref<40x128xf32, #tpu.memory_space<vmem_shared>>
        %dma_wait3A_246 = arith.constant 0 : i32
        %dma_wait3A_247 = tpu.memref_slice %arg13[%add3A_154, %dma_wait3A_246] : memref<10000x128xf32, #tpu.memory_space<vmem_shared>> -> memref<40x128xf32, #tpu.memory_space<vmem_shared>>
        %dma_wait3A_248 = arith.constant 0 : i32
        %dma_wait3A_249 = arith.constant 0 : i32
        %dma_wait3A_250 = tpu.memref_slice %arg10[%run_scoped3A, %dma_wait3A_248, %dma_wait3A_249] : memref<2x80x128xf32, #tpu.memory_space<vmem>> -> memref<1x40x128xf32, #tpu.memory_space<vmem>>
        %dma_wait3A_251 = tpu.memref_squeeze %dma_wait3A_250 : memref<1x40x128xf32, #tpu.memory_space<vmem>> -> memref<40x128xf32, #tpu.memory_space<vmem>>
        tpu.wait_dma2 semaphore(%run_scoped3A_227 : memref<!tpu.dma_semaphore, #tpu.memory_space<semaphore_mem>>) src(%dma_wait3A_251 : memref<40x128xf32, #tpu.memory_space<vmem>>) dst(%dma_wait3A_247 : memref<40x128xf32, #tpu.memory_space<vmem_shared>>)
        tpu.yield
      }) : () -> ()
      %add3A_155 = arith.constant 40 : i32
      %add3A_156 = arith.addi %mul3A_3, %add3A_155 : i32
      %run_scoped3A_157 = arith.constant 0 : i32
      "tpu.region"() ({
        %run_scoped3A_227 = tpu.sem_alloc : memref<!tpu.dma_semaphore, #tpu.memory_space<semaphore_mem>>
        %dma_start3A_228 = arith.constant 0 : i32
        %dma_start3A_229 = arith.constant 0 : i32
        %dma_start3A_230 = tpu.memref_slice %arg10[%run_scoped3A_157, %dma_start3A_228, %dma_start3A_229] : memref<2x80x128xf32, #tpu.memory_space<vmem>> -> memref<1x40x128xf32, #tpu.memory_space<vmem>>
        %dma_start3A_231 = tpu.memref_squeeze %dma_start3A_230 : memref<1x40x128xf32, #tpu.memory_space<vmem>> -> memref<40x128xf32, #tpu.memory_space<vmem>>
        %dma_start3A_232 = arith.constant 0 : i32
        %dma_start3A_233 = tpu.memref_slice %arg13[%add3A_156, %dma_start3A_232] : memref<10000x128xf32, #tpu.memory_space<vmem_shared>> -> memref<40x128xf32, #tpu.memory_space<vmem_shared>>
        %dma_start3A_234 = arith.constant 0 : i32
        %dma_start3A_235 = tpu.memref_slice %arg13[%add3A_156, %dma_start3A_234] : memref<10000x128xf32, #tpu.memory_space<vmem_shared>> -> memref<40x128xf32, #tpu.memory_space<vmem_shared>>
        %dma_start3A_236 = arith.constant 0 : i32
        %dma_start3A_237 = arith.constant 0 : i32
        %dma_start3A_238 = tpu.memref_slice %arg10[%run_scoped3A_157, %dma_start3A_236, %dma_start3A_237] : memref<2x80x128xf32, #tpu.memory_space<vmem>> -> memref<1x40x128xf32, #tpu.memory_space<vmem>>
        %dma_start3A_239 = tpu.memref_squeeze %dma_start3A_238 : memref<1x40x128xf32, #tpu.memory_space<vmem>> -> memref<40x128xf32, #tpu.memory_space<vmem>>
        tpu.enqueue_dma source(%dma_start3A_239 : memref<40x128xf32, #tpu.memory_space<vmem>>) target(%dma_start3A_235 : memref<40x128xf32, #tpu.memory_space<vmem_shared>>) target_semaphore(%run_scoped3A_227 : memref<!tpu.dma_semaphore, #tpu.memory_space<semaphore_mem>>)
        %dma_wait3A_240 = arith.constant 0 : i32
        %dma_wait3A_241 = arith.constant 0 : i32
        %dma_wait3A_242 = tpu.memref_slice %arg10[%run_scoped3A_157, %dma_wait3A_240, %dma_wait3A_241] : memref<2x80x128xf32, #tpu.memory_space<vmem>> -> memref<1x40x128xf32, #tpu.memory_space<vmem>>
        %dma_wait3A_243 = tpu.memref_squeeze %dma_wait3A_242 : memref<1x40x128xf32, #tpu.memory_space<vmem>> -> memref<40x128xf32, #tpu.memory_space<vmem>>
        %dma_wait3A_244 = arith.constant 0 : i32
        %dma_wait3A_245 = tpu.memref_slice %arg13[%add3A_156, %dma_wait3A_244] : memref<10000x128xf32, #tpu.memory_space<vmem_shared>> -> memref<40x128xf32, #tpu.memory_space<vmem_shared>>
        %dma_wait3A_246 = arith.constant 0 : i32
        %dma_wait3A_247 = tpu.memref_slice %arg13[%add3A_156, %dma_wait3A_246] : memref<10000x128xf32, #tpu.memory_space<vmem_shared>> -> memref<40x128xf32, #tpu.memory_space<vmem_shared>>
        %dma_wait3A_248 = arith.constant 0 : i32
        %dma_wait3A_249 = arith.constant 0 : i32
        %dma_wait3A_250 = tpu.memref_slice %arg10[%run_scoped3A_157, %dma_wait3A_248, %dma_wait3A_249] : memref<2x80x128xf32, #tpu.memory_space<vmem>> -> memref<1x40x128xf32, #tpu.memory_space<vmem>>
        %dma_wait3A_251 = tpu.memref_squeeze %dma_wait3A_250 : memref<1x40x128xf32, #tpu.memory_space<vmem>> -> memref<40x128xf32, #tpu.memory_space<vmem>>
        tpu.wait_dma2 semaphore(%run_scoped3A_227 : memref<!tpu.dma_semaphore, #tpu.memory_space<semaphore_mem>>) src(%dma_wait3A_251 : memref<40x128xf32, #tpu.memory_space<vmem>>) dst(%dma_wait3A_247 : memref<40x128xf32, #tpu.memory_space<vmem_shared>>)
        tpu.yield
      }) : () -> ()
      %add3A_158 = arith.constant 80 : i32
      %add3A_159 = arith.addi %mul3A_3, %add3A_158 : i32
      %run_scoped3A_160 = arith.constant 0 : i32
      "tpu.region"() ({
        %run_scoped3A_227 = tpu.sem_alloc : memref<!tpu.dma_semaphore, #tpu.memory_space<semaphore_mem>>
        %dma_start3A_228 = arith.constant 0 : i32
        %dma_start3A_229 = arith.constant 0 : i32
        %dma_start3A_230 = tpu.memref_slice %arg10[%run_scoped3A_160, %dma_start3A_228, %dma_start3A_229] : memref<2x80x128xf32, #tpu.memory_space<vmem>> -> memref<1x40x128xf32, #tpu.memory_space<vmem>>
        %dma_start3A_231 = tpu.memref_squeeze %dma_start3A_230 : memref<1x40x128xf32, #tpu.memory_space<vmem>> -> memref<40x128xf32, #tpu.memory_space<vmem>>
        %dma_start3A_232 = arith.constant 0 : i32
        %dma_start3A_233 = tpu.memref_slice %arg13[%add3A_159, %dma_start3A_232] : memref<10000x128xf32, #tpu.memory_space<vmem_shared>> -> memref<40x128xf32, #tpu.memory_space<vmem_shared>>
        %dma_start3A_234 = arith.constant 0 : i32
        %dma_start3A_235 = tpu.memref_slice %arg13[%add3A_159, %dma_start3A_234] : memref<10000x128xf32, #tpu.memory_space<vmem_shared>> -> memref<40x128xf32, #tpu.memory_space<vmem_shared>>
        %dma_start3A_236 = arith.constant 0 : i32
        %dma_start3A_237 = arith.constant 0 : i32
        %dma_start3A_238 = tpu.memref_slice %arg10[%run_scoped3A_160, %dma_start3A_236, %dma_start3A_237] : memref<2x80x128xf32, #tpu.memory_space<vmem>> -> memref<1x40x128xf32, #tpu.memory_space<vmem>>
        %dma_start3A_239 = tpu.memref_squeeze %dma_start3A_238 : memref<1x40x128xf32, #tpu.memory_space<vmem>> -> memref<40x128xf32, #tpu.memory_space<vmem>>
        tpu.enqueue_dma source(%dma_start3A_239 : memref<40x128xf32, #tpu.memory_space<vmem>>) target(%dma_start3A_235 : memref<40x128xf32, #tpu.memory_space<vmem_shared>>) target_semaphore(%run_scoped3A_227 : memref<!tpu.dma_semaphore, #tpu.memory_space<semaphore_mem>>)
        %dma_wait3A_240 = arith.constant 0 : i32
        %dma_wait3A_241 = arith.constant 0 : i32
        %dma_wait3A_242 = tpu.memref_slice %arg10[%run_scoped3A_160, %dma_wait3A_240, %dma_wait3A_241] : memref<2x80x128xf32, #tpu.memory_space<vmem>> -> memref<1x40x128xf32, #tpu.memory_space<vmem>>
        %dma_wait3A_243 = tpu.memref_squeeze %dma_wait3A_242 : memref<1x40x128xf32, #tpu.memory_space<vmem>> -> memref<40x128xf32, #tpu.memory_space<vmem>>
        %dma_wait3A_244 = arith.constant 0 : i32
        %dma_wait3A_245 = tpu.memref_slice %arg13[%add3A_159, %dma_wait3A_244] : memref<10000x128xf32, #tpu.memory_space<vmem_shared>> -> memref<40x128xf32, #tpu.memory_space<vmem_shared>>
        %dma_wait3A_246 = arith.constant 0 : i32
        %dma_wait3A_247 = tpu.memref_slice %arg13[%add3A_159, %dma_wait3A_246] : memref<10000x128xf32, #tpu.memory_space<vmem_shared>> -> memref<40x128xf32, #tpu.memory_space<vmem_shared>>
        %dma_wait3A_248 = arith.constant 0 : i32
        %dma_wait3A_249 = arith.constant 0 : i32
        %dma_wait3A_250 = tpu.memref_slice %arg10[%run_scoped3A_160, %dma_wait3A_248, %dma_wait3A_249] : memref<2x80x128xf32, #tpu.memory_space<vmem>> -> memref<1x40x128xf32, #tpu.memory_space<vmem>>
        %dma_wait3A_251 = tpu.memref_squeeze %dma_wait3A_250 : memref<1x40x128xf32, #tpu.memory_space<vmem>> -> memref<40x128xf32, #tpu.memory_space<vmem>>
        tpu.wait_dma2 semaphore(%run_scoped3A_227 : memref<!tpu.dma_semaphore, #tpu.memory_space<semaphore_mem>>) src(%dma_wait3A_251 : memref<40x128xf32, #tpu.memory_space<vmem>>) dst(%dma_wait3A_247 : memref<40x128xf32, #tpu.memory_space<vmem_shared>>)
        tpu.yield
      }) : () -> ()
      %add3A_161 = arith.constant 120 : i32
      %add3A_162 = arith.addi %mul3A_3, %add3A_161 : i32
      %run_scoped3A_163 = arith.constant 0 : i32
      "tpu.region"() ({
        %run_scoped3A_227 = tpu.sem_alloc : memref<!tpu.dma_semaphore, #tpu.memory_space<semaphore_mem>>
        %dma_start3A_228 = arith.constant 0 : i32
        %dma_start3A_229 = arith.constant 0 : i32
        %dma_start3A_230 = tpu.memref_slice %arg10[%run_scoped3A_163, %dma_start3A_228, %dma_start3A_229] : memref<2x80x128xf32, #tpu.memory_space<vmem>> -> memref<1x40x128xf32, #tpu.memory_space<vmem>>
        %dma_start3A_231 = tpu.memref_squeeze %dma_start3A_230 : memref<1x40x128xf32, #tpu.memory_space<vmem>> -> memref<40x128xf32, #tpu.memory_space<vmem>>
        %dma_start3A_232 = arith.constant 0 : i32
        %dma_start3A_233 = tpu.memref_slice %arg13[%add3A_162, %dma_start3A_232] : memref<10000x128xf32, #tpu.memory_space<vmem_shared>> -> memref<40x128xf32, #tpu.memory_space<vmem_shared>>
        %dma_start3A_234 = arith.constant 0 : i32
        %dma_start3A_235 = tpu.memref_slice %arg13[%add3A_162, %dma_start3A_234] : memref<10000x128xf32, #tpu.memory_space<vmem_shared>> -> memref<40x128xf32, #tpu.memory_space<vmem_shared>>
        %dma_start3A_236 = arith.constant 0 : i32
        %dma_start3A_237 = arith.constant 0 : i32
        %dma_start3A_238 = tpu.memref_slice %arg10[%run_scoped3A_163, %dma_start3A_236, %dma_start3A_237] : memref<2x80x128xf32, #tpu.memory_space<vmem>> -> memref<1x40x128xf32, #tpu.memory_space<vmem>>
        %dma_start3A_239 = tpu.memref_squeeze %dma_start3A_238 : memref<1x40x128xf32, #tpu.memory_space<vmem>> -> memref<40x128xf32, #tpu.memory_space<vmem>>
        tpu.enqueue_dma source(%dma_start3A_239 : memref<40x128xf32, #tpu.memory_space<vmem>>) target(%dma_start3A_235 : memref<40x128xf32, #tpu.memory_space<vmem_shared>>) target_semaphore(%run_scoped3A_227 : memref<!tpu.dma_semaphore, #tpu.memory_space<semaphore_mem>>)
        %dma_wait3A_240 = arith.constant 0 : i32
        %dma_wait3A_241 = arith.constant 0 : i32
        %dma_wait3A_242 = tpu.memref_slice %arg10[%run_scoped3A_163, %dma_wait3A_240, %dma_wait3A_241] : memref<2x80x128xf32, #tpu.memory_space<vmem>> -> memref<1x40x128xf32, #tpu.memory_space<vmem>>
        %dma_wait3A_243 = tpu.memref_squeeze %dma_wait3A_242 : memref<1x40x128xf32, #tpu.memory_space<vmem>> -> memref<40x128xf32, #tpu.memory_space<vmem>>
        %dma_wait3A_244 = arith.constant 0 : i32
        %dma_wait3A_245 = tpu.memref_slice %arg13[%add3A_162, %dma_wait3A_244] : memref<10000x128xf32, #tpu.memory_space<vmem_shared>> -> memref<40x128xf32, #tpu.memory_space<vmem_shared>>
        %dma_wait3A_246 = arith.constant 0 : i32
        %dma_wait3A_247 = tpu.memref_slice %arg13[%add3A_162, %dma_wait3A_246] : memref<10000x128xf32, #tpu.memory_space<vmem_shared>> -> memref<40x128xf32, #tpu.memory_space<vmem_shared>>
        %dma_wait3A_248 = arith.constant 0 : i32
        %dma_wait3A_249 = arith.constant 0 : i32
        %dma_wait3A_250 = tpu.memref_slice %arg10[%run_scoped3A_163, %dma_wait3A_248, %dma_wait3A_249] : memref<2x80x128xf32, #tpu.memory_space<vmem>> -> memref<1x40x128xf32, #tpu.memory_space<vmem>>
        %dma_wait3A_251 = tpu.memref_squeeze %dma_wait3A_250 : memref<1x40x128xf32, #tpu.memory_space<vmem>> -> memref<40x128xf32, #tpu.memory_space<vmem>>
        tpu.wait_dma2 semaphore(%run_scoped3A_227 : memref<!tpu.dma_semaphore, #tpu.memory_space<semaphore_mem>>) src(%dma_wait3A_251 : memref<40x128xf32, #tpu.memory_space<vmem>>) dst(%dma_wait3A_247 : memref<40x128xf32, #tpu.memory_space<vmem_shared>>)
        tpu.yield
      }) : () -> ()
      %add3A_164 = arith.constant 160 : i32
      %add3A_165 = arith.addi %mul3A_3, %add3A_164 : i32
      %run_scoped3A_166 = arith.constant 0 : i32
      "tpu.region"() ({
        %run_scoped3A_227 = tpu.sem_alloc : memref<!tpu.dma_semaphore, #tpu.memory_space<semaphore_mem>>
        %dma_start3A_228 = arith.constant 0 : i32
        %dma_start3A_229 = arith.constant 0 : i32
        %dma_start3A_230 = tpu.memref_slice %arg10[%run_scoped3A_166, %dma_start3A_228, %dma_start3A_229] : memref<2x80x128xf32, #tpu.memory_space<vmem>> -> memref<1x40x128xf32, #tpu.memory_space<vmem>>
        %dma_start3A_231 = tpu.memref_squeeze %dma_start3A_230 : memref<1x40x128xf32, #tpu.memory_space<vmem>> -> memref<40x128xf32, #tpu.memory_space<vmem>>
        %dma_start3A_232 = arith.constant 0 : i32
        %dma_start3A_233 = tpu.memref_slice %arg13[%add3A_165, %dma_start3A_232] : memref<10000x128xf32, #tpu.memory_space<vmem_shared>> -> memref<40x128xf32, #tpu.memory_space<vmem_shared>>
        %dma_start3A_234 = arith.constant 0 : i32
        %dma_start3A_235 = tpu.memref_slice %arg13[%add3A_165, %dma_start3A_234] : memref<10000x128xf32, #tpu.memory_space<vmem_shared>> -> memref<40x128xf32, #tpu.memory_space<vmem_shared>>
        %dma_start3A_236 = arith.constant 0 : i32
        %dma_start3A_237 = arith.constant 0 : i32
        %dma_start3A_238 = tpu.memref_slice %arg10[%run_scoped3A_166, %dma_start3A_236, %dma_start3A_237] : memref<2x80x128xf32, #tpu.memory_space<vmem>> -> memref<1x40x128xf32, #tpu.memory_space<vmem>>
        %dma_start3A_239 = tpu.memref_squeeze %dma_start3A_238 : memref<1x40x128xf32, #tpu.memory_space<vmem>> -> memref<40x128xf32, #tpu.memory_space<vmem>>
        tpu.enqueue_dma source(%dma_start3A_239 : memref<40x128xf32, #tpu.memory_space<vmem>>) target(%dma_start3A_235 : memref<40x128xf32, #tpu.memory_space<vmem_shared>>) target_semaphore(%run_scoped3A_227 : memref<!tpu.dma_semaphore, #tpu.memory_space<semaphore_mem>>)
        %dma_wait3A_240 = arith.constant 0 : i32
        %dma_wait3A_241 = arith.constant 0 : i32
        %dma_wait3A_242 = tpu.memref_slice %arg10[%run_scoped3A_166, %dma_wait3A_240, %dma_wait3A_241] : memref<2x80x128xf32, #tpu.memory_space<vmem>> -> memref<1x40x128xf32, #tpu.memory_space<vmem>>
        %dma_wait3A_243 = tpu.memref_squeeze %dma_wait3A_242 : memref<1x40x128xf32, #tpu.memory_space<vmem>> -> memref<40x128xf32, #tpu.memory_space<vmem>>
        %dma_wait3A_244 = arith.constant 0 : i32
        %dma_wait3A_245 = tpu.memref_slice %arg13[%add3A_165, %dma_wait3A_244] : memref<10000x128xf32, #tpu.memory_space<vmem_shared>> -> memref<40x128xf32, #tpu.memory_space<vmem_shared>>
        %dma_wait3A_246 = arith.constant 0 : i32
        %dma_wait3A_247 = tpu.memref_slice %arg13[%add3A_165, %dma_wait3A_246] : memref<10000x128xf32, #tpu.memory_space<vmem_shared>> -> memref<40x128xf32, #tpu.memory_space<vmem_shared>>
        %dma_wait3A_248 = arith.constant 0 : i32
        %dma_wait3A_249 = arith.constant 0 : i32
        %dma_wait3A_250 = tpu.memref_slice %arg10[%run_scoped3A_166, %dma_wait3A_248, %dma_wait3A_249] : memref<2x80x128xf32, #tpu.memory_space<vmem>> -> memref<1x40x128xf32, #tpu.memory_space<vmem>>
        %dma_wait3A_251 = tpu.memref_squeeze %dma_wait3A_250 : memref<1x40x128xf32, #tpu.memory_space<vmem>> -> memref<40x128xf32, #tpu.memory_space<vmem>>
        tpu.wait_dma2 semaphore(%run_scoped3A_227 : memref<!tpu.dma_semaphore, #tpu.memory_space<semaphore_mem>>) src(%dma_wait3A_251 : memref<40x128xf32, #tpu.memory_space<vmem>>) dst(%dma_wait3A_247 : memref<40x128xf32, #tpu.memory_space<vmem_shared>>)
        tpu.yield
      }) : () -> ()
      %add3A_167 = arith.constant 200 : i32
      %add3A_168 = arith.addi %mul3A_3, %add3A_167 : i32
      %run_scoped3A_169 = arith.constant 0 : i32
      "tpu.region"() ({
        %run_scoped3A_227 = tpu.sem_alloc : memref<!tpu.dma_semaphore, #tpu.memory_space<semaphore_mem>>
        %dma_start3A_228 = arith.constant 0 : i32
        %dma_start3A_229 = arith.constant 0 : i32
        %dma_start3A_230 = tpu.memref_slice %arg10[%run_scoped3A_169, %dma_start3A_228, %dma_start3A_229] : memref<2x80x128xf32, #tpu.memory_space<vmem>> -> memref<1x40x128xf32, #tpu.memory_space<vmem>>
        %dma_start3A_231 = tpu.memref_squeeze %dma_start3A_230 : memref<1x40x128xf32, #tpu.memory_space<vmem>> -> memref<40x128xf32, #tpu.memory_space<vmem>>
        %dma_start3A_232 = arith.constant 0 : i32
        %dma_start3A_233 = tpu.memref_slice %arg13[%add3A_168, %dma_start3A_232] : memref<10000x128xf32, #tpu.memory_space<vmem_shared>> -> memref<40x128xf32, #tpu.memory_space<vmem_shared>>
        %dma_start3A_234 = arith.constant 0 : i32
        %dma_start3A_235 = tpu.memref_slice %arg13[%add3A_168, %dma_start3A_234] : memref<10000x128xf32, #tpu.memory_space<vmem_shared>> -> memref<40x128xf32, #tpu.memory_space<vmem_shared>>
        %dma_start3A_236 = arith.constant 0 : i32
        %dma_start3A_237 = arith.constant 0 : i32
        %dma_start3A_238 = tpu.memref_slice %arg10[%run_scoped3A_169, %dma_start3A_236, %dma_start3A_237] : memref<2x80x128xf32, #tpu.memory_space<vmem>> -> memref<1x40x128xf32, #tpu.memory_space<vmem>>
        %dma_start3A_239 = tpu.memref_squeeze %dma_start3A_238 : memref<1x40x128xf32, #tpu.memory_space<vmem>> -> memref<40x128xf32, #tpu.memory_space<vmem>>
        tpu.enqueue_dma source(%dma_start3A_239 : memref<40x128xf32, #tpu.memory_space<vmem>>) target(%dma_start3A_235 : memref<40x128xf32, #tpu.memory_space<vmem_shared>>) target_semaphore(%run_scoped3A_227 : memref<!tpu.dma_semaphore, #tpu.memory_space<semaphore_mem>>)
        %dma_wait3A_240 = arith.constant 0 : i32
        %dma_wait3A_241 = arith.constant 0 : i32
        %dma_wait3A_242 = tpu.memref_slice %arg10[%run_scoped3A_169, %dma_wait3A_240, %dma_wait3A_241] : memref<2x80x128xf32, #tpu.memory_space<vmem>> -> memref<1x40x128xf32, #tpu.memory_space<vmem>>
        %dma_wait3A_243 = tpu.memref_squeeze %dma_wait3A_242 : memref<1x40x128xf32, #tpu.memory_space<vmem>> -> memref<40x128xf32, #tpu.memory_space<vmem>>
        %dma_wait3A_244 = arith.constant 0 : i32
        %dma_wait3A_245 = tpu.memref_slice %arg13[%add3A_168, %dma_wait3A_244] : memref<10000x128xf32, #tpu.memory_space<vmem_shared>> -> memref<40x128xf32, #tpu.memory_space<vmem_shared>>
        %dma_wait3A_246 = arith.constant 0 : i32
        %dma_wait3A_247 = tpu.memref_slice %arg13[%add3A_168, %dma_wait3A_246] : memref<10000x128xf32, #tpu.memory_space<vmem_shared>> -> memref<40x128xf32, #tpu.memory_space<vmem_shared>>
        %dma_wait3A_248 = arith.constant 0 : i32
        %dma_wait3A_249 = arith.constant 0 : i32
        %dma_wait3A_250 = tpu.memref_slice %arg10[%run_scoped3A_169, %dma_wait3A_248, %dma_wait3A_249] : memref<2x80x128xf32, #tpu.memory_space<vmem>> -> memref<1x40x128xf32, #tpu.memory_space<vmem>>
        %dma_wait3A_251 = tpu.memref_squeeze %dma_wait3A_250 : memref<1x40x128xf32, #tpu.memory_space<vmem>> -> memref<40x128xf32, #tpu.memory_space<vmem>>
        tpu.wait_dma2 semaphore(%run_scoped3A_227 : memref<!tpu.dma_semaphore, #tpu.memory_space<semaphore_mem>>) src(%dma_wait3A_251 : memref<40x128xf32, #tpu.memory_space<vmem>>) dst(%dma_wait3A_247 : memref<40x128xf32, #tpu.memory_space<vmem_shared>>)
        tpu.yield
      }) : () -> ()
      %add3A_170 = arith.constant 240 : i32
      %add3A_171 = arith.addi %mul3A_3, %add3A_170 : i32
      %run_scoped3A_172 = arith.constant 0 : i32
      "tpu.region"() ({
        %run_scoped3A_227 = tpu.sem_alloc : memref<!tpu.dma_semaphore, #tpu.memory_space<semaphore_mem>>
        %dma_start3A_228 = arith.constant 0 : i32
        %dma_start3A_229 = arith.constant 0 : i32
        %dma_start3A_230 = tpu.memref_slice %arg10[%run_scoped3A_172, %dma_start3A_228, %dma_start3A_229] : memref<2x80x128xf32, #tpu.memory_space<vmem>> -> memref<1x40x128xf32, #tpu.memory_space<vmem>>
        %dma_start3A_231 = tpu.memref_squeeze %dma_start3A_230 : memref<1x40x128xf32, #tpu.memory_space<vmem>> -> memref<40x128xf32, #tpu.memory_space<vmem>>
        %dma_start3A_232 = arith.constant 0 : i32
        %dma_start3A_233 = tpu.memref_slice %arg13[%add3A_171, %dma_start3A_232] : memref<10000x128xf32, #tpu.memory_space<vmem_shared>> -> memref<40x128xf32, #tpu.memory_space<vmem_shared>>
        %dma_start3A_234 = arith.constant 0 : i32
        %dma_start3A_235 = tpu.memref_slice %arg13[%add3A_171, %dma_start3A_234] : memref<10000x128xf32, #tpu.memory_space<vmem_shared>> -> memref<40x128xf32, #tpu.memory_space<vmem_shared>>
        %dma_start3A_236 = arith.constant 0 : i32
        %dma_start3A_237 = arith.constant 0 : i32
        %dma_start3A_238 = tpu.memref_slice %arg10[%run_scoped3A_172, %dma_start3A_236, %dma_start3A_237] : memref<2x80x128xf32, #tpu.memory_space<vmem>> -> memref<1x40x128xf32, #tpu.memory_space<vmem>>
        %dma_start3A_239 = tpu.memref_squeeze %dma_start3A_238 : memref<1x40x128xf32, #tpu.memory_space<vmem>> -> memref<40x128xf32, #tpu.memory_space<vmem>>
        tpu.enqueue_dma source(%dma_start3A_239 : memref<40x128xf32, #tpu.memory_space<vmem>>) target(%dma_start3A_235 : memref<40x128xf32, #tpu.memory_space<vmem_shared>>) target_semaphore(%run_scoped3A_227 : memref<!tpu.dma_semaphore, #tpu.memory_space<semaphore_mem>>)
        %dma_wait3A_240 = arith.constant 0 : i32
        %dma_wait3A_241 = arith.constant 0 : i32
        %dma_wait3A_242 = tpu.memref_slice %arg10[%run_scoped3A_172, %dma_wait3A_240, %dma_wait3A_241] : memref<2x80x128xf32, #tpu.memory_space<vmem>> -> memref<1x40x128xf32, #tpu.memory_space<vmem>>
        %dma_wait3A_243 = tpu.memref_squeeze %dma_wait3A_242 : memref<1x40x128xf32, #tpu.memory_space<vmem>> -> memref<40x128xf32, #tpu.memory_space<vmem>>
        %dma_wait3A_244 = arith.constant 0 : i32
        %dma_wait3A_245 = tpu.memref_slice %arg13[%add3A_171, %dma_wait3A_244] : memref<10000x128xf32, #tpu.memory_space<vmem_shared>> -> memref<40x128xf32, #tpu.memory_space<vmem_shared>>
        %dma_wait3A_246 = arith.constant 0 : i32
        %dma_wait3A_247 = tpu.memref_slice %arg13[%add3A_171, %dma_wait3A_246] : memref<10000x128xf32, #tpu.memory_space<vmem_shared>> -> memref<40x128xf32, #tpu.memory_space<vmem_shared>>
        %dma_wait3A_248 = arith.constant 0 : i32
        %dma_wait3A_249 = arith.constant 0 : i32
        %dma_wait3A_250 = tpu.memref_slice %arg10[%run_scoped3A_172, %dma_wait3A_248, %dma_wait3A_249] : memref<2x80x128xf32, #tpu.memory_space<vmem>> -> memref<1x40x128xf32, #tpu.memory_space<vmem>>
        %dma_wait3A_251 = tpu.memref_squeeze %dma_wait3A_250 : memref<1x40x128xf32, #tpu.memory_space<vmem>> -> memref<40x128xf32, #tpu.memory_space<vmem>>
        tpu.wait_dma2 semaphore(%run_scoped3A_227 : memref<!tpu.dma_semaphore, #tpu.memory_space<semaphore_mem>>) src(%dma_wait3A_251 : memref<40x128xf32, #tpu.memory_space<vmem>>) dst(%dma_wait3A_247 : memref<40x128xf32, #tpu.memory_space<vmem_shared>>)
        tpu.yield
      }) : () -> ()
      %add3A_173 = arith.constant 280 : i32
      %add3A_174 = arith.addi %mul3A_3, %add3A_173 : i32
      %run_scoped3A_175 = arith.constant 0 : i32
      "tpu.region"() ({
        %run_scoped3A_227 = tpu.sem_alloc : memref<!tpu.dma_semaphore, #tpu.memory_space<semaphore_mem>>
        %dma_start3A_228 = arith.constant 0 : i32
        %dma_start3A_229 = arith.constant 0 : i32
        %dma_start3A_230 = tpu.memref_slice %arg10[%run_scoped3A_175, %dma_start3A_228, %dma_start3A_229] : memref<2x80x128xf32, #tpu.memory_space<vmem>> -> memref<1x40x128xf32, #tpu.memory_space<vmem>>
        %dma_start3A_231 = tpu.memref_squeeze %dma_start3A_230 : memref<1x40x128xf32, #tpu.memory_space<vmem>> -> memref<40x128xf32, #tpu.memory_space<vmem>>
        %dma_start3A_232 = arith.constant 0 : i32
        %dma_start3A_233 = tpu.memref_slice %arg13[%add3A_174, %dma_start3A_232] : memref<10000x128xf32, #tpu.memory_space<vmem_shared>> -> memref<40x128xf32, #tpu.memory_space<vmem_shared>>
        %dma_start3A_234 = arith.constant 0 : i32
        %dma_start3A_235 = tpu.memref_slice %arg13[%add3A_174, %dma_start3A_234] : memref<10000x128xf32, #tpu.memory_space<vmem_shared>> -> memref<40x128xf32, #tpu.memory_space<vmem_shared>>
        %dma_start3A_236 = arith.constant 0 : i32
        %dma_start3A_237 = arith.constant 0 : i32
        %dma_start3A_238 = tpu.memref_slice %arg10[%run_scoped3A_175, %dma_start3A_236, %dma_start3A_237] : memref<2x80x128xf32, #tpu.memory_space<vmem>> -> memref<1x40x128xf32, #tpu.memory_space<vmem>>
        %dma_start3A_239 = tpu.memref_squeeze %dma_start3A_238 : memref<1x40x128xf32, #tpu.memory_space<vmem>> -> memref<40x128xf32, #tpu.memory_space<vmem>>
        tpu.enqueue_dma source(%dma_start3A_239 : memref<40x128xf32, #tpu.memory_space<vmem>>) target(%dma_start3A_235 : memref<40x128xf32, #tpu.memory_space<vmem_shared>>) target_semaphore(%run_scoped3A_227 : memref<!tpu.dma_semaphore, #tpu.memory_space<semaphore_mem>>)
        %dma_wait3A_240 = arith.constant 0 : i32
        %dma_wait3A_241 = arith.constant 0 : i32
        %dma_wait3A_242 = tpu.memref_slice %arg10[%run_scoped3A_175, %dma_wait3A_240, %dma_wait3A_241] : memref<2x80x128xf32, #tpu.memory_space<vmem>> -> memref<1x40x128xf32, #tpu.memory_space<vmem>>
        %dma_wait3A_243 = tpu.memref_squeeze %dma_wait3A_242 : memref<1x40x128xf32, #tpu.memory_space<vmem>> -> memref<40x128xf32, #tpu.memory_space<vmem>>
        %dma_wait3A_244 = arith.constant 0 : i32
        %dma_wait3A_245 = tpu.memref_slice %arg13[%add3A_174, %dma_wait3A_244] : memref<10000x128xf32, #tpu.memory_space<vmem_shared>> -> memref<40x128xf32, #tpu.memory_space<vmem_shared>>
        %dma_wait3A_246 = arith.constant 0 : i32
        %dma_wait3A_247 = tpu.memref_slice %arg13[%add3A_174, %dma_wait3A_246] : memref<10000x128xf32, #tpu.memory_space<vmem_shared>> -> memref<40x128xf32, #tpu.memory_space<vmem_shared>>
        %dma_wait3A_248 = arith.constant 0 : i32
        %dma_wait3A_249 = arith.constant 0 : i32
        %dma_wait3A_250 = tpu.memref_slice %arg10[%run_scoped3A_175, %dma_wait3A_248, %dma_wait3A_249] : memref<2x80x128xf32, #tpu.memory_space<vmem>> -> memref<1x40x128xf32, #tpu.memory_space<vmem>>
        %dma_wait3A_251 = tpu.memref_squeeze %dma_wait3A_250 : memref<1x40x128xf32, #tpu.memory_space<vmem>> -> memref<40x128xf32, #tpu.memory_space<vmem>>
        tpu.wait_dma2 semaphore(%run_scoped3A_227 : memref<!tpu.dma_semaphore, #tpu.memory_space<semaphore_mem>>) src(%dma_wait3A_251 : memref<40x128xf32, #tpu.memory_space<vmem>>) dst(%dma_wait3A_247 : memref<40x128xf32, #tpu.memory_space<vmem_shared>>)
        tpu.yield
      }) : () -> ()
      %add3A_176 = arith.constant 320 : i32
      %add3A_177 = arith.addi %mul3A_3, %add3A_176 : i32
      %run_scoped3A_178 = arith.constant 0 : i32
      "tpu.region"() ({
        %run_scoped3A_227 = tpu.sem_alloc : memref<!tpu.dma_semaphore, #tpu.memory_space<semaphore_mem>>
        %dma_start3A_228 = arith.constant 0 : i32
        %dma_start3A_229 = arith.constant 0 : i32
        %dma_start3A_230 = tpu.memref_slice %arg10[%run_scoped3A_178, %dma_start3A_228, %dma_start3A_229] : memref<2x80x128xf32, #tpu.memory_space<vmem>> -> memref<1x40x128xf32, #tpu.memory_space<vmem>>
        %dma_start3A_231 = tpu.memref_squeeze %dma_start3A_230 : memref<1x40x128xf32, #tpu.memory_space<vmem>> -> memref<40x128xf32, #tpu.memory_space<vmem>>
        %dma_start3A_232 = arith.constant 0 : i32
        %dma_start3A_233 = tpu.memref_slice %arg13[%add3A_177, %dma_start3A_232] : memref<10000x128xf32, #tpu.memory_space<vmem_shared>> -> memref<40x128xf32, #tpu.memory_space<vmem_shared>>
        %dma_start3A_234 = arith.constant 0 : i32
        %dma_start3A_235 = tpu.memref_slice %arg13[%add3A_177, %dma_start3A_234] : memref<10000x128xf32, #tpu.memory_space<vmem_shared>> -> memref<40x128xf32, #tpu.memory_space<vmem_shared>>
        %dma_start3A_236 = arith.constant 0 : i32
        %dma_start3A_237 = arith.constant 0 : i32
        %dma_start3A_238 = tpu.memref_slice %arg10[%run_scoped3A_178, %dma_start3A_236, %dma_start3A_237] : memref<2x80x128xf32, #tpu.memory_space<vmem>> -> memref<1x40x128xf32, #tpu.memory_space<vmem>>
        %dma_start3A_239 = tpu.memref_squeeze %dma_start3A_238 : memref<1x40x128xf32, #tpu.memory_space<vmem>> -> memref<40x128xf32, #tpu.memory_space<vmem>>
        tpu.enqueue_dma source(%dma_start3A_239 : memref<40x128xf32, #tpu.memory_space<vmem>>) target(%dma_start3A_235 : memref<40x128xf32, #tpu.memory_space<vmem_shared>>) target_semaphore(%run_scoped3A_227 : memref<!tpu.dma_semaphore, #tpu.memory_space<semaphore_mem>>)
        %dma_wait3A_240 = arith.constant 0 : i32
        %dma_wait3A_241 = arith.constant 0 : i32
        %dma_wait3A_242 = tpu.memref_slice %arg10[%run_scoped3A_178, %dma_wait3A_240, %dma_wait3A_241] : memref<2x80x128xf32, #tpu.memory_space<vmem>> -> memref<1x40x128xf32, #tpu.memory_space<vmem>>
        %dma_wait3A_243 = tpu.memref_squeeze %dma_wait3A_242 : memref<1x40x128xf32, #tpu.memory_space<vmem>> -> memref<40x128xf32, #tpu.memory_space<vmem>>
        %dma_wait3A_244 = arith.constant 0 : i32
        %dma_wait3A_245 = tpu.memref_slice %arg13[%add3A_177, %dma_wait3A_244] : memref<10000x128xf32, #tpu.memory_space<vmem_shared>> -> memref<40x128xf32, #tpu.memory_space<vmem_shared>>
        %dma_wait3A_246 = arith.constant 0 : i32
        %dma_wait3A_247 = tpu.memref_slice %arg13[%add3A_177, %dma_wait3A_246] : memref<10000x128xf32, #tpu.memory_space<vmem_shared>> -> memref<40x128xf32, #tpu.memory_space<vmem_shared>>
        %dma_wait3A_248 = arith.constant 0 : i32
        %dma_wait3A_249 = arith.constant 0 : i32
        %dma_wait3A_250 = tpu.memref_slice %arg10[%run_scoped3A_178, %dma_wait3A_248, %dma_wait3A_249] : memref<2x80x128xf32, #tpu.memory_space<vmem>> -> memref<1x40x128xf32, #tpu.memory_space<vmem>>
        %dma_wait3A_251 = tpu.memref_squeeze %dma_wait3A_250 : memref<1x40x128xf32, #tpu.memory_space<vmem>> -> memref<40x128xf32, #tpu.memory_space<vmem>>
        tpu.wait_dma2 semaphore(%run_scoped3A_227 : memref<!tpu.dma_semaphore, #tpu.memory_space<semaphore_mem>>) src(%dma_wait3A_251 : memref<40x128xf32, #tpu.memory_space<vmem>>) dst(%dma_wait3A_247 : memref<40x128xf32, #tpu.memory_space<vmem_shared>>)
        tpu.yield
      }) : () -> ()
      %add3A_179 = arith.constant 360 : i32
      %add3A_180 = arith.addi %mul3A_3, %add3A_179 : i32
      %run_scoped3A_181 = arith.constant 0 : i32
      "tpu.region"() ({
        %run_scoped3A_227 = tpu.sem_alloc : memref<!tpu.dma_semaphore, #tpu.memory_space<semaphore_mem>>
        %dma_start3A_228 = arith.constant 0 : i32
        %dma_start3A_229 = arith.constant 0 : i32
        %dma_start3A_230 = tpu.memref_slice %arg10[%run_scoped3A_181, %dma_start3A_228, %dma_start3A_229] : memref<2x80x128xf32, #tpu.memory_space<vmem>> -> memref<1x40x128xf32, #tpu.memory_space<vmem>>
        %dma_start3A_231 = tpu.memref_squeeze %dma_start3A_230 : memref<1x40x128xf32, #tpu.memory_space<vmem>> -> memref<40x128xf32, #tpu.memory_space<vmem>>
        %dma_start3A_232 = arith.constant 0 : i32
        %dma_start3A_233 = tpu.memref_slice %arg13[%add3A_180, %dma_start3A_232] : memref<10000x128xf32, #tpu.memory_space<vmem_shared>> -> memref<40x128xf32, #tpu.memory_space<vmem_shared>>
        %dma_start3A_234 = arith.constant 0 : i32
        %dma_start3A_235 = tpu.memref_slice %arg13[%add3A_180, %dma_start3A_234] : memref<10000x128xf32, #tpu.memory_space<vmem_shared>> -> memref<40x128xf32, #tpu.memory_space<vmem_shared>>
        %dma_start3A_236 = arith.constant 0 : i32
        %dma_start3A_237 = arith.constant 0 : i32
        %dma_start3A_238 = tpu.memref_slice %arg10[%run_scoped3A_181, %dma_start3A_236, %dma_start3A_237] : memref<2x80x128xf32, #tpu.memory_space<vmem>> -> memref<1x40x128xf32, #tpu.memory_space<vmem>>
        %dma_start3A_239 = tpu.memref_squeeze %dma_start3A_238 : memref<1x40x128xf32, #tpu.memory_space<vmem>> -> memref<40x128xf32, #tpu.memory_space<vmem>>
        tpu.enqueue_dma source(%dma_start3A_239 : memref<40x128xf32, #tpu.memory_space<vmem>>) target(%dma_start3A_235 : memref<40x128xf32, #tpu.memory_space<vmem_shared>>) target_semaphore(%run_scoped3A_227 : memref<!tpu.dma_semaphore, #tpu.memory_space<semaphore_mem>>)
        %dma_wait3A_240 = arith.constant 0 : i32
        %dma_wait3A_241 = arith.constant 0 : i32
        %dma_wait3A_242 = tpu.memref_slice %arg10[%run_scoped3A_181, %dma_wait3A_240, %dma_wait3A_241] : memref<2x80x128xf32, #tpu.memory_space<vmem>> -> memref<1x40x128xf32, #tpu.memory_space<vmem>>
        %dma_wait3A_243 = tpu.memref_squeeze %dma_wait3A_242 : memref<1x40x128xf32, #tpu.memory_space<vmem>> -> memref<40x128xf32, #tpu.memory_space<vmem>>
        %dma_wait3A_244 = arith.constant 0 : i32
        %dma_wait3A_245 = tpu.memref_slice %arg13[%add3A_180, %dma_wait3A_244] : memref<10000x128xf32, #tpu.memory_space<vmem_shared>> -> memref<40x128xf32, #tpu.memory_space<vmem_shared>>
        %dma_wait3A_246 = arith.constant 0 : i32
        %dma_wait3A_247 = tpu.memref_slice %arg13[%add3A_180, %dma_wait3A_246] : memref<10000x128xf32, #tpu.memory_space<vmem_shared>> -> memref<40x128xf32, #tpu.memory_space<vmem_shared>>
        %dma_wait3A_248 = arith.constant 0 : i32
        %dma_wait3A_249 = arith.constant 0 : i32
        %dma_wait3A_250 = tpu.memref_slice %arg10[%run_scoped3A_181, %dma_wait3A_248, %dma_wait3A_249] : memref<2x80x128xf32, #tpu.memory_space<vmem>> -> memref<1x40x128xf32, #tpu.memory_space<vmem>>
        %dma_wait3A_251 = tpu.memref_squeeze %dma_wait3A_250 : memref<1x40x128xf32, #tpu.memory_space<vmem>> -> memref<40x128xf32, #tpu.memory_space<vmem>>
        tpu.wait_dma2 semaphore(%run_scoped3A_227 : memref<!tpu.dma_semaphore, #tpu.memory_space<semaphore_mem>>) src(%dma_wait3A_251 : memref<40x128xf32, #tpu.memory_space<vmem>>) dst(%dma_wait3A_247 : memref<40x128xf32, #tpu.memory_space<vmem_shared>>)
        tpu.yield
      }) : () -> ()
      %add3A_182 = arith.constant 400 : i32
      %add3A_183 = arith.addi %mul3A_3, %add3A_182 : i32
      %run_scoped3A_184 = arith.constant 0 : i32
      "tpu.region"() ({
        %run_scoped3A_227 = tpu.sem_alloc : memref<!tpu.dma_semaphore, #tpu.memory_space<semaphore_mem>>
        %dma_start3A_228 = arith.constant 0 : i32
        %dma_start3A_229 = arith.constant 0 : i32
        %dma_start3A_230 = tpu.memref_slice %arg10[%run_scoped3A_184, %dma_start3A_228, %dma_start3A_229] : memref<2x80x128xf32, #tpu.memory_space<vmem>> -> memref<1x40x128xf32, #tpu.memory_space<vmem>>
        %dma_start3A_231 = tpu.memref_squeeze %dma_start3A_230 : memref<1x40x128xf32, #tpu.memory_space<vmem>> -> memref<40x128xf32, #tpu.memory_space<vmem>>
        %dma_start3A_232 = arith.constant 0 : i32
        %dma_start3A_233 = tpu.memref_slice %arg13[%add3A_183, %dma_start3A_232] : memref<10000x128xf32, #tpu.memory_space<vmem_shared>> -> memref<40x128xf32, #tpu.memory_space<vmem_shared>>
        %dma_start3A_234 = arith.constant 0 : i32
        %dma_start3A_235 = tpu.memref_slice %arg13[%add3A_183, %dma_start3A_234] : memref<10000x128xf32, #tpu.memory_space<vmem_shared>> -> memref<40x128xf32, #tpu.memory_space<vmem_shared>>
        %dma_start3A_236 = arith.constant 0 : i32
        %dma_start3A_237 = arith.constant 0 : i32
        %dma_start3A_238 = tpu.memref_slice %arg10[%run_scoped3A_184, %dma_start3A_236, %dma_start3A_237] : memref<2x80x128xf32, #tpu.memory_space<vmem>> -> memref<1x40x128xf32, #tpu.memory_space<vmem>>
        %dma_start3A_239 = tpu.memref_squeeze %dma_start3A_238 : memref<1x40x128xf32, #tpu.memory_space<vmem>> -> memref<40x128xf32, #tpu.memory_space<vmem>>
        tpu.enqueue_dma source(%dma_start3A_239 : memref<40x128xf32, #tpu.memory_space<vmem>>) target(%dma_start3A_235 : memref<40x128xf32, #tpu.memory_space<vmem_shared>>) target_semaphore(%run_scoped3A_227 : memref<!tpu.dma_semaphore, #tpu.memory_space<semaphore_mem>>)
        %dma_wait3A_240 = arith.constant 0 : i32
        %dma_wait3A_241 = arith.constant 0 : i32
        %dma_wait3A_242 = tpu.memref_slice %arg10[%run_scoped3A_184, %dma_wait3A_240, %dma_wait3A_241] : memref<2x80x128xf32, #tpu.memory_space<vmem>> -> memref<1x40x128xf32, #tpu.memory_space<vmem>>
        %dma_wait3A_243 = tpu.memref_squeeze %dma_wait3A_242 : memref<1x40x128xf32, #tpu.memory_space<vmem>> -> memref<40x128xf32, #tpu.memory_space<vmem>>
        %dma_wait3A_244 = arith.constant 0 : i32
        %dma_wait3A_245 = tpu.memref_slice %arg13[%add3A_183, %dma_wait3A_244] : memref<10000x128xf32, #tpu.memory_space<vmem_shared>> -> memref<40x128xf32, #tpu.memory_space<vmem_shared>>
        %dma_wait3A_246 = arith.constant 0 : i32
        %dma_wait3A_247 = tpu.memref_slice %arg13[%add3A_183, %dma_wait3A_246] : memref<10000x128xf32, #tpu.memory_space<vmem_shared>> -> memref<40x128xf32, #tpu.memory_space<vmem_shared>>
        %dma_wait3A_248 = arith.constant 0 : i32
        %dma_wait3A_249 = arith.constant 0 : i32
        %dma_wait3A_250 = tpu.memref_slice %arg10[%run_scoped3A_184, %dma_wait3A_248, %dma_wait3A_249] : memref<2x80x128xf32, #tpu.memory_space<vmem>> -> memref<1x40x128xf32, #tpu.memory_space<vmem>>
        %dma_wait3A_251 = tpu.memref_squeeze %dma_wait3A_250 : memref<1x40x128xf32, #tpu.memory_space<vmem>> -> memref<40x128xf32, #tpu.memory_space<vmem>>
        tpu.wait_dma2 semaphore(%run_scoped3A_227 : memref<!tpu.dma_semaphore, #tpu.memory_space<semaphore_mem>>) src(%dma_wait3A_251 : memref<40x128xf32, #tpu.memory_space<vmem>>) dst(%dma_wait3A_247 : memref<40x128xf32, #tpu.memory_space<vmem_shared>>)
        tpu.yield
      }) : () -> ()
      %add3A_185 = arith.constant 440 : i32
      %add3A_186 = arith.addi %mul3A_3, %add3A_185 : i32
      %run_scoped3A_187 = arith.constant 0 : i32
      "tpu.region"() ({
        %run_scoped3A_227 = tpu.sem_alloc : memref<!tpu.dma_semaphore, #tpu.memory_space<semaphore_mem>>
        %dma_start3A_228 = arith.constant 0 : i32
        %dma_start3A_229 = arith.constant 0 : i32
        %dma_start3A_230 = tpu.memref_slice %arg10[%run_scoped3A_187, %dma_start3A_228, %dma_start3A_229] : memref<2x80x128xf32, #tpu.memory_space<vmem>> -> memref<1x40x128xf32, #tpu.memory_space<vmem>>
        %dma_start3A_231 = tpu.memref_squeeze %dma_start3A_230 : memref<1x40x128xf32, #tpu.memory_space<vmem>> -> memref<40x128xf32, #tpu.memory_space<vmem>>
        %dma_start3A_232 = arith.constant 0 : i32
        %dma_start3A_233 = tpu.memref_slice %arg13[%add3A_186, %dma_start3A_232] : memref<10000x128xf32, #tpu.memory_space<vmem_shared>> -> memref<40x128xf32, #tpu.memory_space<vmem_shared>>
        %dma_start3A_234 = arith.constant 0 : i32
        %dma_start3A_235 = tpu.memref_slice %arg13[%add3A_186, %dma_start3A_234] : memref<10000x128xf32, #tpu.memory_space<vmem_shared>> -> memref<40x128xf32, #tpu.memory_space<vmem_shared>>
        %dma_start3A_236 = arith.constant 0 : i32
        %dma_start3A_237 = arith.constant 0 : i32
        %dma_start3A_238 = tpu.memref_slice %arg10[%run_scoped3A_187, %dma_start3A_236, %dma_start3A_237] : memref<2x80x128xf32, #tpu.memory_space<vmem>> -> memref<1x40x128xf32, #tpu.memory_space<vmem>>
        %dma_start3A_239 = tpu.memref_squeeze %dma_start3A_238 : memref<1x40x128xf32, #tpu.memory_space<vmem>> -> memref<40x128xf32, #tpu.memory_space<vmem>>
        tpu.enqueue_dma source(%dma_start3A_239 : memref<40x128xf32, #tpu.memory_space<vmem>>) target(%dma_start3A_235 : memref<40x128xf32, #tpu.memory_space<vmem_shared>>) target_semaphore(%run_scoped3A_227 : memref<!tpu.dma_semaphore, #tpu.memory_space<semaphore_mem>>)
        %dma_wait3A_240 = arith.constant 0 : i32
        %dma_wait3A_241 = arith.constant 0 : i32
        %dma_wait3A_242 = tpu.memref_slice %arg10[%run_scoped3A_187, %dma_wait3A_240, %dma_wait3A_241] : memref<2x80x128xf32, #tpu.memory_space<vmem>> -> memref<1x40x128xf32, #tpu.memory_space<vmem>>
        %dma_wait3A_243 = tpu.memref_squeeze %dma_wait3A_242 : memref<1x40x128xf32, #tpu.memory_space<vmem>> -> memref<40x128xf32, #tpu.memory_space<vmem>>
        %dma_wait3A_244 = arith.constant 0 : i32
        %dma_wait3A_245 = tpu.memref_slice %arg13[%add3A_186, %dma_wait3A_244] : memref<10000x128xf32, #tpu.memory_space<vmem_shared>> -> memref<40x128xf32, #tpu.memory_space<vmem_shared>>
        %dma_wait3A_246 = arith.constant 0 : i32
        %dma_wait3A_247 = tpu.memref_slice %arg13[%add3A_186, %dma_wait3A_246] : memref<10000x128xf32, #tpu.memory_space<vmem_shared>> -> memref<40x128xf32, #tpu.memory_space<vmem_shared>>
        %dma_wait3A_248 = arith.constant 0 : i32
        %dma_wait3A_249 = arith.constant 0 : i32
        %dma_wait3A_250 = tpu.memref_slice %arg10[%run_scoped3A_187, %dma_wait3A_248, %dma_wait3A_249] : memref<2x80x128xf32, #tpu.memory_space<vmem>> -> memref<1x40x128xf32, #tpu.memory_space<vmem>>
        %dma_wait3A_251 = tpu.memref_squeeze %dma_wait3A_250 : memref<1x40x128xf32, #tpu.memory_space<vmem>> -> memref<40x128xf32, #tpu.memory_space<vmem>>
        tpu.wait_dma2 semaphore(%run_scoped3A_227 : memref<!tpu.dma_semaphore, #tpu.memory_space<semaphore_mem>>) src(%dma_wait3A_251 : memref<40x128xf32, #tpu.memory_space<vmem>>) dst(%dma_wait3A_247 : memref<40x128xf32, #tpu.memory_space<vmem_shared>>)
        tpu.yield
      }) : () -> ()
      %add3A_188 = arith.constant 480 : i32
      %add3A_189 = arith.addi %mul3A_3, %add3A_188 : i32
      %run_scoped3A_190 = arith.constant 0 : i32
      "tpu.region"() ({
        %run_scoped3A_227 = tpu.sem_alloc : memref<!tpu.dma_semaphore, #tpu.memory_space<semaphore_mem>>
        %dma_start3A_228 = arith.constant 0 : i32
        %dma_start3A_229 = arith.constant 0 : i32
        %dma_start3A_230 = tpu.memref_slice %arg10[%run_scoped3A_190, %dma_start3A_228, %dma_start3A_229] : memref<2x80x128xf32, #tpu.memory_space<vmem>> -> memref<1x40x128xf32, #tpu.memory_space<vmem>>
        %dma_start3A_231 = tpu.memref_squeeze %dma_start3A_230 : memref<1x40x128xf32, #tpu.memory_space<vmem>> -> memref<40x128xf32, #tpu.memory_space<vmem>>
        %dma_start3A_232 = arith.constant 0 : i32
        %dma_start3A_233 = tpu.memref_slice %arg13[%add3A_189, %dma_start3A_232] : memref<10000x128xf32, #tpu.memory_space<vmem_shared>> -> memref<40x128xf32, #tpu.memory_space<vmem_shared>>
        %dma_start3A_234 = arith.constant 0 : i32
        %dma_start3A_235 = tpu.memref_slice %arg13[%add3A_189, %dma_start3A_234] : memref<10000x128xf32, #tpu.memory_space<vmem_shared>> -> memref<40x128xf32, #tpu.memory_space<vmem_shared>>
        %dma_start3A_236 = arith.constant 0 : i32
        %dma_start3A_237 = arith.constant 0 : i32
        %dma_start3A_238 = tpu.memref_slice %arg10[%run_scoped3A_190, %dma_start3A_236, %dma_start3A_237] : memref<2x80x128xf32, #tpu.memory_space<vmem>> -> memref<1x40x128xf32, #tpu.memory_space<vmem>>
        %dma_start3A_239 = tpu.memref_squeeze %dma_start3A_238 : memref<1x40x128xf32, #tpu.memory_space<vmem>> -> memref<40x128xf32, #tpu.memory_space<vmem>>
        tpu.enqueue_dma source(%dma_start3A_239 : memref<40x128xf32, #tpu.memory_space<vmem>>) target(%dma_start3A_235 : memref<40x128xf32, #tpu.memory_space<vmem_shared>>) target_semaphore(%run_scoped3A_227 : memref<!tpu.dma_semaphore, #tpu.memory_space<semaphore_mem>>)
        %dma_wait3A_240 = arith.constant 0 : i32
        %dma_wait3A_241 = arith.constant 0 : i32
        %dma_wait3A_242 = tpu.memref_slice %arg10[%run_scoped3A_190, %dma_wait3A_240, %dma_wait3A_241] : memref<2x80x128xf32, #tpu.memory_space<vmem>> -> memref<1x40x128xf32, #tpu.memory_space<vmem>>
        %dma_wait3A_243 = tpu.memref_squeeze %dma_wait3A_242 : memref<1x40x128xf32, #tpu.memory_space<vmem>> -> memref<40x128xf32, #tpu.memory_space<vmem>>
        %dma_wait3A_244 = arith.constant 0 : i32
        %dma_wait3A_245 = tpu.memref_slice %arg13[%add3A_189, %dma_wait3A_244] : memref<10000x128xf32, #tpu.memory_space<vmem_shared>> -> memref<40x128xf32, #tpu.memory_space<vmem_shared>>
        %dma_wait3A_246 = arith.constant 0 : i32
        %dma_wait3A_247 = tpu.memref_slice %arg13[%add3A_189, %dma_wait3A_246] : memref<10000x128xf32, #tpu.memory_space<vmem_shared>> -> memref<40x128xf32, #tpu.memory_space<vmem_shared>>
        %dma_wait3A_248 = arith.constant 0 : i32
        %dma_wait3A_249 = arith.constant 0 : i32
        %dma_wait3A_250 = tpu.memref_slice %arg10[%run_scoped3A_190, %dma_wait3A_248, %dma_wait3A_249] : memref<2x80x128xf32, #tpu.memory_space<vmem>> -> memref<1x40x128xf32, #tpu.memory_space<vmem>>
        %dma_wait3A_251 = tpu.memref_squeeze %dma_wait3A_250 : memref<1x40x128xf32, #tpu.memory_space<vmem>> -> memref<40x128xf32, #tpu.memory_space<vmem>>
        tpu.wait_dma2 semaphore(%run_scoped3A_227 : memref<!tpu.dma_semaphore, #tpu.memory_space<semaphore_mem>>) src(%dma_wait3A_251 : memref<40x128xf32, #tpu.memory_space<vmem>>) dst(%dma_wait3A_247 : memref<40x128xf32, #tpu.memory_space<vmem_shared>>)
        tpu.yield
      }) : () -> ()
      %add3A_191 = arith.constant 520 : i32
      %add3A_192 = arith.addi %mul3A_3, %add3A_191 : i32
      %run_scoped3A_193 = arith.constant 0 : i32
      "tpu.region"() ({
        %run_scoped3A_227 = tpu.sem_alloc : memref<!tpu.dma_semaphore, #tpu.memory_space<semaphore_mem>>
        %dma_start3A_228 = arith.constant 0 : i32
        %dma_start3A_229 = arith.constant 0 : i32
        %dma_start3A_230 = tpu.memref_slice %arg10[%run_scoped3A_193, %dma_start3A_228, %dma_start3A_229] : memref<2x80x128xf32, #tpu.memory_space<vmem>> -> memref<1x40x128xf32, #tpu.memory_space<vmem>>
        %dma_start3A_231 = tpu.memref_squeeze %dma_start3A_230 : memref<1x40x128xf32, #tpu.memory_space<vmem>> -> memref<40x128xf32, #tpu.memory_space<vmem>>
        %dma_start3A_232 = arith.constant 0 : i32
        %dma_start3A_233 = tpu.memref_slice %arg13[%add3A_192, %dma_start3A_232] : memref<10000x128xf32, #tpu.memory_space<vmem_shared>> -> memref<40x128xf32, #tpu.memory_space<vmem_shared>>
        %dma_start3A_234 = arith.constant 0 : i32
        %dma_start3A_235 = tpu.memref_slice %arg13[%add3A_192, %dma_start3A_234] : memref<10000x128xf32, #tpu.memory_space<vmem_shared>> -> memref<40x128xf32, #tpu.memory_space<vmem_shared>>
        %dma_start3A_236 = arith.constant 0 : i32
        %dma_start3A_237 = arith.constant 0 : i32
        %dma_start3A_238 = tpu.memref_slice %arg10[%run_scoped3A_193, %dma_start3A_236, %dma_start3A_237] : memref<2x80x128xf32, #tpu.memory_space<vmem>> -> memref<1x40x128xf32, #tpu.memory_space<vmem>>
        %dma_start3A_239 = tpu.memref_squeeze %dma_start3A_238 : memref<1x40x128xf32, #tpu.memory_space<vmem>> -> memref<40x128xf32, #tpu.memory_space<vmem>>
        tpu.enqueue_dma source(%dma_start3A_239 : memref<40x128xf32, #tpu.memory_space<vmem>>) target(%dma_start3A_235 : memref<40x128xf32, #tpu.memory_space<vmem_shared>>) target_semaphore(%run_scoped3A_227 : memref<!tpu.dma_semaphore, #tpu.memory_space<semaphore_mem>>)
        %dma_wait3A_240 = arith.constant 0 : i32
        %dma_wait3A_241 = arith.constant 0 : i32
        %dma_wait3A_242 = tpu.memref_slice %arg10[%run_scoped3A_193, %dma_wait3A_240, %dma_wait3A_241] : memref<2x80x128xf32, #tpu.memory_space<vmem>> -> memref<1x40x128xf32, #tpu.memory_space<vmem>>
        %dma_wait3A_243 = tpu.memref_squeeze %dma_wait3A_242 : memref<1x40x128xf32, #tpu.memory_space<vmem>> -> memref<40x128xf32, #tpu.memory_space<vmem>>
        %dma_wait3A_244 = arith.constant 0 : i32
        %dma_wait3A_245 = tpu.memref_slice %arg13[%add3A_192, %dma_wait3A_244] : memref<10000x128xf32, #tpu.memory_space<vmem_shared>> -> memref<40x128xf32, #tpu.memory_space<vmem_shared>>
        %dma_wait3A_246 = arith.constant 0 : i32
        %dma_wait3A_247 = tpu.memref_slice %arg13[%add3A_192, %dma_wait3A_246] : memref<10000x128xf32, #tpu.memory_space<vmem_shared>> -> memref<40x128xf32, #tpu.memory_space<vmem_shared>>
        %dma_wait3A_248 = arith.constant 0 : i32
        %dma_wait3A_249 = arith.constant 0 : i32
        %dma_wait3A_250 = tpu.memref_slice %arg10[%run_scoped3A_193, %dma_wait3A_248, %dma_wait3A_249] : memref<2x80x128xf32, #tpu.memory_space<vmem>> -> memref<1x40x128xf32, #tpu.memory_space<vmem>>
        %dma_wait3A_251 = tpu.memref_squeeze %dma_wait3A_250 : memref<1x40x128xf32, #tpu.memory_space<vmem>> -> memref<40x128xf32, #tpu.memory_space<vmem>>
        tpu.wait_dma2 semaphore(%run_scoped3A_227 : memref<!tpu.dma_semaphore, #tpu.memory_space<semaphore_mem>>) src(%dma_wait3A_251 : memref<40x128xf32, #tpu.memory_space<vmem>>) dst(%dma_wait3A_247 : memref<40x128xf32, #tpu.memory_space<vmem_shared>>)
        tpu.yield
      }) : () -> ()
      %add3A_194 = arith.constant 560 : i32
      %add3A_195 = arith.addi %mul3A_3, %add3A_194 : i32
      %run_scoped3A_196 = arith.constant 0 : i32
      "tpu.region"() ({
        %run_scoped3A_227 = tpu.sem_alloc : memref<!tpu.dma_semaphore, #tpu.memory_space<semaphore_mem>>
        %dma_start3A_228 = arith.constant 0 : i32
        %dma_start3A_229 = arith.constant 0 : i32
        %dma_start3A_230 = tpu.memref_slice %arg10[%run_scoped3A_196, %dma_start3A_228, %dma_start3A_229] : memref<2x80x128xf32, #tpu.memory_space<vmem>> -> memref<1x40x128xf32, #tpu.memory_space<vmem>>
        %dma_start3A_231 = tpu.memref_squeeze %dma_start3A_230 : memref<1x40x128xf32, #tpu.memory_space<vmem>> -> memref<40x128xf32, #tpu.memory_space<vmem>>
        %dma_start3A_232 = arith.constant 0 : i32
        %dma_start3A_233 = tpu.memref_slice %arg13[%add3A_195, %dma_start3A_232] : memref<10000x128xf32, #tpu.memory_space<vmem_shared>> -> memref<40x128xf32, #tpu.memory_space<vmem_shared>>
        %dma_start3A_234 = arith.constant 0 : i32
        %dma_start3A_235 = tpu.memref_slice %arg13[%add3A_195, %dma_start3A_234] : memref<10000x128xf32, #tpu.memory_space<vmem_shared>> -> memref<40x128xf32, #tpu.memory_space<vmem_shared>>
        %dma_start3A_236 = arith.constant 0 : i32
        %dma_start3A_237 = arith.constant 0 : i32
        %dma_start3A_238 = tpu.memref_slice %arg10[%run_scoped3A_196, %dma_start3A_236, %dma_start3A_237] : memref<2x80x128xf32, #tpu.memory_space<vmem>> -> memref<1x40x128xf32, #tpu.memory_space<vmem>>
        %dma_start3A_239 = tpu.memref_squeeze %dma_start3A_238 : memref<1x40x128xf32, #tpu.memory_space<vmem>> -> memref<40x128xf32, #tpu.memory_space<vmem>>
        tpu.enqueue_dma source(%dma_start3A_239 : memref<40x128xf32, #tpu.memory_space<vmem>>) target(%dma_start3A_235 : memref<40x128xf32, #tpu.memory_space<vmem_shared>>) target_semaphore(%run_scoped3A_227 : memref<!tpu.dma_semaphore, #tpu.memory_space<semaphore_mem>>)
        %dma_wait3A_240 = arith.constant 0 : i32
        %dma_wait3A_241 = arith.constant 0 : i32
        %dma_wait3A_242 = tpu.memref_slice %arg10[%run_scoped3A_196, %dma_wait3A_240, %dma_wait3A_241] : memref<2x80x128xf32, #tpu.memory_space<vmem>> -> memref<1x40x128xf32, #tpu.memory_space<vmem>>
        %dma_wait3A_243 = tpu.memref_squeeze %dma_wait3A_242 : memref<1x40x128xf32, #tpu.memory_space<vmem>> -> memref<40x128xf32, #tpu.memory_space<vmem>>
        %dma_wait3A_244 = arith.constant 0 : i32
        %dma_wait3A_245 = tpu.memref_slice %arg13[%add3A_195, %dma_wait3A_244] : memref<10000x128xf32, #tpu.memory_space<vmem_shared>> -> memref<40x128xf32, #tpu.memory_space<vmem_shared>>
        %dma_wait3A_246 = arith.constant 0 : i32
        %dma_wait3A_247 = tpu.memref_slice %arg13[%add3A_195, %dma_wait3A_246] : memref<10000x128xf32, #tpu.memory_space<vmem_shared>> -> memref<40x128xf32, #tpu.memory_space<vmem_shared>>
        %dma_wait3A_248 = arith.constant 0 : i32
        %dma_wait3A_249 = arith.constant 0 : i32
        %dma_wait3A_250 = tpu.memref_slice %arg10[%run_scoped3A_196, %dma_wait3A_248, %dma_wait3A_249] : memref<2x80x128xf32, #tpu.memory_space<vmem>> -> memref<1x40x128xf32, #tpu.memory_space<vmem>>
        %dma_wait3A_251 = tpu.memref_squeeze %dma_wait3A_250 : memref<1x40x128xf32, #tpu.memory_space<vmem>> -> memref<40x128xf32, #tpu.memory_space<vmem>>
        tpu.wait_dma2 semaphore(%run_scoped3A_227 : memref<!tpu.dma_semaphore, #tpu.memory_space<semaphore_mem>>) src(%dma_wait3A_251 : memref<40x128xf32, #tpu.memory_space<vmem>>) dst(%dma_wait3A_247 : memref<40x128xf32, #tpu.memory_space<vmem_shared>>)
        tpu.yield
      }) : () -> ()
      %add3A_197 = arith.constant 600 : i32
      %add3A_198 = arith.addi %mul3A_3, %add3A_197 : i32
      %run_scoped3A_199 = arith.constant 0 : i32
      "tpu.region"() ({
        %run_scoped3A_227 = tpu.sem_alloc : memref<!tpu.dma_semaphore, #tpu.memory_space<semaphore_mem>>
        %dma_start3A_228 = arith.constant 0 : i32
        %dma_start3A_229 = arith.constant 0 : i32
        %dma_start3A_230 = tpu.memref_slice %arg10[%run_scoped3A_199, %dma_start3A_228, %dma_start3A_229] : memref<2x80x128xf32, #tpu.memory_space<vmem>> -> memref<1x40x128xf32, #tpu.memory_space<vmem>>
        %dma_start3A_231 = tpu.memref_squeeze %dma_start3A_230 : memref<1x40x128xf32, #tpu.memory_space<vmem>> -> memref<40x128xf32, #tpu.memory_space<vmem>>
        %dma_start3A_232 = arith.constant 0 : i32
        %dma_start3A_233 = tpu.memref_slice %arg13[%add3A_198, %dma_start3A_232] : memref<10000x128xf32, #tpu.memory_space<vmem_shared>> -> memref<40x128xf32, #tpu.memory_space<vmem_shared>>
        %dma_start3A_234 = arith.constant 0 : i32
        %dma_start3A_235 = tpu.memref_slice %arg13[%add3A_198, %dma_start3A_234] : memref<10000x128xf32, #tpu.memory_space<vmem_shared>> -> memref<40x128xf32, #tpu.memory_space<vmem_shared>>
        %dma_start3A_236 = arith.constant 0 : i32
        %dma_start3A_237 = arith.constant 0 : i32
        %dma_start3A_238 = tpu.memref_slice %arg10[%run_scoped3A_199, %dma_start3A_236, %dma_start3A_237] : memref<2x80x128xf32, #tpu.memory_space<vmem>> -> memref<1x40x128xf32, #tpu.memory_space<vmem>>
        %dma_start3A_239 = tpu.memref_squeeze %dma_start3A_238 : memref<1x40x128xf32, #tpu.memory_space<vmem>> -> memref<40x128xf32, #tpu.memory_space<vmem>>
        tpu.enqueue_dma source(%dma_start3A_239 : memref<40x128xf32, #tpu.memory_space<vmem>>) target(%dma_start3A_235 : memref<40x128xf32, #tpu.memory_space<vmem_shared>>) target_semaphore(%run_scoped3A_227 : memref<!tpu.dma_semaphore, #tpu.memory_space<semaphore_mem>>)
        %dma_wait3A_240 = arith.constant 0 : i32
        %dma_wait3A_241 = arith.constant 0 : i32
        %dma_wait3A_242 = tpu.memref_slice %arg10[%run_scoped3A_199, %dma_wait3A_240, %dma_wait3A_241] : memref<2x80x128xf32, #tpu.memory_space<vmem>> -> memref<1x40x128xf32, #tpu.memory_space<vmem>>
        %dma_wait3A_243 = tpu.memref_squeeze %dma_wait3A_242 : memref<1x40x128xf32, #tpu.memory_space<vmem>> -> memref<40x128xf32, #tpu.memory_space<vmem>>
        %dma_wait3A_244 = arith.constant 0 : i32
        %dma_wait3A_245 = tpu.memref_slice %arg13[%add3A_198, %dma_wait3A_244] : memref<10000x128xf32, #tpu.memory_space<vmem_shared>> -> memref<40x128xf32, #tpu.memory_space<vmem_shared>>
        %dma_wait3A_246 = arith.constant 0 : i32
        %dma_wait3A_247 = tpu.memref_slice %arg13[%add3A_198, %dma_wait3A_246] : memref<10000x128xf32, #tpu.memory_space<vmem_shared>> -> memref<40x128xf32, #tpu.memory_space<vmem_shared>>
        %dma_wait3A_248 = arith.constant 0 : i32
        %dma_wait3A_249 = arith.constant 0 : i32
        %dma_wait3A_250 = tpu.memref_slice %arg10[%run_scoped3A_199, %dma_wait3A_248, %dma_wait3A_249] : memref<2x80x128xf32, #tpu.memory_space<vmem>> -> memref<1x40x128xf32, #tpu.memory_space<vmem>>
        %dma_wait3A_251 = tpu.memref_squeeze %dma_wait3A_250 : memref<1x40x128xf32, #tpu.memory_space<vmem>> -> memref<40x128xf32, #tpu.memory_space<vmem>>
        tpu.wait_dma2 semaphore(%run_scoped3A_227 : memref<!tpu.dma_semaphore, #tpu.memory_space<semaphore_mem>>) src(%dma_wait3A_251 : memref<40x128xf32, #tpu.memory_space<vmem>>) dst(%dma_wait3A_247 : memref<40x128xf32, #tpu.memory_space<vmem_shared>>)
        tpu.yield
      }) : () -> ()
      %add3A_200 = arith.constant 640 : i32
      %add3A_201 = arith.addi %mul3A_3, %add3A_200 : i32
      %run_scoped3A_202 = arith.constant 0 : i32
      "tpu.region"() ({
        %run_scoped3A_227 = tpu.sem_alloc : memref<!tpu.dma_semaphore, #tpu.memory_space<semaphore_mem>>
        %dma_start3A_228 = arith.constant 0 : i32
        %dma_start3A_229 = arith.constant 0 : i32
        %dma_start3A_230 = tpu.memref_slice %arg10[%run_scoped3A_202, %dma_start3A_228, %dma_start3A_229] : memref<2x80x128xf32, #tpu.memory_space<vmem>> -> memref<1x40x128xf32, #tpu.memory_space<vmem>>
        %dma_start3A_231 = tpu.memref_squeeze %dma_start3A_230 : memref<1x40x128xf32, #tpu.memory_space<vmem>> -> memref<40x128xf32, #tpu.memory_space<vmem>>
        %dma_start3A_232 = arith.constant 0 : i32
        %dma_start3A_233 = tpu.memref_slice %arg13[%add3A_201, %dma_start3A_232] : memref<10000x128xf32, #tpu.memory_space<vmem_shared>> -> memref<40x128xf32, #tpu.memory_space<vmem_shared>>
        %dma_start3A_234 = arith.constant 0 : i32
        %dma_start3A_235 = tpu.memref_slice %arg13[%add3A_201, %dma_start3A_234] : memref<10000x128xf32, #tpu.memory_space<vmem_shared>> -> memref<40x128xf32, #tpu.memory_space<vmem_shared>>
        %dma_start3A_236 = arith.constant 0 : i32
        %dma_start3A_237 = arith.constant 0 : i32
        %dma_start3A_238 = tpu.memref_slice %arg10[%run_scoped3A_202, %dma_start3A_236, %dma_start3A_237] : memref<2x80x128xf32, #tpu.memory_space<vmem>> -> memref<1x40x128xf32, #tpu.memory_space<vmem>>
        %dma_start3A_239 = tpu.memref_squeeze %dma_start3A_238 : memref<1x40x128xf32, #tpu.memory_space<vmem>> -> memref<40x128xf32, #tpu.memory_space<vmem>>
        tpu.enqueue_dma source(%dma_start3A_239 : memref<40x128xf32, #tpu.memory_space<vmem>>) target(%dma_start3A_235 : memref<40x128xf32, #tpu.memory_space<vmem_shared>>) target_semaphore(%run_scoped3A_227 : memref<!tpu.dma_semaphore, #tpu.memory_space<semaphore_mem>>)
        %dma_wait3A_240 = arith.constant 0 : i32
        %dma_wait3A_241 = arith.constant 0 : i32
        %dma_wait3A_242 = tpu.memref_slice %arg10[%run_scoped3A_202, %dma_wait3A_240, %dma_wait3A_241] : memref<2x80x128xf32, #tpu.memory_space<vmem>> -> memref<1x40x128xf32, #tpu.memory_space<vmem>>
        %dma_wait3A_243 = tpu.memref_squeeze %dma_wait3A_242 : memref<1x40x128xf32, #tpu.memory_space<vmem>> -> memref<40x128xf32, #tpu.memory_space<vmem>>
        %dma_wait3A_244 = arith.constant 0 : i32
        %dma_wait3A_245 = tpu.memref_slice %arg13[%add3A_201, %dma_wait3A_244] : memref<10000x128xf32, #tpu.memory_space<vmem_shared>> -> memref<40x128xf32, #tpu.memory_space<vmem_shared>>
        %dma_wait3A_246 = arith.constant 0 : i32
        %dma_wait3A_247 = tpu.memref_slice %arg13[%add3A_201, %dma_wait3A_246] : memref<10000x128xf32, #tpu.memory_space<vmem_shared>> -> memref<40x128xf32, #tpu.memory_space<vmem_shared>>
        %dma_wait3A_248 = arith.constant 0 : i32
        %dma_wait3A_249 = arith.constant 0 : i32
        %dma_wait3A_250 = tpu.memref_slice %arg10[%run_scoped3A_202, %dma_wait3A_248, %dma_wait3A_249] : memref<2x80x128xf32, #tpu.memory_space<vmem>> -> memref<1x40x128xf32, #tpu.memory_space<vmem>>
        %dma_wait3A_251 = tpu.memref_squeeze %dma_wait3A_250 : memref<1x40x128xf32, #tpu.memory_space<vmem>> -> memref<40x128xf32, #tpu.memory_space<vmem>>
        tpu.wait_dma2 semaphore(%run_scoped3A_227 : memref<!tpu.dma_semaphore, #tpu.memory_space<semaphore_mem>>) src(%dma_wait3A_251 : memref<40x128xf32, #tpu.memory_space<vmem>>) dst(%dma_wait3A_247 : memref<40x128xf32, #tpu.memory_space<vmem_shared>>)
        tpu.yield
      }) : () -> ()
      %add3A_203 = arith.constant 680 : i32
      %add3A_204 = arith.addi %mul3A_3, %add3A_203 : i32
      %run_scoped3A_205 = arith.constant 0 : i32
      "tpu.region"() ({
        %run_scoped3A_227 = tpu.sem_alloc : memref<!tpu.dma_semaphore, #tpu.memory_space<semaphore_mem>>
        %dma_start3A_228 = arith.constant 0 : i32
        %dma_start3A_229 = arith.constant 0 : i32
        %dma_start3A_230 = tpu.memref_slice %arg10[%run_scoped3A_205, %dma_start3A_228, %dma_start3A_229] : memref<2x80x128xf32, #tpu.memory_space<vmem>> -> memref<1x40x128xf32, #tpu.memory_space<vmem>>
        %dma_start3A_231 = tpu.memref_squeeze %dma_start3A_230 : memref<1x40x128xf32, #tpu.memory_space<vmem>> -> memref<40x128xf32, #tpu.memory_space<vmem>>
        %dma_start3A_232 = arith.constant 0 : i32
        %dma_start3A_233 = tpu.memref_slice %arg13[%add3A_204, %dma_start3A_232] : memref<10000x128xf32, #tpu.memory_space<vmem_shared>> -> memref<40x128xf32, #tpu.memory_space<vmem_shared>>
        %dma_start3A_234 = arith.constant 0 : i32
        %dma_start3A_235 = tpu.memref_slice %arg13[%add3A_204, %dma_start3A_234] : memref<10000x128xf32, #tpu.memory_space<vmem_shared>> -> memref<40x128xf32, #tpu.memory_space<vmem_shared>>
        %dma_start3A_236 = arith.constant 0 : i32
        %dma_start3A_237 = arith.constant 0 : i32
        %dma_start3A_238 = tpu.memref_slice %arg10[%run_scoped3A_205, %dma_start3A_236, %dma_start3A_237] : memref<2x80x128xf32, #tpu.memory_space<vmem>> -> memref<1x40x128xf32, #tpu.memory_space<vmem>>
        %dma_start3A_239 = tpu.memref_squeeze %dma_start3A_238 : memref<1x40x128xf32, #tpu.memory_space<vmem>> -> memref<40x128xf32, #tpu.memory_space<vmem>>
        tpu.enqueue_dma source(%dma_start3A_239 : memref<40x128xf32, #tpu.memory_space<vmem>>) target(%dma_start3A_235 : memref<40x128xf32, #tpu.memory_space<vmem_shared>>) target_semaphore(%run_scoped3A_227 : memref<!tpu.dma_semaphore, #tpu.memory_space<semaphore_mem>>)
        %dma_wait3A_240 = arith.constant 0 : i32
        %dma_wait3A_241 = arith.constant 0 : i32
        %dma_wait3A_242 = tpu.memref_slice %arg10[%run_scoped3A_205, %dma_wait3A_240, %dma_wait3A_241] : memref<2x80x128xf32, #tpu.memory_space<vmem>> -> memref<1x40x128xf32, #tpu.memory_space<vmem>>
        %dma_wait3A_243 = tpu.memref_squeeze %dma_wait3A_242 : memref<1x40x128xf32, #tpu.memory_space<vmem>> -> memref<40x128xf32, #tpu.memory_space<vmem>>
        %dma_wait3A_244 = arith.constant 0 : i32
        %dma_wait3A_245 = tpu.memref_slice %arg13[%add3A_204, %dma_wait3A_244] : memref<10000x128xf32, #tpu.memory_space<vmem_shared>> -> memref<40x128xf32, #tpu.memory_space<vmem_shared>>
        %dma_wait3A_246 = arith.constant 0 : i32
        %dma_wait3A_247 = tpu.memref_slice %arg13[%add3A_204, %dma_wait3A_246] : memref<10000x128xf32, #tpu.memory_space<vmem_shared>> -> memref<40x128xf32, #tpu.memory_space<vmem_shared>>
        %dma_wait3A_248 = arith.constant 0 : i32
        %dma_wait3A_249 = arith.constant 0 : i32
        %dma_wait3A_250 = tpu.memref_slice %arg10[%run_scoped3A_205, %dma_wait3A_248, %dma_wait3A_249] : memref<2x80x128xf32, #tpu.memory_space<vmem>> -> memref<1x40x128xf32, #tpu.memory_space<vmem>>
        %dma_wait3A_251 = tpu.memref_squeeze %dma_wait3A_250 : memref<1x40x128xf32, #tpu.memory_space<vmem>> -> memref<40x128xf32, #tpu.memory_space<vmem>>
        tpu.wait_dma2 semaphore(%run_scoped3A_227 : memref<!tpu.dma_semaphore, #tpu.memory_space<semaphore_mem>>) src(%dma_wait3A_251 : memref<40x128xf32, #tpu.memory_space<vmem>>) dst(%dma_wait3A_247 : memref<40x128xf32, #tpu.memory_space<vmem_shared>>)
        tpu.yield
      }) : () -> ()
      %add3A_206 = arith.constant 720 : i32
      %add3A_207 = arith.addi %mul3A_3, %add3A_206 : i32
      %run_scoped3A_208 = arith.constant 0 : i32
      "tpu.region"() ({
        %run_scoped3A_227 = tpu.sem_alloc : memref<!tpu.dma_semaphore, #tpu.memory_space<semaphore_mem>>
        %dma_start3A_228 = arith.constant 0 : i32
        %dma_start3A_229 = arith.constant 0 : i32
        %dma_start3A_230 = tpu.memref_slice %arg10[%run_scoped3A_208, %dma_start3A_228, %dma_start3A_229] : memref<2x80x128xf32, #tpu.memory_space<vmem>> -> memref<1x40x128xf32, #tpu.memory_space<vmem>>
        %dma_start3A_231 = tpu.memref_squeeze %dma_start3A_230 : memref<1x40x128xf32, #tpu.memory_space<vmem>> -> memref<40x128xf32, #tpu.memory_space<vmem>>
        %dma_start3A_232 = arith.constant 0 : i32
        %dma_start3A_233 = tpu.memref_slice %arg13[%add3A_207, %dma_start3A_232] : memref<10000x128xf32, #tpu.memory_space<vmem_shared>> -> memref<40x128xf32, #tpu.memory_space<vmem_shared>>
        %dma_start3A_234 = arith.constant 0 : i32
        %dma_start3A_235 = tpu.memref_slice %arg13[%add3A_207, %dma_start3A_234] : memref<10000x128xf32, #tpu.memory_space<vmem_shared>> -> memref<40x128xf32, #tpu.memory_space<vmem_shared>>
        %dma_start3A_236 = arith.constant 0 : i32
        %dma_start3A_237 = arith.constant 0 : i32
        %dma_start3A_238 = tpu.memref_slice %arg10[%run_scoped3A_208, %dma_start3A_236, %dma_start3A_237] : memref<2x80x128xf32, #tpu.memory_space<vmem>> -> memref<1x40x128xf32, #tpu.memory_space<vmem>>
        %dma_start3A_239 = tpu.memref_squeeze %dma_start3A_238 : memref<1x40x128xf32, #tpu.memory_space<vmem>> -> memref<40x128xf32, #tpu.memory_space<vmem>>
        tpu.enqueue_dma source(%dma_start3A_239 : memref<40x128xf32, #tpu.memory_space<vmem>>) target(%dma_start3A_235 : memref<40x128xf32, #tpu.memory_space<vmem_shared>>) target_semaphore(%run_scoped3A_227 : memref<!tpu.dma_semaphore, #tpu.memory_space<semaphore_mem>>)
        %dma_wait3A_240 = arith.constant 0 : i32
        %dma_wait3A_241 = arith.constant 0 : i32
        %dma_wait3A_242 = tpu.memref_slice %arg10[%run_scoped3A_208, %dma_wait3A_240, %dma_wait3A_241] : memref<2x80x128xf32, #tpu.memory_space<vmem>> -> memref<1x40x128xf32, #tpu.memory_space<vmem>>
        %dma_wait3A_243 = tpu.memref_squeeze %dma_wait3A_242 : memref<1x40x128xf32, #tpu.memory_space<vmem>> -> memref<40x128xf32, #tpu.memory_space<vmem>>
        %dma_wait3A_244 = arith.constant 0 : i32
        %dma_wait3A_245 = tpu.memref_slice %arg13[%add3A_207, %dma_wait3A_244] : memref<10000x128xf32, #tpu.memory_space<vmem_shared>> -> memref<40x128xf32, #tpu.memory_space<vmem_shared>>
        %dma_wait3A_246 = arith.constant 0 : i32
        %dma_wait3A_247 = tpu.memref_slice %arg13[%add3A_207, %dma_wait3A_246] : memref<10000x128xf32, #tpu.memory_space<vmem_shared>> -> memref<40x128xf32, #tpu.memory_space<vmem_shared>>
        %dma_wait3A_248 = arith.constant 0 : i32
        %dma_wait3A_249 = arith.constant 0 : i32
        %dma_wait3A_250 = tpu.memref_slice %arg10[%run_scoped3A_208, %dma_wait3A_248, %dma_wait3A_249] : memref<2x80x128xf32, #tpu.memory_space<vmem>> -> memref<1x40x128xf32, #tpu.memory_space<vmem>>
        %dma_wait3A_251 = tpu.memref_squeeze %dma_wait3A_250 : memref<1x40x128xf32, #tpu.memory_space<vmem>> -> memref<40x128xf32, #tpu.memory_space<vmem>>
        tpu.wait_dma2 semaphore(%run_scoped3A_227 : memref<!tpu.dma_semaphore, #tpu.memory_space<semaphore_mem>>) src(%dma_wait3A_251 : memref<40x128xf32, #tpu.memory_space<vmem>>) dst(%dma_wait3A_247 : memref<40x128xf32, #tpu.memory_space<vmem_shared>>)
        tpu.yield
      }) : () -> ()
      %add3A_209 = arith.constant 760 : i32
      %add3A_210 = arith.addi %mul3A_3, %add3A_209 : i32
      %run_scoped3A_211 = arith.constant 0 : i32
      "tpu.region"() ({
        %run_scoped3A_227 = tpu.sem_alloc : memref<!tpu.dma_semaphore, #tpu.memory_space<semaphore_mem>>
        %dma_start3A_228 = arith.constant 0 : i32
        %dma_start3A_229 = arith.constant 0 : i32
        %dma_start3A_230 = tpu.memref_slice %arg10[%run_scoped3A_211, %dma_start3A_228, %dma_start3A_229] : memref<2x80x128xf32, #tpu.memory_space<vmem>> -> memref<1x40x128xf32, #tpu.memory_space<vmem>>
        %dma_start3A_231 = tpu.memref_squeeze %dma_start3A_230 : memref<1x40x128xf32, #tpu.memory_space<vmem>> -> memref<40x128xf32, #tpu.memory_space<vmem>>
        %dma_start3A_232 = arith.constant 0 : i32
        %dma_start3A_233 = tpu.memref_slice %arg13[%add3A_210, %dma_start3A_232] : memref<10000x128xf32, #tpu.memory_space<vmem_shared>> -> memref<40x128xf32, #tpu.memory_space<vmem_shared>>
        %dma_start3A_234 = arith.constant 0 : i32
        %dma_start3A_235 = tpu.memref_slice %arg13[%add3A_210, %dma_start3A_234] : memref<10000x128xf32, #tpu.memory_space<vmem_shared>> -> memref<40x128xf32, #tpu.memory_space<vmem_shared>>
        %dma_start3A_236 = arith.constant 0 : i32
        %dma_start3A_237 = arith.constant 0 : i32
        %dma_start3A_238 = tpu.memref_slice %arg10[%run_scoped3A_211, %dma_start3A_236, %dma_start3A_237] : memref<2x80x128xf32, #tpu.memory_space<vmem>> -> memref<1x40x128xf32, #tpu.memory_space<vmem>>
        %dma_start3A_239 = tpu.memref_squeeze %dma_start3A_238 : memref<1x40x128xf32, #tpu.memory_space<vmem>> -> memref<40x128xf32, #tpu.memory_space<vmem>>
        tpu.enqueue_dma source(%dma_start3A_239 : memref<40x128xf32, #tpu.memory_space<vmem>>) target(%dma_start3A_235 : memref<40x128xf32, #tpu.memory_space<vmem_shared>>) target_semaphore(%run_scoped3A_227 : memref<!tpu.dma_semaphore, #tpu.memory_space<semaphore_mem>>)
        %dma_wait3A_240 = arith.constant 0 : i32
        %dma_wait3A_241 = arith.constant 0 : i32
        %dma_wait3A_242 = tpu.memref_slice %arg10[%run_scoped3A_211, %dma_wait3A_240, %dma_wait3A_241] : memref<2x80x128xf32, #tpu.memory_space<vmem>> -> memref<1x40x128xf32, #tpu.memory_space<vmem>>
        %dma_wait3A_243 = tpu.memref_squeeze %dma_wait3A_242 : memref<1x40x128xf32, #tpu.memory_space<vmem>> -> memref<40x128xf32, #tpu.memory_space<vmem>>
        %dma_wait3A_244 = arith.constant 0 : i32
        %dma_wait3A_245 = tpu.memref_slice %arg13[%add3A_210, %dma_wait3A_244] : memref<10000x128xf32, #tpu.memory_space<vmem_shared>> -> memref<40x128xf32, #tpu.memory_space<vmem_shared>>
        %dma_wait3A_246 = arith.constant 0 : i32
        %dma_wait3A_247 = tpu.memref_slice %arg13[%add3A_210, %dma_wait3A_246] : memref<10000x128xf32, #tpu.memory_space<vmem_shared>> -> memref<40x128xf32, #tpu.memory_space<vmem_shared>>
        %dma_wait3A_248 = arith.constant 0 : i32
        %dma_wait3A_249 = arith.constant 0 : i32
        %dma_wait3A_250 = tpu.memref_slice %arg10[%run_scoped3A_211, %dma_wait3A_248, %dma_wait3A_249] : memref<2x80x128xf32, #tpu.memory_space<vmem>> -> memref<1x40x128xf32, #tpu.memory_space<vmem>>
        %dma_wait3A_251 = tpu.memref_squeeze %dma_wait3A_250 : memref<1x40x128xf32, #tpu.memory_space<vmem>> -> memref<40x128xf32, #tpu.memory_space<vmem>>
        tpu.wait_dma2 semaphore(%run_scoped3A_227 : memref<!tpu.dma_semaphore, #tpu.memory_space<semaphore_mem>>) src(%dma_wait3A_251 : memref<40x128xf32, #tpu.memory_space<vmem>>) dst(%dma_wait3A_247 : memref<40x128xf32, #tpu.memory_space<vmem_shared>>)
        tpu.yield
      }) : () -> ()
      %add3A_212 = arith.constant 800 : i32
      %add3A_213 = arith.addi %mul3A_3, %add3A_212 : i32
      %run_scoped3A_214 = arith.constant 0 : i32
      "tpu.region"() ({
        %run_scoped3A_227 = tpu.sem_alloc : memref<!tpu.dma_semaphore, #tpu.memory_space<semaphore_mem>>
        %dma_start3A_228 = arith.constant 0 : i32
        %dma_start3A_229 = arith.constant 0 : i32
        %dma_start3A_230 = tpu.memref_slice %arg10[%run_scoped3A_214, %dma_start3A_228, %dma_start3A_229] : memref<2x80x128xf32, #tpu.memory_space<vmem>> -> memref<1x40x128xf32, #tpu.memory_space<vmem>>
        %dma_start3A_231 = tpu.memref_squeeze %dma_start3A_230 : memref<1x40x128xf32, #tpu.memory_space<vmem>> -> memref<40x128xf32, #tpu.memory_space<vmem>>
        %dma_start3A_232 = arith.constant 0 : i32
        %dma_start3A_233 = tpu.memref_slice %arg13[%add3A_213, %dma_start3A_232] : memref<10000x128xf32, #tpu.memory_space<vmem_shared>> -> memref<40x128xf32, #tpu.memory_space<vmem_shared>>
        %dma_start3A_234 = arith.constant 0 : i32
        %dma_start3A_235 = tpu.memref_slice %arg13[%add3A_213, %dma_start3A_234] : memref<10000x128xf32, #tpu.memory_space<vmem_shared>> -> memref<40x128xf32, #tpu.memory_space<vmem_shared>>
        %dma_start3A_236 = arith.constant 0 : i32
        %dma_start3A_237 = arith.constant 0 : i32
        %dma_start3A_238 = tpu.memref_slice %arg10[%run_scoped3A_214, %dma_start3A_236, %dma_start3A_237] : memref<2x80x128xf32, #tpu.memory_space<vmem>> -> memref<1x40x128xf32, #tpu.memory_space<vmem>>
        %dma_start3A_239 = tpu.memref_squeeze %dma_start3A_238 : memref<1x40x128xf32, #tpu.memory_space<vmem>> -> memref<40x128xf32, #tpu.memory_space<vmem>>
        tpu.enqueue_dma source(%dma_start3A_239 : memref<40x128xf32, #tpu.memory_space<vmem>>) target(%dma_start3A_235 : memref<40x128xf32, #tpu.memory_space<vmem_shared>>) target_semaphore(%run_scoped3A_227 : memref<!tpu.dma_semaphore, #tpu.memory_space<semaphore_mem>>)
        %dma_wait3A_240 = arith.constant 0 : i32
        %dma_wait3A_241 = arith.constant 0 : i32
        %dma_wait3A_242 = tpu.memref_slice %arg10[%run_scoped3A_214, %dma_wait3A_240, %dma_wait3A_241] : memref<2x80x128xf32, #tpu.memory_space<vmem>> -> memref<1x40x128xf32, #tpu.memory_space<vmem>>
        %dma_wait3A_243 = tpu.memref_squeeze %dma_wait3A_242 : memref<1x40x128xf32, #tpu.memory_space<vmem>> -> memref<40x128xf32, #tpu.memory_space<vmem>>
        %dma_wait3A_244 = arith.constant 0 : i32
        %dma_wait3A_245 = tpu.memref_slice %arg13[%add3A_213, %dma_wait3A_244] : memref<10000x128xf32, #tpu.memory_space<vmem_shared>> -> memref<40x128xf32, #tpu.memory_space<vmem_shared>>
        %dma_wait3A_246 = arith.constant 0 : i32
        %dma_wait3A_247 = tpu.memref_slice %arg13[%add3A_213, %dma_wait3A_246] : memref<10000x128xf32, #tpu.memory_space<vmem_shared>> -> memref<40x128xf32, #tpu.memory_space<vmem_shared>>
        %dma_wait3A_248 = arith.constant 0 : i32
        %dma_wait3A_249 = arith.constant 0 : i32
        %dma_wait3A_250 = tpu.memref_slice %arg10[%run_scoped3A_214, %dma_wait3A_248, %dma_wait3A_249] : memref<2x80x128xf32, #tpu.memory_space<vmem>> -> memref<1x40x128xf32, #tpu.memory_space<vmem>>
        %dma_wait3A_251 = tpu.memref_squeeze %dma_wait3A_250 : memref<1x40x128xf32, #tpu.memory_space<vmem>> -> memref<40x128xf32, #tpu.memory_space<vmem>>
        tpu.wait_dma2 semaphore(%run_scoped3A_227 : memref<!tpu.dma_semaphore, #tpu.memory_space<semaphore_mem>>) src(%dma_wait3A_251 : memref<40x128xf32, #tpu.memory_space<vmem>>) dst(%dma_wait3A_247 : memref<40x128xf32, #tpu.memory_space<vmem_shared>>)
        tpu.yield
      }) : () -> ()
      %add3A_215 = arith.constant 840 : i32
      %add3A_216 = arith.addi %mul3A_3, %add3A_215 : i32
      %run_scoped3A_217 = arith.constant 0 : i32
      "tpu.region"() ({
        %run_scoped3A_227 = tpu.sem_alloc : memref<!tpu.dma_semaphore, #tpu.memory_space<semaphore_mem>>
        %dma_start3A_228 = arith.constant 0 : i32
        %dma_start3A_229 = arith.constant 0 : i32
        %dma_start3A_230 = tpu.memref_slice %arg10[%run_scoped3A_217, %dma_start3A_228, %dma_start3A_229] : memref<2x80x128xf32, #tpu.memory_space<vmem>> -> memref<1x40x128xf32, #tpu.memory_space<vmem>>
        %dma_start3A_231 = tpu.memref_squeeze %dma_start3A_230 : memref<1x40x128xf32, #tpu.memory_space<vmem>> -> memref<40x128xf32, #tpu.memory_space<vmem>>
        %dma_start3A_232 = arith.constant 0 : i32
        %dma_start3A_233 = tpu.memref_slice %arg13[%add3A_216, %dma_start3A_232] : memref<10000x128xf32, #tpu.memory_space<vmem_shared>> -> memref<40x128xf32, #tpu.memory_space<vmem_shared>>
        %dma_start3A_234 = arith.constant 0 : i32
        %dma_start3A_235 = tpu.memref_slice %arg13[%add3A_216, %dma_start3A_234] : memref<10000x128xf32, #tpu.memory_space<vmem_shared>> -> memref<40x128xf32, #tpu.memory_space<vmem_shared>>
        %dma_start3A_236 = arith.constant 0 : i32
        %dma_start3A_237 = arith.constant 0 : i32
        %dma_start3A_238 = tpu.memref_slice %arg10[%run_scoped3A_217, %dma_start3A_236, %dma_start3A_237] : memref<2x80x128xf32, #tpu.memory_space<vmem>> -> memref<1x40x128xf32, #tpu.memory_space<vmem>>
        %dma_start3A_239 = tpu.memref_squeeze %dma_start3A_238 : memref<1x40x128xf32, #tpu.memory_space<vmem>> -> memref<40x128xf32, #tpu.memory_space<vmem>>
        tpu.enqueue_dma source(%dma_start3A_239 : memref<40x128xf32, #tpu.memory_space<vmem>>) target(%dma_start3A_235 : memref<40x128xf32, #tpu.memory_space<vmem_shared>>) target_semaphore(%run_scoped3A_227 : memref<!tpu.dma_semaphore, #tpu.memory_space<semaphore_mem>>)
        %dma_wait3A_240 = arith.constant 0 : i32
        %dma_wait3A_241 = arith.constant 0 : i32
        %dma_wait3A_242 = tpu.memref_slice %arg10[%run_scoped3A_217, %dma_wait3A_240, %dma_wait3A_241] : memref<2x80x128xf32, #tpu.memory_space<vmem>> -> memref<1x40x128xf32, #tpu.memory_space<vmem>>
        %dma_wait3A_243 = tpu.memref_squeeze %dma_wait3A_242 : memref<1x40x128xf32, #tpu.memory_space<vmem>> -> memref<40x128xf32, #tpu.memory_space<vmem>>
        %dma_wait3A_244 = arith.constant 0 : i32
        %dma_wait3A_245 = tpu.memref_slice %arg13[%add3A_216, %dma_wait3A_244] : memref<10000x128xf32, #tpu.memory_space<vmem_shared>> -> memref<40x128xf32, #tpu.memory_space<vmem_shared>>
        %dma_wait3A_246 = arith.constant 0 : i32
        %dma_wait3A_247 = tpu.memref_slice %arg13[%add3A_216, %dma_wait3A_246] : memref<10000x128xf32, #tpu.memory_space<vmem_shared>> -> memref<40x128xf32, #tpu.memory_space<vmem_shared>>
        %dma_wait3A_248 = arith.constant 0 : i32
        %dma_wait3A_249 = arith.constant 0 : i32
        %dma_wait3A_250 = tpu.memref_slice %arg10[%run_scoped3A_217, %dma_wait3A_248, %dma_wait3A_249] : memref<2x80x128xf32, #tpu.memory_space<vmem>> -> memref<1x40x128xf32, #tpu.memory_space<vmem>>
        %dma_wait3A_251 = tpu.memref_squeeze %dma_wait3A_250 : memref<1x40x128xf32, #tpu.memory_space<vmem>> -> memref<40x128xf32, #tpu.memory_space<vmem>>
        tpu.wait_dma2 semaphore(%run_scoped3A_227 : memref<!tpu.dma_semaphore, #tpu.memory_space<semaphore_mem>>) src(%dma_wait3A_251 : memref<40x128xf32, #tpu.memory_space<vmem>>) dst(%dma_wait3A_247 : memref<40x128xf32, #tpu.memory_space<vmem_shared>>)
        tpu.yield
      }) : () -> ()
      %add3A_218 = arith.constant 880 : i32
      %add3A_219 = arith.addi %mul3A_3, %add3A_218 : i32
      %run_scoped3A_220 = arith.constant 0 : i32
      "tpu.region"() ({
        %run_scoped3A_227 = tpu.sem_alloc : memref<!tpu.dma_semaphore, #tpu.memory_space<semaphore_mem>>
        %dma_start3A_228 = arith.constant 0 : i32
        %dma_start3A_229 = arith.constant 0 : i32
        %dma_start3A_230 = tpu.memref_slice %arg10[%run_scoped3A_220, %dma_start3A_228, %dma_start3A_229] : memref<2x80x128xf32, #tpu.memory_space<vmem>> -> memref<1x40x128xf32, #tpu.memory_space<vmem>>
        %dma_start3A_231 = tpu.memref_squeeze %dma_start3A_230 : memref<1x40x128xf32, #tpu.memory_space<vmem>> -> memref<40x128xf32, #tpu.memory_space<vmem>>
        %dma_start3A_232 = arith.constant 0 : i32
        %dma_start3A_233 = tpu.memref_slice %arg13[%add3A_219, %dma_start3A_232] : memref<10000x128xf32, #tpu.memory_space<vmem_shared>> -> memref<40x128xf32, #tpu.memory_space<vmem_shared>>
        %dma_start3A_234 = arith.constant 0 : i32
        %dma_start3A_235 = tpu.memref_slice %arg13[%add3A_219, %dma_start3A_234] : memref<10000x128xf32, #tpu.memory_space<vmem_shared>> -> memref<40x128xf32, #tpu.memory_space<vmem_shared>>
        %dma_start3A_236 = arith.constant 0 : i32
        %dma_start3A_237 = arith.constant 0 : i32
        %dma_start3A_238 = tpu.memref_slice %arg10[%run_scoped3A_220, %dma_start3A_236, %dma_start3A_237] : memref<2x80x128xf32, #tpu.memory_space<vmem>> -> memref<1x40x128xf32, #tpu.memory_space<vmem>>
        %dma_start3A_239 = tpu.memref_squeeze %dma_start3A_238 : memref<1x40x128xf32, #tpu.memory_space<vmem>> -> memref<40x128xf32, #tpu.memory_space<vmem>>
        tpu.enqueue_dma source(%dma_start3A_239 : memref<40x128xf32, #tpu.memory_space<vmem>>) target(%dma_start3A_235 : memref<40x128xf32, #tpu.memory_space<vmem_shared>>) target_semaphore(%run_scoped3A_227 : memref<!tpu.dma_semaphore, #tpu.memory_space<semaphore_mem>>)
        %dma_wait3A_240 = arith.constant 0 : i32
        %dma_wait3A_241 = arith.constant 0 : i32
        %dma_wait3A_242 = tpu.memref_slice %arg10[%run_scoped3A_220, %dma_wait3A_240, %dma_wait3A_241] : memref<2x80x128xf32, #tpu.memory_space<vmem>> -> memref<1x40x128xf32, #tpu.memory_space<vmem>>
        %dma_wait3A_243 = tpu.memref_squeeze %dma_wait3A_242 : memref<1x40x128xf32, #tpu.memory_space<vmem>> -> memref<40x128xf32, #tpu.memory_space<vmem>>
        %dma_wait3A_244 = arith.constant 0 : i32
        %dma_wait3A_245 = tpu.memref_slice %arg13[%add3A_219, %dma_wait3A_244] : memref<10000x128xf32, #tpu.memory_space<vmem_shared>> -> memref<40x128xf32, #tpu.memory_space<vmem_shared>>
        %dma_wait3A_246 = arith.constant 0 : i32
        %dma_wait3A_247 = tpu.memref_slice %arg13[%add3A_219, %dma_wait3A_246] : memref<10000x128xf32, #tpu.memory_space<vmem_shared>> -> memref<40x128xf32, #tpu.memory_space<vmem_shared>>
        %dma_wait3A_248 = arith.constant 0 : i32
        %dma_wait3A_249 = arith.constant 0 : i32
        %dma_wait3A_250 = tpu.memref_slice %arg10[%run_scoped3A_220, %dma_wait3A_248, %dma_wait3A_249] : memref<2x80x128xf32, #tpu.memory_space<vmem>> -> memref<1x40x128xf32, #tpu.memory_space<vmem>>
        %dma_wait3A_251 = tpu.memref_squeeze %dma_wait3A_250 : memref<1x40x128xf32, #tpu.memory_space<vmem>> -> memref<40x128xf32, #tpu.memory_space<vmem>>
        tpu.wait_dma2 semaphore(%run_scoped3A_227 : memref<!tpu.dma_semaphore, #tpu.memory_space<semaphore_mem>>) src(%dma_wait3A_251 : memref<40x128xf32, #tpu.memory_space<vmem>>) dst(%dma_wait3A_247 : memref<40x128xf32, #tpu.memory_space<vmem_shared>>)
        tpu.yield
      }) : () -> ()
      %add3A_221 = arith.constant 920 : i32
      %add3A_222 = arith.addi %mul3A_3, %add3A_221 : i32
      %run_scoped3A_223 = arith.constant 0 : i32
      "tpu.region"() ({
        %run_scoped3A_227 = tpu.sem_alloc : memref<!tpu.dma_semaphore, #tpu.memory_space<semaphore_mem>>
        %dma_start3A_228 = arith.constant 0 : i32
        %dma_start3A_229 = arith.constant 0 : i32
        %dma_start3A_230 = tpu.memref_slice %arg10[%run_scoped3A_223, %dma_start3A_228, %dma_start3A_229] : memref<2x80x128xf32, #tpu.memory_space<vmem>> -> memref<1x40x128xf32, #tpu.memory_space<vmem>>
        %dma_start3A_231 = tpu.memref_squeeze %dma_start3A_230 : memref<1x40x128xf32, #tpu.memory_space<vmem>> -> memref<40x128xf32, #tpu.memory_space<vmem>>
        %dma_start3A_232 = arith.constant 0 : i32
        %dma_start3A_233 = tpu.memref_slice %arg13[%add3A_222, %dma_start3A_232] : memref<10000x128xf32, #tpu.memory_space<vmem_shared>> -> memref<40x128xf32, #tpu.memory_space<vmem_shared>>
        %dma_start3A_234 = arith.constant 0 : i32
        %dma_start3A_235 = tpu.memref_slice %arg13[%add3A_222, %dma_start3A_234] : memref<10000x128xf32, #tpu.memory_space<vmem_shared>> -> memref<40x128xf32, #tpu.memory_space<vmem_shared>>
        %dma_start3A_236 = arith.constant 0 : i32
        %dma_start3A_237 = arith.constant 0 : i32
        %dma_start3A_238 = tpu.memref_slice %arg10[%run_scoped3A_223, %dma_start3A_236, %dma_start3A_237] : memref<2x80x128xf32, #tpu.memory_space<vmem>> -> memref<1x40x128xf32, #tpu.memory_space<vmem>>
        %dma_start3A_239 = tpu.memref_squeeze %dma_start3A_238 : memref<1x40x128xf32, #tpu.memory_space<vmem>> -> memref<40x128xf32, #tpu.memory_space<vmem>>
        tpu.enqueue_dma source(%dma_start3A_239 : memref<40x128xf32, #tpu.memory_space<vmem>>) target(%dma_start3A_235 : memref<40x128xf32, #tpu.memory_space<vmem_shared>>) target_semaphore(%run_scoped3A_227 : memref<!tpu.dma_semaphore, #tpu.memory_space<semaphore_mem>>)
        %dma_wait3A_240 = arith.constant 0 : i32
        %dma_wait3A_241 = arith.constant 0 : i32
        %dma_wait3A_242 = tpu.memref_slice %arg10[%run_scoped3A_223, %dma_wait3A_240, %dma_wait3A_241] : memref<2x80x128xf32, #tpu.memory_space<vmem>> -> memref<1x40x128xf32, #tpu.memory_space<vmem>>
        %dma_wait3A_243 = tpu.memref_squeeze %dma_wait3A_242 : memref<1x40x128xf32, #tpu.memory_space<vmem>> -> memref<40x128xf32, #tpu.memory_space<vmem>>
        %dma_wait3A_244 = arith.constant 0 : i32
        %dma_wait3A_245 = tpu.memref_slice %arg13[%add3A_222, %dma_wait3A_244] : memref<10000x128xf32, #tpu.memory_space<vmem_shared>> -> memref<40x128xf32, #tpu.memory_space<vmem_shared>>
        %dma_wait3A_246 = arith.constant 0 : i32
        %dma_wait3A_247 = tpu.memref_slice %arg13[%add3A_222, %dma_wait3A_246] : memref<10000x128xf32, #tpu.memory_space<vmem_shared>> -> memref<40x128xf32, #tpu.memory_space<vmem_shared>>
        %dma_wait3A_248 = arith.constant 0 : i32
        %dma_wait3A_249 = arith.constant 0 : i32
        %dma_wait3A_250 = tpu.memref_slice %arg10[%run_scoped3A_223, %dma_wait3A_248, %dma_wait3A_249] : memref<2x80x128xf32, #tpu.memory_space<vmem>> -> memref<1x40x128xf32, #tpu.memory_space<vmem>>
        %dma_wait3A_251 = tpu.memref_squeeze %dma_wait3A_250 : memref<1x40x128xf32, #tpu.memory_space<vmem>> -> memref<40x128xf32, #tpu.memory_space<vmem>>
        tpu.wait_dma2 semaphore(%run_scoped3A_227 : memref<!tpu.dma_semaphore, #tpu.memory_space<semaphore_mem>>) src(%dma_wait3A_251 : memref<40x128xf32, #tpu.memory_space<vmem>>) dst(%dma_wait3A_247 : memref<40x128xf32, #tpu.memory_space<vmem_shared>>)
        tpu.yield
      }) : () -> ()
      %add3A_224 = arith.constant 960 : i32
      %add3A_225 = arith.addi %mul3A_3, %add3A_224 : i32
      %run_scoped3A_226 = arith.constant 0 : i32
      "tpu.region"() ({
        %run_scoped3A_227 = tpu.sem_alloc : memref<!tpu.dma_semaphore, #tpu.memory_space<semaphore_mem>>
        %dma_start3A_228 = arith.constant 0 : i32
        %dma_start3A_229 = arith.constant 0 : i32
        %dma_start3A_230 = tpu.memref_slice %arg10[%run_scoped3A_226, %dma_start3A_228, %dma_start3A_229] : memref<2x80x128xf32, #tpu.memory_space<vmem>> -> memref<1x40x128xf32, #tpu.memory_space<vmem>>
        %dma_start3A_231 = tpu.memref_squeeze %dma_start3A_230 : memref<1x40x128xf32, #tpu.memory_space<vmem>> -> memref<40x128xf32, #tpu.memory_space<vmem>>
        %dma_start3A_232 = arith.constant 0 : i32
        %dma_start3A_233 = tpu.memref_slice %arg13[%add3A_225, %dma_start3A_232] : memref<10000x128xf32, #tpu.memory_space<vmem_shared>> -> memref<40x128xf32, #tpu.memory_space<vmem_shared>>
        %dma_start3A_234 = arith.constant 0 : i32
        %dma_start3A_235 = tpu.memref_slice %arg13[%add3A_225, %dma_start3A_234] : memref<10000x128xf32, #tpu.memory_space<vmem_shared>> -> memref<40x128xf32, #tpu.memory_space<vmem_shared>>
        %dma_start3A_236 = arith.constant 0 : i32
        %dma_start3A_237 = arith.constant 0 : i32
        %dma_start3A_238 = tpu.memref_slice %arg10[%run_scoped3A_226, %dma_start3A_236, %dma_start3A_237] : memref<2x80x128xf32, #tpu.memory_space<vmem>> -> memref<1x40x128xf32, #tpu.memory_space<vmem>>
        %dma_start3A_239 = tpu.memref_squeeze %dma_start3A_238 : memref<1x40x128xf32, #tpu.memory_space<vmem>> -> memref<40x128xf32, #tpu.memory_space<vmem>>
        tpu.enqueue_dma source(%dma_start3A_239 : memref<40x128xf32, #tpu.memory_space<vmem>>) target(%dma_start3A_235 : memref<40x128xf32, #tpu.memory_space<vmem_shared>>) target_semaphore(%run_scoped3A_227 : memref<!tpu.dma_semaphore, #tpu.memory_space<semaphore_mem>>)
        %dma_wait3A_240 = arith.constant 0 : i32
        %dma_wait3A_241 = arith.constant 0 : i32
        %dma_wait3A_242 = tpu.memref_slice %arg10[%run_scoped3A_226, %dma_wait3A_240, %dma_wait3A_241] : memref<2x80x128xf32, #tpu.memory_space<vmem>> -> memref<1x40x128xf32, #tpu.memory_space<vmem>>
        %dma_wait3A_243 = tpu.memref_squeeze %dma_wait3A_242 : memref<1x40x128xf32, #tpu.memory_space<vmem>> -> memref<40x128xf32, #tpu.memory_space<vmem>>
        %dma_wait3A_244 = arith.constant 0 : i32
        %dma_wait3A_245 = tpu.memref_slice %arg13[%add3A_225, %dma_wait3A_244] : memref<10000x128xf32, #tpu.memory_space<vmem_shared>> -> memref<40x128xf32, #tpu.memory_space<vmem_shared>>
        %dma_wait3A_246 = arith.constant 0 : i32
        %dma_wait3A_247 = tpu.memref_slice %arg13[%add3A_225, %dma_wait3A_246] : memref<10000x128xf32, #tpu.memory_space<vmem_shared>> -> memref<40x128xf32, #tpu.memory_space<vmem_shared>>
        %dma_wait3A_248 = arith.constant 0 : i32
        %dma_wait3A_249 = arith.constant 0 : i32
        %dma_wait3A_250 = tpu.memref_slice %arg10[%run_scoped3A_226, %dma_wait3A_248, %dma_wait3A_249] : memref<2x80x128xf32, #tpu.memory_space<vmem>> -> memref<1x40x128xf32, #tpu.memory_space<vmem>>
        %dma_wait3A_251 = tpu.memref_squeeze %dma_wait3A_250 : memref<1x40x128xf32, #tpu.memory_space<vmem>> -> memref<40x128xf32, #tpu.memory_space<vmem>>
        tpu.wait_dma2 semaphore(%run_scoped3A_227 : memref<!tpu.dma_semaphore, #tpu.memory_space<semaphore_mem>>) src(%dma_wait3A_251 : memref<40x128xf32, #tpu.memory_space<vmem>>) dst(%dma_wait3A_247 : memref<40x128xf32, #tpu.memory_space<vmem_shared>>)
        tpu.yield
      }) : () -> ()
      "tpu.region"() ({
        %run_scoped3A_227 = tpu.sem_alloc : memref<!tpu.dma_semaphore, #tpu.memory_space<semaphore_mem>>
        %dma_start3A_228 = arith.constant 0 : i32
        %dma_start3A_229 = tpu.memref_slice %arg12[%dma_start3A_228] : memref<1008xf32, #tpu.memory_space<vmem>> -> memref<1000xf32, #tpu.memory_space<vmem>>
        %dma_start3A_230 = tpu.memref_slice %arg14[%mul3A_3] : memref<10000xf32, #tpu.memory_space<vmem_shared>> -> memref<1000xf32, #tpu.memory_space<vmem_shared>>
        %dma_start3A_231 = tpu.memref_slice %arg14[%mul3A_3] : memref<10000xf32, #tpu.memory_space<vmem_shared>> -> memref<1000xf32, #tpu.memory_space<vmem_shared>>
        %dma_start3A_232 = arith.constant 0 : i32
        %dma_start3A_233 = tpu.memref_slice %arg12[%dma_start3A_232] : memref<1008xf32, #tpu.memory_space<vmem>> -> memref<1000xf32, #tpu.memory_space<vmem>>
        tpu.enqueue_dma source(%dma_start3A_233 : memref<1000xf32, #tpu.memory_space<vmem>>) target(%dma_start3A_231 : memref<1000xf32, #tpu.memory_space<vmem_shared>>) target_semaphore(%run_scoped3A_227 : memref<!tpu.dma_semaphore, #tpu.memory_space<semaphore_mem>>)
        %dma_wait3A_234 = arith.constant 0 : i32
        %dma_wait3A_235 = tpu.memref_slice %arg12[%dma_wait3A_234] : memref<1008xf32, #tpu.memory_space<vmem>> -> memref<1000xf32, #tpu.memory_space<vmem>>
        %dma_wait3A_236 = tpu.memref_slice %arg14[%mul3A_3] : memref<10000xf32, #tpu.memory_space<vmem_shared>> -> memref<1000xf32, #tpu.memory_space<vmem_shared>>
        %dma_wait3A_237 = tpu.memref_slice %arg14[%mul3A_3] : memref<10000xf32, #tpu.memory_space<vmem_shared>> -> memref<1000xf32, #tpu.memory_space<vmem_shared>>
        %dma_wait3A_238 = arith.constant 0 : i32
        %dma_wait3A_239 = tpu.memref_slice %arg12[%dma_wait3A_238] : memref<1008xf32, #tpu.memory_space<vmem>> -> memref<1000xf32, #tpu.memory_space<vmem>>
        tpu.wait_dma2 semaphore(%run_scoped3A_227 : memref<!tpu.dma_semaphore, #tpu.memory_space<semaphore_mem>>) src(%dma_wait3A_239 : memref<1000xf32, #tpu.memory_space<vmem>>) dst(%dma_wait3A_237 : memref<1000xf32, #tpu.memory_space<vmem_shared>>)
        tpu.yield
      }) : () -> ()
    } else {
    }
    %barrier3A = arith.constant 0 : index
    tpu.barrier barrier_id(%barrier3A)
    %broadcast_in_dim3A_6 = arith.constant 2 : i32
    %broadcast_in_dim3A_7 = vector.broadcast %broadcast_in_dim3A_6 : i32 to vector<16xi32>
    %broadcast_in_dim3A_8 = arith.constant 1 : i32
    %broadcast_in_dim3A_9 = vector.broadcast %broadcast_in_dim3A_8 : i32 to vector<16xi32>
    %mul3A_10 = arith.constant 25 : i32
    %mul3A_11 = arith.muli %add3A, %mul3A_10 : i32
    %add3A_12 = arith.constant 0 : i32
    %add3A_13 = arith.addi %mul3A_11, %add3A_12 : i32
    %mul3A_14 = arith.constant 5 : i32
    %mul3A_15 = arith.muli %add3A_13, %mul3A_14 : i32
    %dma_start3A = arith.constant 0 : i32
    %dma_start3A_16 = arith.constant 0 : i32
    %dma_start3A_17 = arith.constant 0 : i32
    %dma_start3A_18 = arith.constant 0 : i32
    %dma_start3A_19 = tpu.memref_slice %arg8[%dma_start3A, %dma_start3A_16, %dma_start3A_17, %dma_start3A_18] : memref<2x5x1x80xi32, #tpu.memory_space<vmem>> -> memref<1x5x1x80xi32, #tpu.memory_space<vmem>>
    %dma_start3A_20 = tpu.memref_squeeze %dma_start3A_19 : memref<1x5x1x80xi32, #tpu.memory_space<vmem>> -> memref<5x1x80xi32, #tpu.memory_space<vmem>>
    %dma_start3A_21 = arith.constant 0 : i32
    %dma_start3A_22 = arith.constant 0 : i32
    %dma_start3A_23 = tpu.memref_slice %arg4[%mul3A_15, %dma_start3A_21, %dma_start3A_22] : memref<8000x1x80xi32, #tpu.memory_space<hbm>> -> memref<5x1x80xi32, #tpu.memory_space<hbm>>
    %dma_start3A_24 = arith.constant 0 : i32
    %dma_start3A_25 = arith.constant 0 : i32
    %dma_start3A_26 = arith.constant 0 : i32
    %dma_start3A_27 = tpu.memref_slice %arg8[%dma_start3A, %dma_start3A_24, %dma_start3A_25, %dma_start3A_26] : memref<2x5x1x80xi32, #tpu.memory_space<vmem>> -> memref<1x5x1x80xi32, #tpu.memory_space<vmem>>
    %dma_start3A_28 = tpu.memref_squeeze %dma_start3A_27 : memref<1x5x1x80xi32, #tpu.memory_space<vmem>> -> memref<5x1x80xi32, #tpu.memory_space<vmem>>
    %dma_start3A_29 = arith.constant 0 : i32
    %dma_start3A_30 = arith.constant 0 : i32
    %dma_start3A_31 = tpu.memref_slice %arg4[%mul3A_15, %dma_start3A_29, %dma_start3A_30] : memref<8000x1x80xi32, #tpu.memory_space<hbm>> -> memref<5x1x80xi32, #tpu.memory_space<hbm>>
    tpu.enqueue_dma source(%dma_start3A_31 : memref<5x1x80xi32, #tpu.memory_space<hbm>>) target(%dma_start3A_28 : memref<5x1x80xi32, #tpu.memory_space<vmem>>) target_semaphore(%arg16 : memref<!tpu.dma_semaphore, #tpu.memory_space<semaphore_mem>>)
    %add3A_32 = arith.constant 4000 : i32
    %add3A_33 = arith.addi %add3A_32, %mul3A_15 : i32
    %dma_start3A_34 = arith.constant 0 : i32
    %dma_start3A_35 = arith.constant 0 : i32
    %dma_start3A_36 = arith.constant 0 : i32
    %dma_start3A_37 = arith.constant 0 : i32
    %dma_start3A_38 = tpu.memref_slice %arg9[%dma_start3A_34, %dma_start3A_35, %dma_start3A_36, %dma_start3A_37] : memref<2x5x1x80xi32, #tpu.memory_space<vmem>> -> memref<1x5x1x80xi32, #tpu.memory_space<vmem>>
    %dma_start3A_39 = tpu.memref_squeeze %dma_start3A_38 : memref<1x5x1x80xi32, #tpu.memory_space<vmem>> -> memref<5x1x80xi32, #tpu.memory_space<vmem>>
    %dma_start3A_40 = arith.constant 0 : i32
    %dma_start3A_41 = arith.constant 0 : i32
    %dma_start3A_42 = tpu.memref_slice %arg4[%add3A_33, %dma_start3A_40, %dma_start3A_41] : memref<8000x1x80xi32, #tpu.memory_space<hbm>> -> memref<5x1x80xi32, #tpu.memory_space<hbm>>
    %dma_start3A_43 = arith.constant 0 : i32
    %dma_start3A_44 = arith.constant 0 : i32
    %dma_start3A_45 = arith.constant 0 : i32
    %dma_start3A_46 = tpu.memref_slice %arg9[%dma_start3A_34, %dma_start3A_43, %dma_start3A_44, %dma_start3A_45] : memref<2x5x1x80xi32, #tpu.memory_space<vmem>> -> memref<1x5x1x80xi32, #tpu.memory_space<vmem>>
    %dma_start3A_47 = tpu.memref_squeeze %dma_start3A_46 : memref<1x5x1x80xi32, #tpu.memory_space<vmem>> -> memref<5x1x80xi32, #tpu.memory_space<vmem>>
    %dma_start3A_48 = arith.constant 0 : i32
    %dma_start3A_49 = arith.constant 0 : i32
    %dma_start3A_50 = tpu.memref_slice %arg4[%add3A_33, %dma_start3A_48, %dma_start3A_49] : memref<8000x1x80xi32, #tpu.memory_space<hbm>> -> memref<5x1x80xi32, #tpu.memory_space<hbm>>
    tpu.enqueue_dma source(%dma_start3A_50 : memref<5x1x80xi32, #tpu.memory_space<hbm>>) target(%dma_start3A_47 : memref<5x1x80xi32, #tpu.memory_space<vmem>>) target_semaphore(%arg16 : memref<!tpu.dma_semaphore, #tpu.memory_space<semaphore_mem>>)
    %dma_wait3A = arith.constant 0 : i32
    %dma_wait3A_51 = arith.constant 0 : i32
    %dma_wait3A_52 = arith.constant 0 : i32
    %dma_wait3A_53 = arith.constant 0 : i32
    %dma_wait3A_54 = tpu.memref_slice %arg8[%dma_wait3A, %dma_wait3A_51, %dma_wait3A_52, %dma_wait3A_53] : memref<2x5x1x80xi32, #tpu.memory_space<vmem>> -> memref<1x5x1x80xi32, #tpu.memory_space<vmem>>
    %dma_wait3A_55 = tpu.memref_squeeze %dma_wait3A_54 : memref<1x5x1x80xi32, #tpu.memory_space<vmem>> -> memref<5x1x80xi32, #tpu.memory_space<vmem>>
    %dma_wait3A_56 = arith.constant 0 : i32
    %dma_wait3A_57 = arith.constant 0 : i32
    %dma_wait3A_58 = arith.constant 0 : i32
    %dma_wait3A_59 = tpu.memref_slice %arg4[%dma_wait3A_56, %dma_wait3A_57, %dma_wait3A_58] : memref<8000x1x80xi32, #tpu.memory_space<hbm>> -> memref<5x1x80xi32, #tpu.memory_space<hbm>>
    %dma_wait3A_60 = arith.constant 0 : i32
    %dma_wait3A_61 = arith.constant 0 : i32
    %dma_wait3A_62 = arith.constant 0 : i32
    %dma_wait3A_63 = tpu.memref_slice %arg8[%dma_wait3A, %dma_wait3A_60, %dma_wait3A_61, %dma_wait3A_62] : memref<2x5x1x80xi32, #tpu.memory_space<vmem>> -> memref<1x5x1x80xi32, #tpu.memory_space<vmem>>
    %dma_wait3A_64 = tpu.memref_squeeze %dma_wait3A_63 : memref<1x5x1x80xi32, #tpu.memory_space<vmem>> -> memref<5x1x80xi32, #tpu.memory_space<vmem>>
    %dma_wait3A_65 = arith.constant 0 : i32
    %dma_wait3A_66 = arith.constant 0 : i32
    %dma_wait3A_67 = arith.constant 0 : i32
    %dma_wait3A_68 = tpu.memref_slice %arg4[%dma_wait3A_65, %dma_wait3A_66, %dma_wait3A_67] : memref<8000x1x80xi32, #tpu.memory_space<hbm>> -> memref<5x1x80xi32, #tpu.memory_space<hbm>>
    tpu.wait_dma2 semaphore(%arg16 : memref<!tpu.dma_semaphore, #tpu.memory_space<semaphore_mem>>) src(%dma_wait3A_68 : memref<5x1x80xi32, #tpu.memory_space<hbm>>) dst(%dma_wait3A_64 : memref<5x1x80xi32, #tpu.memory_space<vmem>>)
    %dma_wait3A_69 = arith.constant 0 : i32
    %dma_wait3A_70 = arith.constant 0 : i32
    %dma_wait3A_71 = arith.constant 0 : i32
    %dma_wait3A_72 = arith.constant 0 : i32
    %dma_wait3A_73 = tpu.memref_slice %arg9[%dma_wait3A_69, %dma_wait3A_70, %dma_wait3A_71, %dma_wait3A_72] : memref<2x5x1x80xi32, #tpu.memory_space<vmem>> -> memref<1x5x1x80xi32, #tpu.memory_space<vmem>>
    %dma_wait3A_74 = tpu.memref_squeeze %dma_wait3A_73 : memref<1x5x1x80xi32, #tpu.memory_space<vmem>> -> memref<5x1x80xi32, #tpu.memory_space<vmem>>
    %dma_wait3A_75 = arith.constant 0 : i32
    %dma_wait3A_76 = arith.constant 0 : i32
    %dma_wait3A_77 = arith.constant 0 : i32
    %dma_wait3A_78 = tpu.memref_slice %arg4[%dma_wait3A_75, %dma_wait3A_76, %dma_wait3A_77] : memref<8000x1x80xi32, #tpu.memory_space<hbm>> -> memref<5x1x80xi32, #tpu.memory_space<hbm>>
    %dma_wait3A_79 = arith.constant 0 : i32
    %dma_wait3A_80 = arith.constant 0 : i32
    %dma_wait3A_81 = arith.constant 0 : i32
    %dma_wait3A_82 = tpu.memref_slice %arg9[%dma_wait3A_69, %dma_wait3A_79, %dma_wait3A_80, %dma_wait3A_81] : memref<2x5x1x80xi32, #tpu.memory_space<vmem>> -> memref<1x5x1x80xi32, #tpu.memory_space<vmem>>
    %dma_wait3A_83 = tpu.memref_squeeze %dma_wait3A_82 : memref<1x5x1x80xi32, #tpu.memory_space<vmem>> -> memref<5x1x80xi32, #tpu.memory_space<vmem>>
    %dma_wait3A_84 = arith.constant 0 : i32
    %dma_wait3A_85 = arith.constant 0 : i32
    %dma_wait3A_86 = arith.constant 0 : i32
    %dma_wait3A_87 = tpu.memref_slice %arg4[%dma_wait3A_84, %dma_wait3A_85, %dma_wait3A_86] : memref<8000x1x80xi32, #tpu.memory_space<hbm>> -> memref<5x1x80xi32, #tpu.memory_space<hbm>>
    tpu.wait_dma2 semaphore(%arg16 : memref<!tpu.dma_semaphore, #tpu.memory_space<semaphore_mem>>) src(%dma_wait3A_87 : memref<5x1x80xi32, #tpu.memory_space<hbm>>) dst(%dma_wait3A_83 : memref<5x1x80xi32, #tpu.memory_space<vmem>>)
    %dma_start3A_88 = arith.constant 0 : i32
    %dma_start3A_89 = arith.constant 0 : i32
    %dma_start3A_90 = arith.constant 0 : i32
    %dma_start3A_91 = arith.constant 0 : i32
    %dma_start3A_92 = arith.constant 0 : i32
    %dma_start3A_93 = arith.constant 0 : i32
    %dma_start3A_94 = tpu.memref_slice %arg10[%dma_start3A_91, %dma_start3A_92, %dma_start3A_93] : memref<2x80x128xf32, #tpu.memory_space<vmem>> -> memref<1x80x128xf32, #tpu.memory_space<vmem>>
    %dma_start3A_95 = tpu.memref_squeeze %dma_start3A_94 : memref<1x80x128xf32, #tpu.memory_space<vmem>> -> memref<80x128xf32, #tpu.memory_space<vmem>>
    %dma_start3A_96 = arith.constant 0 : i32
    %dma_start3A_97 = tpu.memref_slice %arg8[%dma_start3A_88, %dma_start3A_89, %dma_start3A_90, %dma_start3A_96] : memref<2x5x1x80xi32, #tpu.memory_space<vmem>> -> memref<1x1x1x80xi32, #tpu.memory_space<vmem>>
    %dma_start3A_98 = tpu.memref_squeeze %dma_start3A_97 : memref<1x1x1x80xi32, #tpu.memory_space<vmem>> -> memref<80xi32, #tpu.memory_space<vmem>>
    %dma_start3A_99 = arith.constant 0 : i32
    %dma_start3A_100 = arith.constant 0 : i32
    %dma_start3A_101 = tpu.memref_slice %arg2[%dma_start3A_99, %dma_start3A_100] : memref<10000x128xf32, #tpu.memory_space<hbm>> -> memref<10000x128xf32, #tpu.memory_space<hbm>>
    tpu.enqueue_indirect_dma source(%dma_start3A_101 : memref<10000x128xf32, #tpu.memory_space<hbm>>) target(%dma_start3A_95 : memref<80x128xf32, #tpu.memory_space<vmem>>) offsets(%dma_start3A_98 : memref<80xi32, #tpu.memory_space<vmem>>) semaphore(%arg15 : memref<!tpu.dma_semaphore, #tpu.memory_space<semaphore_mem>>)
    %scan3A = arith.constant 0 : i32
    %scan3A_102 = arith.constant 0 : i32
    %scan3A_103 = arith.constant 0 : i32
    %scan3A_104 = arith.constant 125 : i32
    %scan3A_105 = arith.addi %scan3A_103, %scan3A_104 : i32
    %scan3A_106 = arith.constant 1 : i32
    %scan3A_107:2 = scf.for %scan3A_141 = %scan3A_103 to %scan3A_105 step %scan3A_106 iter_args(%scan3A_142 = %scan3A, %scan3A_143 = %scan3A_102) -> (i32, i32)  : i32 {
      %rem3A = arith.constant 2 : i32
      %rem3A_144 = arith.remsi %scan3A_141, %rem3A : i32
      %add3A_145 = arith.constant 1 : i32
      %add3A_146 = arith.addi %scan3A_141, %add3A_145 : i32
      %rem3A_147 = arith.constant 2 : i32
      %rem3A_148 = arith.remsi %add3A_146, %rem3A_147 : i32
      %rem3A_149 = arith.constant 2 : i32
      %rem3A_150 = arith.remsi %scan3A_142, %rem3A_149 : i32
      %eq3A = arith.constant 4 : i32
      %eq3A_151 = arith.cmpi eq, %scan3A_143, %eq3A : i32
      %add3A_152 = arith.constant 1 : i32
      %add3A_153 = arith.addi %scan3A_142, %add3A_152 : i32
      %rem3A_154 = arith.constant 2 : i32
      %rem3A_155 = arith.remsi %add3A_153, %rem3A_154 : i32
      %select_n3A = arith.select %eq3A_151, %rem3A_155, %rem3A_150 : i32
      %add3A_156 = arith.constant 1 : i32
      %add3A_157 = arith.addi %scan3A_143, %add3A_156 : i32
      %jit3A = arith.constant 0 : i32
      %select_n3A_158 = arith.select %eq3A_151, %jit3A, %add3A_157 : i32
      %add3A_159 = arith.constant 1 : i32
      %add3A_160 = arith.addi %scan3A_142, %add3A_159 : i32
      %select_n3A_161 = arith.select %eq3A_151, %add3A_160, %scan3A_142 : i32
      %dma_wait3A_162 = arith.constant 0 : i32
      %dma_wait3A_163 = arith.constant 0 : i32
      %dma_wait3A_164 = arith.constant 0 : i32
      %dma_wait3A_165 = arith.constant 0 : i32
      %dma_wait3A_166 = arith.constant 0 : i32
      %dma_wait3A_167 = tpu.memref_slice %arg10[%rem3A_144, %dma_wait3A_165, %dma_wait3A_166] : memref<2x80x128xf32, #tpu.memory_space<vmem>> -> memref<1x80x128xf32, #tpu.memory_space<vmem>>
      %dma_wait3A_168 = tpu.memref_squeeze %dma_wait3A_167 : memref<1x80x128xf32, #tpu.memory_space<vmem>> -> memref<80x128xf32, #tpu.memory_space<vmem>>
      %dma_wait3A_169 = arith.constant 0 : i32
      %dma_wait3A_170 = tpu.memref_slice %arg8[%dma_wait3A_162, %dma_wait3A_163, %dma_wait3A_164, %dma_wait3A_169] : memref<2x5x1x80xi32, #tpu.memory_space<vmem>> -> memref<1x1x1x80xi32, #tpu.memory_space<vmem>>
      %dma_wait3A_171 = tpu.memref_squeeze %dma_wait3A_170 : memref<1x1x1x80xi32, #tpu.memory_space<vmem>> -> memref<80xi32, #tpu.memory_space<vmem>>
      %dma_wait3A_172 = arith.constant 0 : i32
      %dma_wait3A_173 = arith.constant 0 : i32
      %dma_wait3A_174 = tpu.memref_slice %arg2[%dma_wait3A_172, %dma_wait3A_173] : memref<10000x128xf32, #tpu.memory_space<hbm>> -> memref<10000x128xf32, #tpu.memory_space<hbm>>
      tpu.wait_indirect_dma semaphore(%arg15 : memref<!tpu.dma_semaphore, #tpu.memory_space<semaphore_mem>>) src(%dma_wait3A_174 : memref<10000x128xf32, #tpu.memory_space<hbm>>) dst(%dma_wait3A_168 : memref<80x128xf32, #tpu.memory_space<vmem>>)
      %ge3A = arith.constant 1 : i32
      %ge3A_175 = arith.cmpi sge, %scan3A_141, %ge3A : i32
      %convert_element_type3A_176 = arith.extui %ge3A_175 : i1 to i32
      %cond3A_177 = arith.constant 0 : i32
      %cond3A_178 = arith.cmpi ne, %convert_element_type3A_176, %cond3A_177 : i32
      scf.if %cond3A_178 {
        %dma_wait3A_357 = arith.constant 0 : i32
        %dma_wait3A_358 = arith.constant 0 : i32
        %dma_wait3A_359 = arith.constant 0 : i32
        %dma_wait3A_360 = arith.constant 0 : i32
        %dma_wait3A_361 = arith.constant 0 : i32
        %dma_wait3A_362 = tpu.memref_slice %arg10[%rem3A_148, %dma_wait3A_360, %dma_wait3A_361] : memref<2x80x128xf32, #tpu.memory_space<vmem>> -> memref<1x80x128xf32, #tpu.memory_space<vmem>>
        %dma_wait3A_363 = tpu.memref_squeeze %dma_wait3A_362 : memref<1x80x128xf32, #tpu.memory_space<vmem>> -> memref<80x128xf32, #tpu.memory_space<vmem>>
        %dma_wait3A_364 = arith.constant 0 : i32
        %dma_wait3A_365 = tpu.memref_slice %arg9[%dma_wait3A_357, %dma_wait3A_358, %dma_wait3A_359, %dma_wait3A_364] : memref<2x5x1x80xi32, #tpu.memory_space<vmem>> -> memref<1x1x1x80xi32, #tpu.memory_space<vmem>>
        %dma_wait3A_366 = tpu.memref_squeeze %dma_wait3A_365 : memref<1x1x1x80xi32, #tpu.memory_space<vmem>> -> memref<80xi32, #tpu.memory_space<vmem>>
        %dma_wait3A_367 = arith.constant 0 : i32
        %dma_wait3A_368 = arith.constant 0 : i32
        %dma_wait3A_369 = tpu.memref_slice %arg13[%dma_wait3A_367, %dma_wait3A_368] : memref<10000x128xf32, #tpu.memory_space<vmem_shared>> -> memref<10000x128xf32, #tpu.memory_space<vmem_shared>>
        tpu.wait_indirect_dma semaphore(%arg17 : memref<!tpu.dma_semaphore, #tpu.memory_space<semaphore_mem>>) src(%dma_wait3A_363 : memref<80x128xf32, #tpu.memory_space<vmem>>) dst(%dma_wait3A_369 : memref<10000x128xf32, #tpu.memory_space<vmem_shared>>)
        %dma_wait3A_370 = arith.constant 0 : i32
        %dma_wait3A_371 = arith.constant 0 : i32
        %dma_wait3A_372 = arith.constant 0 : i32
        %dma_wait3A_373 = arith.constant 0 : i32
        %dma_wait3A_374 = tpu.memref_slice %arg11[%rem3A_148, %dma_wait3A_373] : memref<2x80xf32, #tpu.memory_space<vmem>> -> memref<1x80xf32, #tpu.memory_space<vmem>>
        %dma_wait3A_375 = tpu.memref_squeeze %dma_wait3A_374 : memref<1x80xf32, #tpu.memory_space<vmem>> -> memref<80xf32, #tpu.memory_space<vmem>>
        %dma_wait3A_376 = arith.constant 0 : i32
        %dma_wait3A_377 = tpu.memref_slice %arg9[%dma_wait3A_370, %dma_wait3A_371, %dma_wait3A_372, %dma_wait3A_376] : memref<2x5x1x80xi32, #tpu.memory_space<vmem>> -> memref<1x1x1x80xi32, #tpu.memory_space<vmem>>
        %dma_wait3A_378 = tpu.memref_squeeze %dma_wait3A_377 : memref<1x1x1x80xi32, #tpu.memory_space<vmem>> -> memref<80xi32, #tpu.memory_space<vmem>>
        %dma_wait3A_379 = arith.constant 0 : i32
        %dma_wait3A_380 = tpu.memref_slice %arg14[%dma_wait3A_379] : memref<10000xf32, #tpu.memory_space<vmem_shared>> -> memref<10000xf32, #tpu.memory_space<vmem_shared>>
        tpu.wait_indirect_dma semaphore(%arg17 : memref<!tpu.dma_semaphore, #tpu.memory_space<semaphore_mem>>) src(%dma_wait3A_375 : memref<80xf32, #tpu.memory_space<vmem>>) dst(%dma_wait3A_380 : memref<10000xf32, #tpu.memory_space<vmem_shared>>)
      } else {
      }
      %eq3A_179 = arith.constant 0 : i32
      %eq3A_180 = arith.cmpi eq, %scan3A_143, %eq3A_179 : i32
      %le3A = arith.constant 23 : i32
      %le3A_181 = arith.cmpi sle, %scan3A_142, %le3A : i32
      %and3A = arith.andi %eq3A_180, %le3A_181 : i1
      %convert_element_type3A_182 = arith.extui %and3A : i1 to i32
      %cond3A_183 = arith.constant 0 : i32
      %cond3A_184 = arith.cmpi ne, %convert_element_type3A_182, %cond3A_183 : i32
      scf.if %cond3A_184 {
        %add3A_357 = arith.constant 1 : i32
        %add3A_358 = arith.addi %scan3A_142, %add3A_357 : i32
        %add3A_359 = arith.constant 1 : i32
        %add3A_360 = arith.addi %scan3A_142, %add3A_359 : i32
        %rem3A_361 = arith.constant 2 : i32
        %rem3A_362 = arith.remsi %add3A_360, %rem3A_361 : i32
        %mul3A_363 = arith.constant 25 : i32
        %mul3A_364 = arith.muli %add3A, %mul3A_363 : i32
        %add3A_365 = arith.addi %mul3A_364, %add3A_358 : i32
        %mul3A_366 = arith.constant 5 : i32
        %mul3A_367 = arith.muli %add3A_365, %mul3A_366 : i32
        %dma_start3A_368 = arith.constant 0 : i32
        %dma_start3A_369 = arith.constant 0 : i32
        %dma_start3A_370 = arith.constant 0 : i32
        %dma_start3A_371 = tpu.memref_slice %arg8[%rem3A_362, %dma_start3A_368, %dma_start3A_369, %dma_start3A_370] : memref<2x5x1x80xi32, #tpu.memory_space<vmem>> -> memref<1x5x1x80xi32, #tpu.memory_space<vmem>>
        %dma_start3A_372 = tpu.memref_squeeze %dma_start3A_371 : memref<1x5x1x80xi32, #tpu.memory_space<vmem>> -> memref<5x1x80xi32, #tpu.memory_space<vmem>>
        %dma_start3A_373 = arith.constant 0 : i32
        %dma_start3A_374 = arith.constant 0 : i32
        %dma_start3A_375 = tpu.memref_slice %arg4[%mul3A_367, %dma_start3A_373, %dma_start3A_374] : memref<8000x1x80xi32, #tpu.memory_space<hbm>> -> memref<5x1x80xi32, #tpu.memory_space<hbm>>
        %dma_start3A_376 = arith.constant 0 : i32
        %dma_start3A_377 = arith.constant 0 : i32
        %dma_start3A_378 = arith.constant 0 : i32
        %dma_start3A_379 = tpu.memref_slice %arg8[%rem3A_362, %dma_start3A_376, %dma_start3A_377, %dma_start3A_378] : memref<2x5x1x80xi32, #tpu.memory_space<vmem>> -> memref<1x5x1x80xi32, #tpu.memory_space<vmem>>
        %dma_start3A_380 = tpu.memref_squeeze %dma_start3A_379 : memref<1x5x1x80xi32, #tpu.memory_space<vmem>> -> memref<5x1x80xi32, #tpu.memory_space<vmem>>
        %dma_start3A_381 = arith.constant 0 : i32
        %dma_start3A_382 = arith.constant 0 : i32
        %dma_start3A_383 = tpu.memref_slice %arg4[%mul3A_367, %dma_start3A_381, %dma_start3A_382] : memref<8000x1x80xi32, #tpu.memory_space<hbm>> -> memref<5x1x80xi32, #tpu.memory_space<hbm>>
        tpu.enqueue_dma source(%dma_start3A_383 : memref<5x1x80xi32, #tpu.memory_space<hbm>>) target(%dma_start3A_380 : memref<5x1x80xi32, #tpu.memory_space<vmem>>) target_semaphore(%arg16 : memref<!tpu.dma_semaphore, #tpu.memory_space<semaphore_mem>>)
        %add3A_384 = arith.constant 4000 : i32
        %add3A_385 = arith.addi %add3A_384, %mul3A_367 : i32
        %dma_start3A_386 = arith.constant 0 : i32
        %dma_start3A_387 = arith.constant 0 : i32
        %dma_start3A_388 = arith.constant 0 : i32
        %dma_start3A_389 = tpu.memref_slice %arg9[%rem3A_362, %dma_start3A_386, %dma_start3A_387, %dma_start3A_388] : memref<2x5x1x80xi32, #tpu.memory_space<vmem>> -> memref<1x5x1x80xi32, #tpu.memory_space<vmem>>
        %dma_start3A_390 = tpu.memref_squeeze %dma_start3A_389 : memref<1x5x1x80xi32, #tpu.memory_space<vmem>> -> memref<5x1x80xi32, #tpu.memory_space<vmem>>
        %dma_start3A_391 = arith.constant 0 : i32
        %dma_start3A_392 = arith.constant 0 : i32
        %dma_start3A_393 = tpu.memref_slice %arg4[%add3A_385, %dma_start3A_391, %dma_start3A_392] : memref<8000x1x80xi32, #tpu.memory_space<hbm>> -> memref<5x1x80xi32, #tpu.memory_space<hbm>>
        %dma_start3A_394 = arith.constant 0 : i32
        %dma_start3A_395 = arith.constant 0 : i32
        %dma_start3A_396 = arith.constant 0 : i32
        %dma_start3A_397 = tpu.memref_slice %arg9[%rem3A_362, %dma_start3A_394, %dma_start3A_395, %dma_start3A_396] : memref<2x5x1x80xi32, #tpu.memory_space<vmem>> -> memref<1x5x1x80xi32, #tpu.memory_space<vmem>>
        %dma_start3A_398 = tpu.memref_squeeze %dma_start3A_397 : memref<1x5x1x80xi32, #tpu.memory_space<vmem>> -> memref<5x1x80xi32, #tpu.memory_space<vmem>>
        %dma_start3A_399 = arith.constant 0 : i32
        %dma_start3A_400 = arith.constant 0 : i32
        %dma_start3A_401 = tpu.memref_slice %arg4[%add3A_385, %dma_start3A_399, %dma_start3A_400] : memref<8000x1x80xi32, #tpu.memory_space<hbm>> -> memref<5x1x80xi32, #tpu.memory_space<hbm>>
        tpu.enqueue_dma source(%dma_start3A_401 : memref<5x1x80xi32, #tpu.memory_space<hbm>>) target(%dma_start3A_398 : memref<5x1x80xi32, #tpu.memory_space<vmem>>) target_semaphore(%arg16 : memref<!tpu.dma_semaphore, #tpu.memory_space<semaphore_mem>>)
      } else {
      }
      %le3A_185 = arith.constant 123 : i32
      %le3A_186 = arith.cmpi sle, %scan3A_141, %le3A_185 : i32
      %convert_element_type3A_187 = arith.extui %le3A_186 : i1 to i32
      %cond3A_188 = arith.constant 0 : i32
      %cond3A_189 = arith.cmpi ne, %convert_element_type3A_187, %cond3A_188 : i32
      scf.if %cond3A_189 {
        %convert_element_type3A_357 = arith.extui %eq3A_151 : i1 to i32
        %cond3A_358 = arith.constant 0 : i32
        %cond3A_359 = arith.cmpi ne, %convert_element_type3A_357, %cond3A_358 : i32
        scf.if %cond3A_359 {
          %add3A_371 = arith.constant 1 : i32
          %add3A_372 = arith.addi %scan3A_142, %add3A_371 : i32
          %rem3A_373 = arith.constant 2 : i32
          %rem3A_374 = arith.remsi %add3A_372, %rem3A_373 : i32
          %dma_wait3A_375 = arith.constant 0 : i32
          %dma_wait3A_376 = arith.constant 0 : i32
          %dma_wait3A_377 = arith.constant 0 : i32
          %dma_wait3A_378 = tpu.memref_slice %arg8[%rem3A_374, %dma_wait3A_375, %dma_wait3A_376, %dma_wait3A_377] : memref<2x5x1x80xi32, #tpu.memory_space<vmem>> -> memref<1x5x1x80xi32, #tpu.memory_space<vmem>>
          %dma_wait3A_379 = tpu.memref_squeeze %dma_wait3A_378 : memref<1x5x1x80xi32, #tpu.memory_space<vmem>> -> memref<5x1x80xi32, #tpu.memory_space<vmem>>
          %dma_wait3A_380 = arith.constant 0 : i32
          %dma_wait3A_381 = arith.constant 0 : i32
          %dma_wait3A_382 = arith.constant 0 : i32
          %dma_wait3A_383 = tpu.memref_slice %arg4[%dma_wait3A_380, %dma_wait3A_381, %dma_wait3A_382] : memref<8000x1x80xi32, #tpu.memory_space<hbm>> -> memref<5x1x80xi32, #tpu.memory_space<hbm>>
          %dma_wait3A_384 = arith.constant 0 : i32
          %dma_wait3A_385 = arith.constant 0 : i32
          %dma_wait3A_386 = arith.constant 0 : i32
          %dma_wait3A_387 = tpu.memref_slice %arg8[%rem3A_374, %dma_wait3A_384, %dma_wait3A_385, %dma_wait3A_386] : memref<2x5x1x80xi32, #tpu.memory_space<vmem>> -> memref<1x5x1x80xi32, #tpu.memory_space<vmem>>
          %dma_wait3A_388 = tpu.memref_squeeze %dma_wait3A_387 : memref<1x5x1x80xi32, #tpu.memory_space<vmem>> -> memref<5x1x80xi32, #tpu.memory_space<vmem>>
          %dma_wait3A_389 = arith.constant 0 : i32
          %dma_wait3A_390 = arith.constant 0 : i32
          %dma_wait3A_391 = arith.constant 0 : i32
          %dma_wait3A_392 = tpu.memref_slice %arg4[%dma_wait3A_389, %dma_wait3A_390, %dma_wait3A_391] : memref<8000x1x80xi32, #tpu.memory_space<hbm>> -> memref<5x1x80xi32, #tpu.memory_space<hbm>>
          tpu.wait_dma2 semaphore(%arg16 : memref<!tpu.dma_semaphore, #tpu.memory_space<semaphore_mem>>) src(%dma_wait3A_392 : memref<5x1x80xi32, #tpu.memory_space<hbm>>) dst(%dma_wait3A_388 : memref<5x1x80xi32, #tpu.memory_space<vmem>>)
          %dma_wait3A_393 = arith.constant 0 : i32
          %dma_wait3A_394 = arith.constant 0 : i32
          %dma_wait3A_395 = arith.constant 0 : i32
          %dma_wait3A_396 = tpu.memref_slice %arg9[%rem3A_374, %dma_wait3A_393, %dma_wait3A_394, %dma_wait3A_395] : memref<2x5x1x80xi32, #tpu.memory_space<vmem>> -> memref<1x5x1x80xi32, #tpu.memory_space<vmem>>
          %dma_wait3A_397 = tpu.memref_squeeze %dma_wait3A_396 : memref<1x5x1x80xi32, #tpu.memory_space<vmem>> -> memref<5x1x80xi32, #tpu.memory_space<vmem>>
          %dma_wait3A_398 = arith.constant 0 : i32
          %dma_wait3A_399 = arith.constant 0 : i32
          %dma_wait3A_400 = arith.constant 0 : i32
          %dma_wait3A_401 = tpu.memref_slice %arg4[%dma_wait3A_398, %dma_wait3A_399, %dma_wait3A_400] : memref<8000x1x80xi32, #tpu.memory_space<hbm>> -> memref<5x1x80xi32, #tpu.memory_space<hbm>>
          %dma_wait3A_402 = arith.constant 0 : i32
          %dma_wait3A_403 = arith.constant 0 : i32
          %dma_wait3A_404 = arith.constant 0 : i32
          %dma_wait3A_405 = tpu.memref_slice %arg9[%rem3A_374, %dma_wait3A_402, %dma_wait3A_403, %dma_wait3A_404] : memref<2x5x1x80xi32, #tpu.memory_space<vmem>> -> memref<1x5x1x80xi32, #tpu.memory_space<vmem>>
          %dma_wait3A_406 = tpu.memref_squeeze %dma_wait3A_405 : memref<1x5x1x80xi32, #tpu.memory_space<vmem>> -> memref<5x1x80xi32, #tpu.memory_space<vmem>>
          %dma_wait3A_407 = arith.constant 0 : i32
          %dma_wait3A_408 = arith.constant 0 : i32
          %dma_wait3A_409 = arith.constant 0 : i32
          %dma_wait3A_410 = tpu.memref_slice %arg4[%dma_wait3A_407, %dma_wait3A_408, %dma_wait3A_409] : memref<8000x1x80xi32, #tpu.memory_space<hbm>> -> memref<5x1x80xi32, #tpu.memory_space<hbm>>
          tpu.wait_dma2 semaphore(%arg16 : memref<!tpu.dma_semaphore, #tpu.memory_space<semaphore_mem>>) src(%dma_wait3A_410 : memref<5x1x80xi32, #tpu.memory_space<hbm>>) dst(%dma_wait3A_406 : memref<5x1x80xi32, #tpu.memory_space<vmem>>)
        } else {
        }
        %dma_start3A_360 = arith.constant 0 : i32
        %dma_start3A_361 = arith.constant 0 : i32
        %dma_start3A_362 = arith.constant 0 : i32
        %dma_start3A_363 = tpu.memref_slice %arg10[%rem3A_148, %dma_start3A_361, %dma_start3A_362] : memref<2x80x128xf32, #tpu.memory_space<vmem>> -> memref<1x80x128xf32, #tpu.memory_space<vmem>>
        %dma_start3A_364 = tpu.memref_squeeze %dma_start3A_363 : memref<1x80x128xf32, #tpu.memory_space<vmem>> -> memref<80x128xf32, #tpu.memory_space<vmem>>
        %dma_start3A_365 = arith.constant 0 : i32
        %dma_start3A_366 = tpu.memref_slice %arg8[%select_n3A, %select_n3A_158, %dma_start3A_360, %dma_start3A_365] : memref<2x5x1x80xi32, #tpu.memory_space<vmem>> -> memref<1x1x1x80xi32, #tpu.memory_space<vmem>>
        %dma_start3A_367 = tpu.memref_squeeze %dma_start3A_366 : memref<1x1x1x80xi32, #tpu.memory_space<vmem>> -> memref<80xi32, #tpu.memory_space<vmem>>
        %dma_start3A_368 = arith.constant 0 : i32
        %dma_start3A_369 = arith.constant 0 : i32
        %dma_start3A_370 = tpu.memref_slice %arg2[%dma_start3A_368, %dma_start3A_369] : memref<10000x128xf32, #tpu.memory_space<hbm>> -> memref<10000x128xf32, #tpu.memory_space<hbm>>
        tpu.enqueue_indirect_dma source(%dma_start3A_370 : memref<10000x128xf32, #tpu.memory_space<hbm>>) target(%dma_start3A_364 : memref<80x128xf32, #tpu.memory_space<vmem>>) offsets(%dma_start3A_367 : memref<80xi32, #tpu.memory_space<vmem>>) semaphore(%arg15 : memref<!tpu.dma_semaphore, #tpu.memory_space<semaphore_mem>>)
      } else {
      }
      %get3A = arith.constant 0 : i32
      %get3A_190 = arith.index_cast %rem3A_150 : i32 to index
      %get3A_191 = arith.index_cast %scan3A_143 : i32 to index
      %get3A_192 = arith.index_cast %get3A : i32 to index
      %get3A_193 = arith.constant 0 : index
      %get3A_194 = tpu.vector_load %arg8[%get3A_190, %get3A_191, %get3A_192, %get3A_193] {strides = array<i32>} : memref<2x5x1x80xi32, #tpu.memory_space<vmem>>, vector<16xi32>,
      %get3A_195 = arith.constant 0 : i32
      %get3A_196 = arith.index_cast %rem3A_150 : i32 to index
      %get3A_197 = arith.index_cast %scan3A_143 : i32 to index
      %get3A_198 = arith.index_cast %get3A_195 : i32 to index
      %get3A_199 = arith.constant 0 : index
      %get3A_200 = tpu.vector_load %arg9[%get3A_196, %get3A_197, %get3A_198, %get3A_199] {strides = array<i32>} : memref<2x5x1x80xi32, #tpu.memory_space<vmem>>, vector<16xi32>,
      %mul3A_201 = arith.muli %get3A_194, %broadcast_in_dim3A_7 : vector<16xi32>
      %gather3A = tpu.vector_load_idx %arg7[%mul3A_201] : memref<20000xf32, #tpu.memory_space<vmem>>[vector<16xi32>], vector<16xf32>,
      %mul3A_202 = arith.muli %get3A_200, %broadcast_in_dim3A_7 : vector<16xi32>
      %add3A_203 = arith.addi %mul3A_202, %broadcast_in_dim3A_9 : vector<16xi32>
      %gather3A_204 = tpu.vector_load_idx %arg7[%add3A_203] : memref<20000xf32, #tpu.memory_space<vmem>>[vector<16xi32>], vector<16xf32>,
      %add3A_205 = arith.addf %gather3A, %gather3A_204 : vector<16xf32>
      %ge3A_206 = arith.constant 0.000000e+00 : f32
      %ge3A_207 = vector.broadcast %ge3A_206 : f32 to vector<16xf32>
      %ge3A_208 = arith.cmpf oge, %add3A_205, %ge3A_207 : vector<16xf32>
      %mul3A_209 = arith.constant 2.000000e-01 : f32
      %mul3A_210 = vector.broadcast %mul3A_209 : f32 to vector<16xf32>
      %mul3A_211 = arith.mulf %mul3A_210, %add3A_205 : vector<16xf32>
      %select_n3A_212 = arith.select %ge3A_208, %add3A_205, %mul3A_211 : vector<16xi1>, vector<16xf32>
      %exp3A = math.exp %select_n3A_212 : vector<16xf32>
      %swap3A = arith.index_cast %rem3A_144 : i32 to index
      %swap3A_213 = arith.constant 0 : index
      %swap3A_214 = tpu.vector_load %arg11[%swap3A, %swap3A_213] {strides = array<i32>} : memref<2x80xf32, #tpu.memory_space<vmem>>, vector<16xf32>,
      tpu.vector_store %arg11[%swap3A, %swap3A_213], %exp3A {strides = array<i32>} : memref<2x80xf32, #tpu.memory_space<vmem>>, vector<16xf32>,
      %get3A_215 = arith.constant 0 : i32
      %get3A_216 = arith.index_cast %rem3A_150 : i32 to index
      %get3A_217 = arith.index_cast %scan3A_143 : i32 to index
      %get3A_218 = arith.index_cast %get3A_215 : i32 to index
      %get3A_219 = arith.constant 16 : index
      %get3A_220 = tpu.vector_load %arg8[%get3A_216, %get3A_217, %get3A_218, %get3A_219] {strides = array<i32>} : memref<2x5x1x80xi32, #tpu.memory_space<vmem>>, vector<16xi32>,
      %get3A_221 = arith.constant 0 : i32
      %get3A_222 = arith.index_cast %rem3A_150 : i32 to index
      %get3A_223 = arith.index_cast %scan3A_143 : i32 to index
      %get3A_224 = arith.index_cast %get3A_221 : i32 to index
      %get3A_225 = arith.constant 16 : index
      %get3A_226 = tpu.vector_load %arg9[%get3A_222, %get3A_223, %get3A_224, %get3A_225] {strides = array<i32>} : memref<2x5x1x80xi32, #tpu.memory_space<vmem>>, vector<16xi32>,
      %mul3A_227 = arith.muli %get3A_220, %broadcast_in_dim3A_7 : vector<16xi32>
      %gather3A_228 = tpu.vector_load_idx %arg7[%mul3A_227] : memref<20000xf32, #tpu.memory_space<vmem>>[vector<16xi32>], vector<16xf32>,
      %mul3A_229 = arith.muli %get3A_226, %broadcast_in_dim3A_7 : vector<16xi32>
      %add3A_230 = arith.addi %mul3A_229, %broadcast_in_dim3A_9 : vector<16xi32>
      %gather3A_231 = tpu.vector_load_idx %arg7[%add3A_230] : memref<20000xf32, #tpu.memory_space<vmem>>[vector<16xi32>], vector<16xf32>,
      %add3A_232 = arith.addf %gather3A_228, %gather3A_231 : vector<16xf32>
      %ge3A_233 = arith.constant 0.000000e+00 : f32
      %ge3A_234 = vector.broadcast %ge3A_233 : f32 to vector<16xf32>
      %ge3A_235 = arith.cmpf oge, %add3A_232, %ge3A_234 : vector<16xf32>
      %mul3A_236 = arith.constant 2.000000e-01 : f32
      %mul3A_237 = vector.broadcast %mul3A_236 : f32 to vector<16xf32>
      %mul3A_238 = arith.mulf %mul3A_237, %add3A_232 : vector<16xf32>
      %select_n3A_239 = arith.select %ge3A_235, %add3A_232, %mul3A_238 : vector<16xi1>, vector<16xf32>
      %exp3A_240 = math.exp %select_n3A_239 : vector<16xf32>
      %swap3A_241 = arith.index_cast %rem3A_144 : i32 to index
      %swap3A_242 = arith.constant 16 : index
      %swap3A_243 = tpu.vector_load %arg11[%swap3A_241, %swap3A_242] {strides = array<i32>} : memref<2x80xf32, #tpu.memory_space<vmem>>, vector<16xf32>,
      tpu.vector_store %arg11[%swap3A_241, %swap3A_242], %exp3A_240 {strides = array<i32>} : memref<2x80xf32, #tpu.memory_space<vmem>>, vector<16xf32>,
      %get3A_244 = arith.constant 0 : i32
      %get3A_245 = arith.index_cast %rem3A_150 : i32 to index
      %get3A_246 = arith.index_cast %scan3A_143 : i32 to index
      %get3A_247 = arith.index_cast %get3A_244 : i32 to index
      %get3A_248 = arith.constant 32 : index
      %get3A_249 = tpu.vector_load %arg8[%get3A_245, %get3A_246, %get3A_247, %get3A_248] {strides = array<i32>} : memref<2x5x1x80xi32, #tpu.memory_space<vmem>>, vector<16xi32>,
      %get3A_250 = arith.constant 0 : i32
      %get3A_251 = arith.index_cast %rem3A_150 : i32 to index
      %get3A_252 = arith.index_cast %scan3A_143 : i32 to index
      %get3A_253 = arith.index_cast %get3A_250 : i32 to index
      %get3A_254 = arith.constant 32 : index
      %get3A_255 = tpu.vector_load %arg9[%get3A_251, %get3A_252, %get3A_253, %get3A_254] {strides = array<i32>} : memref<2x5x1x80xi32, #tpu.memory_space<vmem>>, vector<16xi32>,
      %mul3A_256 = arith.muli %get3A_249, %broadcast_in_dim3A_7 : vector<16xi32>
      %gather3A_257 = tpu.vector_load_idx %arg7[%mul3A_256] : memref<20000xf32, #tpu.memory_space<vmem>>[vector<16xi32>], vector<16xf32>,
      %mul3A_258 = arith.muli %get3A_255, %broadcast_in_dim3A_7 : vector<16xi32>
      %add3A_259 = arith.addi %mul3A_258, %broadcast_in_dim3A_9 : vector<16xi32>
      %gather3A_260 = tpu.vector_load_idx %arg7[%add3A_259] : memref<20000xf32, #tpu.memory_space<vmem>>[vector<16xi32>], vector<16xf32>,
      %add3A_261 = arith.addf %gather3A_257, %gather3A_260 : vector<16xf32>
      %ge3A_262 = arith.constant 0.000000e+00 : f32
      %ge3A_263 = vector.broadcast %ge3A_262 : f32 to vector<16xf32>
      %ge3A_264 = arith.cmpf oge, %add3A_261, %ge3A_263 : vector<16xf32>
      %mul3A_265 = arith.constant 2.000000e-01 : f32
      %mul3A_266 = vector.broadcast %mul3A_265 : f32 to vector<16xf32>
      %mul3A_267 = arith.mulf %mul3A_266, %add3A_261 : vector<16xf32>
      %select_n3A_268 = arith.select %ge3A_264, %add3A_261, %mul3A_267 : vector<16xi1>, vector<16xf32>
      %exp3A_269 = math.exp %select_n3A_268 : vector<16xf32>
      %swap3A_270 = arith.index_cast %rem3A_144 : i32 to index
      %swap3A_271 = arith.constant 32 : index
      %swap3A_272 = tpu.vector_load %arg11[%swap3A_270, %swap3A_271] {strides = array<i32>} : memref<2x80xf32, #tpu.memory_space<vmem>>, vector<16xf32>,
      tpu.vector_store %arg11[%swap3A_270, %swap3A_271], %exp3A_269 {strides = array<i32>} : memref<2x80xf32, #tpu.memory_space<vmem>>, vector<16xf32>,
      %get3A_273 = arith.constant 0 : i32
      %get3A_274 = arith.index_cast %rem3A_150 : i32 to index
      %get3A_275 = arith.index_cast %scan3A_143 : i32 to index
      %get3A_276 = arith.index_cast %get3A_273 : i32 to index
      %get3A_277 = arith.constant 48 : index
      %get3A_278 = tpu.vector_load %arg8[%get3A_274, %get3A_275, %get3A_276, %get3A_277] {strides = array<i32>} : memref<2x5x1x80xi32, #tpu.memory_space<vmem>>, vector<16xi32>,
      %get3A_279 = arith.constant 0 : i32
      %get3A_280 = arith.index_cast %rem3A_150 : i32 to index
      %get3A_281 = arith.index_cast %scan3A_143 : i32 to index
      %get3A_282 = arith.index_cast %get3A_279 : i32 to index
      %get3A_283 = arith.constant 48 : index
      %get3A_284 = tpu.vector_load %arg9[%get3A_280, %get3A_281, %get3A_282, %get3A_283] {strides = array<i32>} : memref<2x5x1x80xi32, #tpu.memory_space<vmem>>, vector<16xi32>,
      %mul3A_285 = arith.muli %get3A_278, %broadcast_in_dim3A_7 : vector<16xi32>
      %gather3A_286 = tpu.vector_load_idx %arg7[%mul3A_285] : memref<20000xf32, #tpu.memory_space<vmem>>[vector<16xi32>], vector<16xf32>,
      %mul3A_287 = arith.muli %get3A_284, %broadcast_in_dim3A_7 : vector<16xi32>
      %add3A_288 = arith.addi %mul3A_287, %broadcast_in_dim3A_9 : vector<16xi32>
      %gather3A_289 = tpu.vector_load_idx %arg7[%add3A_288] : memref<20000xf32, #tpu.memory_space<vmem>>[vector<16xi32>], vector<16xf32>,
      %add3A_290 = arith.addf %gather3A_286, %gather3A_289 : vector<16xf32>
      %ge3A_291 = arith.constant 0.000000e+00 : f32
      %ge3A_292 = vector.broadcast %ge3A_291 : f32 to vector<16xf32>
      %ge3A_293 = arith.cmpf oge, %add3A_290, %ge3A_292 : vector<16xf32>
      %mul3A_294 = arith.constant 2.000000e-01 : f32
      %mul3A_295 = vector.broadcast %mul3A_294 : f32 to vector<16xf32>
      %mul3A_296 = arith.mulf %mul3A_295, %add3A_290 : vector<16xf32>
      %select_n3A_297 = arith.select %ge3A_293, %add3A_290, %mul3A_296 : vector<16xi1>, vector<16xf32>
      %exp3A_298 = math.exp %select_n3A_297 : vector<16xf32>
      %swap3A_299 = arith.index_cast %rem3A_144 : i32 to index
      %swap3A_300 = arith.constant 48 : index
      %swap3A_301 = tpu.vector_load %arg11[%swap3A_299, %swap3A_300] {strides = array<i32>} : memref<2x80xf32, #tpu.memory_space<vmem>>, vector<16xf32>,
      tpu.vector_store %arg11[%swap3A_299, %swap3A_300], %exp3A_298 {strides = array<i32>} : memref<2x80xf32, #tpu.memory_space<vmem>>, vector<16xf32>,
      %get3A_302 = arith.constant 0 : i32
      %get3A_303 = arith.index_cast %rem3A_150 : i32 to index
      %get3A_304 = arith.index_cast %scan3A_143 : i32 to index
      %get3A_305 = arith.index_cast %get3A_302 : i32 to index
      %get3A_306 = arith.constant 64 : index
      %get3A_307 = tpu.vector_load %arg8[%get3A_303, %get3A_304, %get3A_305, %get3A_306] {strides = array<i32>} : memref<2x5x1x80xi32, #tpu.memory_space<vmem>>, vector<16xi32>,
      %get3A_308 = arith.constant 0 : i32
      %get3A_309 = arith.index_cast %rem3A_150 : i32 to index
      %get3A_310 = arith.index_cast %scan3A_143 : i32 to index
      %get3A_311 = arith.index_cast %get3A_308 : i32 to index
      %get3A_312 = arith.constant 64 : index
      %get3A_313 = tpu.vector_load %arg9[%get3A_309, %get3A_310, %get3A_311, %get3A_312] {strides = array<i32>} : memref<2x5x1x80xi32, #tpu.memory_space<vmem>>, vector<16xi32>,
      %mul3A_314 = arith.muli %get3A_307, %broadcast_in_dim3A_7 : vector<16xi32>
      %gather3A_315 = tpu.vector_load_idx %arg7[%mul3A_314] : memref<20000xf32, #tpu.memory_space<vmem>>[vector<16xi32>], vector<16xf32>,
      %mul3A_316 = arith.muli %get3A_313, %broadcast_in_dim3A_7 : vector<16xi32>
      %add3A_317 = arith.addi %mul3A_316, %broadcast_in_dim3A_9 : vector<16xi32>
      %gather3A_318 = tpu.vector_load_idx %arg7[%add3A_317] : memref<20000xf32, #tpu.memory_space<vmem>>[vector<16xi32>], vector<16xf32>,
      %add3A_319 = arith.addf %gather3A_315, %gather3A_318 : vector<16xf32>
      %ge3A_320 = arith.constant 0.000000e+00 : f32
      %ge3A_321 = vector.broadcast %ge3A_320 : f32 to vector<16xf32>
      %ge3A_322 = arith.cmpf oge, %add3A_319, %ge3A_321 : vector<16xf32>
      %mul3A_323 = arith.constant 2.000000e-01 : f32
      %mul3A_324 = vector.broadcast %mul3A_323 : f32 to vector<16xf32>
      %mul3A_325 = arith.mulf %mul3A_324, %add3A_319 : vector<16xf32>
      %select_n3A_326 = arith.select %ge3A_322, %add3A_319, %mul3A_325 : vector<16xi1>, vector<16xf32>
      %exp3A_327 = math.exp %select_n3A_326 : vector<16xf32>
      %swap3A_328 = arith.index_cast %rem3A_144 : i32 to index
      %swap3A_329 = arith.constant 64 : index
      %swap3A_330 = tpu.vector_load %arg11[%swap3A_328, %swap3A_329] {strides = array<i32>} : memref<2x80xf32, #tpu.memory_space<vmem>>, vector<16xf32>,
      tpu.vector_store %arg11[%swap3A_328, %swap3A_329], %exp3A_327 {strides = array<i32>} : memref<2x80xf32, #tpu.memory_space<vmem>>, vector<16xf32>,
      %scan3A_331 = arith.constant 0 : i32
      %scan3A_332 = arith.constant 0 : i32
      %scan3A_333 = arith.constant 80 : i32
      %scan3A_334 = arith.addi %scan3A_332, %scan3A_333 : i32
      %scan3A_335 = arith.constant 4 : i32
      scf.for %scan3A_357 = %scan3A_332 to %scan3A_334 step %scan3A_335  : i32 {
        %broadcast_in_dim3A_358 = arith.constant 0 : i32
        %broadcast_in_dim3A_359 = vector.broadcast %broadcast_in_dim3A_358 : i32 to vector<16xi32>
        %add3A_360 = vector.broadcast %scan3A_357 : i32 to vector<16xi32>
        %add3A_361 = arith.addi %broadcast_in_dim3A_359, %add3A_360 : vector<16xi32>
        %gather3A_362 = arith.constant 0 : i32
        %gather3A_363 = tpu.memref_slice %arg11[%rem3A_144, %gather3A_362] : memref<2x80xf32, #tpu.memory_space<vmem>> -> memref<1x80xf32, #tpu.memory_space<vmem>>
        %gather3A_364 = tpu.memref_squeeze %gather3A_363 : memref<1x80xf32, #tpu.memory_space<vmem>> -> memref<80xf32, #tpu.memory_space<vmem>>
        %gather3A_365 = tpu.vector_load_idx %gather3A_364[%add3A_361] : memref<80xf32, #tpu.memory_space<vmem>>[vector<16xi32>], vector<16xf32>,
        %get3A_366 = arith.index_cast %rem3A_144 : i32 to index
        %get3A_367 = arith.index_cast %scan3A_357 : i32 to index
        %get3A_368 = arith.constant 0 : index
        %get3A_369 = tpu.vector_load %arg10[%get3A_366, %get3A_367, %get3A_368] {strides = array<i32>} : memref<2x80x128xf32, #tpu.memory_space<vmem>>, vector<16xf32>,
        %mul3A_370 = arith.mulf %get3A_369, %gather3A_365 : vector<16xf32>
        %swap3A_371 = arith.index_cast %rem3A_144 : i32 to index
        %swap3A_372 = arith.index_cast %scan3A_357 : i32 to index
        %swap3A_373 = arith.constant 0 : index
        %swap3A_374 = tpu.vector_load %arg10[%swap3A_371, %swap3A_372, %swap3A_373] {strides = array<i32>} : memref<2x80x128xf32, #tpu.memory_space<vmem>>, vector<16xf32>,
        tpu.vector_store %arg10[%swap3A_371, %swap3A_372, %swap3A_373], %mul3A_370 {strides = array<i32>} : memref<2x80x128xf32, #tpu.memory_space<vmem>>, vector<16xf32>,
        %get3A_375 = arith.index_cast %rem3A_144 : i32 to index
        %get3A_376 = arith.index_cast %scan3A_357 : i32 to index
        %get3A_377 = arith.constant 16 : index
        %get3A_378 = tpu.vector_load %arg10[%get3A_375, %get3A_376, %get3A_377] {strides = array<i32>} : memref<2x80x128xf32, #tpu.memory_space<vmem>>, vector<16xf32>,
        %mul3A_379 = arith.mulf %get3A_378, %gather3A_365 : vector<16xf32>
        %swap3A_380 = arith.index_cast %rem3A_144 : i32 to index
        %swap3A_381 = arith.index_cast %scan3A_357 : i32 to index
        %swap3A_382 = arith.constant 16 : index
        %swap3A_383 = tpu.vector_load %arg10[%swap3A_380, %swap3A_381, %swap3A_382] {strides = array<i32>} : memref<2x80x128xf32, #tpu.memory_space<vmem>>, vector<16xf32>,
        tpu.vector_store %arg10[%swap3A_380, %swap3A_381, %swap3A_382], %mul3A_379 {strides = array<i32>} : memref<2x80x128xf32, #tpu.memory_space<vmem>>, vector<16xf32>,
        %get3A_384 = arith.index_cast %rem3A_144 : i32 to index
        %get3A_385 = arith.index_cast %scan3A_357 : i32 to index
        %get3A_386 = arith.constant 32 : index
        %get3A_387 = tpu.vector_load %arg10[%get3A_384, %get3A_385, %get3A_386] {strides = array<i32>} : memref<2x80x128xf32, #tpu.memory_space<vmem>>, vector<16xf32>,
        %mul3A_388 = arith.mulf %get3A_387, %gather3A_365 : vector<16xf32>
        %swap3A_389 = arith.index_cast %rem3A_144 : i32 to index
        %swap3A_390 = arith.index_cast %scan3A_357 : i32 to index
        %swap3A_391 = arith.constant 32 : index
        %swap3A_392 = tpu.vector_load %arg10[%swap3A_389, %swap3A_390, %swap3A_391] {strides = array<i32>} : memref<2x80x128xf32, #tpu.memory_space<vmem>>, vector<16xf32>,
        tpu.vector_store %arg10[%swap3A_389, %swap3A_390, %swap3A_391], %mul3A_388 {strides = array<i32>} : memref<2x80x128xf32, #tpu.memory_space<vmem>>, vector<16xf32>,
        %get3A_393 = arith.index_cast %rem3A_144 : i32 to index
        %get3A_394 = arith.index_cast %scan3A_357 : i32 to index
        %get3A_395 = arith.constant 48 : index
        %get3A_396 = tpu.vector_load %arg10[%get3A_393, %get3A_394, %get3A_395] {strides = array<i32>} : memref<2x80x128xf32, #tpu.memory_space<vmem>>, vector<16xf32>,
        %mul3A_397 = arith.mulf %get3A_396, %gather3A_365 : vector<16xf32>
        %swap3A_398 = arith.index_cast %rem3A_144 : i32 to index
        %swap3A_399 = arith.index_cast %scan3A_357 : i32 to index
        %swap3A_400 = arith.constant 48 : index
        %swap3A_401 = tpu.vector_load %arg10[%swap3A_398, %swap3A_399, %swap3A_400] {strides = array<i32>} : memref<2x80x128xf32, #tpu.memory_space<vmem>>, vector<16xf32>,
        tpu.vector_store %arg10[%swap3A_398, %swap3A_399, %swap3A_400], %mul3A_397 {strides = array<i32>} : memref<2x80x128xf32, #tpu.memory_space<vmem>>, vector<16xf32>,
        %get3A_402 = arith.index_cast %rem3A_144 : i32 to index
        %get3A_403 = arith.index_cast %scan3A_357 : i32 to index
        %get3A_404 = arith.constant 64 : index
        %get3A_405 = tpu.vector_load %arg10[%get3A_402, %get3A_403, %get3A_404] {strides = array<i32>} : memref<2x80x128xf32, #tpu.memory_space<vmem>>, vector<16xf32>,
        %mul3A_406 = arith.mulf %get3A_405, %gather3A_365 : vector<16xf32>
        %swap3A_407 = arith.index_cast %rem3A_144 : i32 to index
        %swap3A_408 = arith.index_cast %scan3A_357 : i32 to index
        %swap3A_409 = arith.constant 64 : index
        %swap3A_410 = tpu.vector_load %arg10[%swap3A_407, %swap3A_408, %swap3A_409] {strides = array<i32>} : memref<2x80x128xf32, #tpu.memory_space<vmem>>, vector<16xf32>,
        tpu.vector_store %arg10[%swap3A_407, %swap3A_408, %swap3A_409], %mul3A_406 {strides = array<i32>} : memref<2x80x128xf32, #tpu.memory_space<vmem>>, vector<16xf32>,
        %get3A_411 = arith.index_cast %rem3A_144 : i32 to index
        %get3A_412 = arith.index_cast %scan3A_357 : i32 to index
        %get3A_413 = arith.constant 80 : index
        %get3A_414 = tpu.vector_load %arg10[%get3A_411, %get3A_412, %get3A_413] {strides = array<i32>} : memref<2x80x128xf32, #tpu.memory_space<vmem>>, vector<16xf32>,
        %mul3A_415 = arith.mulf %get3A_414, %gather3A_365 : vector<16xf32>
        %swap3A_416 = arith.index_cast %rem3A_144 : i32 to index
        %swap3A_417 = arith.index_cast %scan3A_357 : i32 to index
        %swap3A_418 = arith.constant 80 : index
        %swap3A_419 = tpu.vector_load %arg10[%swap3A_416, %swap3A_417, %swap3A_418] {strides = array<i32>} : memref<2x80x128xf32, #tpu.memory_space<vmem>>, vector<16xf32>,
        tpu.vector_store %arg10[%swap3A_416, %swap3A_417, %swap3A_418], %mul3A_415 {strides = array<i32>} : memref<2x80x128xf32, #tpu.memory_space<vmem>>, vector<16xf32>,
        %get3A_420 = arith.index_cast %rem3A_144 : i32 to index
        %get3A_421 = arith.index_cast %scan3A_357 : i32 to index
        %get3A_422 = arith.constant 96 : index
        %get3A_423 = tpu.vector_load %arg10[%get3A_420, %get3A_421, %get3A_422] {strides = array<i32>} : memref<2x80x128xf32, #tpu.memory_space<vmem>>, vector<16xf32>,
        %mul3A_424 = arith.mulf %get3A_423, %gather3A_365 : vector<16xf32>
        %swap3A_425 = arith.index_cast %rem3A_144 : i32 to index
        %swap3A_426 = arith.index_cast %scan3A_357 : i32 to index
        %swap3A_427 = arith.constant 96 : index
        %swap3A_428 = tpu.vector_load %arg10[%swap3A_425, %swap3A_426, %swap3A_427] {strides = array<i32>} : memref<2x80x128xf32, #tpu.memory_space<vmem>>, vector<16xf32>,
        tpu.vector_store %arg10[%swap3A_425, %swap3A_426, %swap3A_427], %mul3A_424 {strides = array<i32>} : memref<2x80x128xf32, #tpu.memory_space<vmem>>, vector<16xf32>,
        %get3A_429 = arith.index_cast %rem3A_144 : i32 to index
        %get3A_430 = arith.index_cast %scan3A_357 : i32 to index
        %get3A_431 = arith.constant 112 : index
        %get3A_432 = tpu.vector_load %arg10[%get3A_429, %get3A_430, %get3A_431] {strides = array<i32>} : memref<2x80x128xf32, #tpu.memory_space<vmem>>, vector<16xf32>,
        %mul3A_433 = arith.mulf %get3A_432, %gather3A_365 : vector<16xf32>
        %swap3A_434 = arith.index_cast %rem3A_144 : i32 to index
        %swap3A_435 = arith.index_cast %scan3A_357 : i32 to index
        %swap3A_436 = arith.constant 112 : index
        %swap3A_437 = tpu.vector_load %arg10[%swap3A_434, %swap3A_435, %swap3A_436] {strides = array<i32>} : memref<2x80x128xf32, #tpu.memory_space<vmem>>, vector<16xf32>,
        tpu.vector_store %arg10[%swap3A_434, %swap3A_435, %swap3A_436], %mul3A_433 {strides = array<i32>} : memref<2x80x128xf32, #tpu.memory_space<vmem>>, vector<16xf32>,
        %scan3A_438 = arith.constant 1 : i32
        %scan3A_439 = arith.addi %scan3A_357, %scan3A_438 : i32
        %broadcast_in_dim3A_440 = arith.constant 0 : i32
        %broadcast_in_dim3A_441 = vector.broadcast %broadcast_in_dim3A_440 : i32 to vector<16xi32>
        %add3A_442 = vector.broadcast %scan3A_439 : i32 to vector<16xi32>
        %add3A_443 = arith.addi %broadcast_in_dim3A_441, %add3A_442 : vector<16xi32>
        %gather3A_444 = arith.constant 0 : i32
        %gather3A_445 = tpu.memref_slice %arg11[%rem3A_144, %gather3A_444] : memref<2x80xf32, #tpu.memory_space<vmem>> -> memref<1x80xf32, #tpu.memory_space<vmem>>
        %gather3A_446 = tpu.memref_squeeze %gather3A_445 : memref<1x80xf32, #tpu.memory_space<vmem>> -> memref<80xf32, #tpu.memory_space<vmem>>
        %gather3A_447 = tpu.vector_load_idx %gather3A_446[%add3A_443] : memref<80xf32, #tpu.memory_space<vmem>>[vector<16xi32>], vector<16xf32>,
        %get3A_448 = arith.index_cast %rem3A_144 : i32 to index
        %get3A_449 = arith.index_cast %scan3A_439 : i32 to index
        %get3A_450 = arith.constant 0 : index
        %get3A_451 = tpu.vector_load %arg10[%get3A_448, %get3A_449, %get3A_450] {strides = array<i32>} : memref<2x80x128xf32, #tpu.memory_space<vmem>>, vector<16xf32>,
        %mul3A_452 = arith.mulf %get3A_451, %gather3A_447 : vector<16xf32>
        %swap3A_453 = arith.index_cast %rem3A_144 : i32 to index
        %swap3A_454 = arith.index_cast %scan3A_439 : i32 to index
        %swap3A_455 = arith.constant 0 : index
        %swap3A_456 = tpu.vector_load %arg10[%swap3A_453, %swap3A_454, %swap3A_455] {strides = array<i32>} : memref<2x80x128xf32, #tpu.memory_space<vmem>>, vector<16xf32>,
        tpu.vector_store %arg10[%swap3A_453, %swap3A_454, %swap3A_455], %mul3A_452 {strides = array<i32>} : memref<2x80x128xf32, #tpu.memory_space<vmem>>, vector<16xf32>,
        %get3A_457 = arith.index_cast %rem3A_144 : i32 to index
        %get3A_458 = arith.index_cast %scan3A_439 : i32 to index
        %get3A_459 = arith.constant 16 : index
        %get3A_460 = tpu.vector_load %arg10[%get3A_457, %get3A_458, %get3A_459] {strides = array<i32>} : memref<2x80x128xf32, #tpu.memory_space<vmem>>, vector<16xf32>,
        %mul3A_461 = arith.mulf %get3A_460, %gather3A_447 : vector<16xf32>
        %swap3A_462 = arith.index_cast %rem3A_144 : i32 to index
        %swap3A_463 = arith.index_cast %scan3A_439 : i32 to index
        %swap3A_464 = arith.constant 16 : index
        %swap3A_465 = tpu.vector_load %arg10[%swap3A_462, %swap3A_463, %swap3A_464] {strides = array<i32>} : memref<2x80x128xf32, #tpu.memory_space<vmem>>, vector<16xf32>,
        tpu.vector_store %arg10[%swap3A_462, %swap3A_463, %swap3A_464], %mul3A_461 {strides = array<i32>} : memref<2x80x128xf32, #tpu.memory_space<vmem>>, vector<16xf32>,
        %get3A_466 = arith.index_cast %rem3A_144 : i32 to index
        %get3A_467 = arith.index_cast %scan3A_439 : i32 to index
        %get3A_468 = arith.constant 32 : index
        %get3A_469 = tpu.vector_load %arg10[%get3A_466, %get3A_467, %get3A_468] {strides = array<i32>} : memref<2x80x128xf32, #tpu.memory_space<vmem>>, vector<16xf32>,
        %mul3A_470 = arith.mulf %get3A_469, %gather3A_447 : vector<16xf32>
        %swap3A_471 = arith.index_cast %rem3A_144 : i32 to index
        %swap3A_472 = arith.index_cast %scan3A_439 : i32 to index
        %swap3A_473 = arith.constant 32 : index
        %swap3A_474 = tpu.vector_load %arg10[%swap3A_471, %swap3A_472, %swap3A_473] {strides = array<i32>} : memref<2x80x128xf32, #tpu.memory_space<vmem>>, vector<16xf32>,
        tpu.vector_store %arg10[%swap3A_471, %swap3A_472, %swap3A_473], %mul3A_470 {strides = array<i32>} : memref<2x80x128xf32, #tpu.memory_space<vmem>>, vector<16xf32>,
        %get3A_475 = arith.index_cast %rem3A_144 : i32 to index
        %get3A_476 = arith.index_cast %scan3A_439 : i32 to index
        %get3A_477 = arith.constant 48 : index
        %get3A_478 = tpu.vector_load %arg10[%get3A_475, %get3A_476, %get3A_477] {strides = array<i32>} : memref<2x80x128xf32, #tpu.memory_space<vmem>>, vector<16xf32>,
        %mul3A_479 = arith.mulf %get3A_478, %gather3A_447 : vector<16xf32>
        %swap3A_480 = arith.index_cast %rem3A_144 : i32 to index
        %swap3A_481 = arith.index_cast %scan3A_439 : i32 to index
        %swap3A_482 = arith.constant 48 : index
        %swap3A_483 = tpu.vector_load %arg10[%swap3A_480, %swap3A_481, %swap3A_482] {strides = array<i32>} : memref<2x80x128xf32, #tpu.memory_space<vmem>>, vector<16xf32>,
        tpu.vector_store %arg10[%swap3A_480, %swap3A_481, %swap3A_482], %mul3A_479 {strides = array<i32>} : memref<2x80x128xf32, #tpu.memory_space<vmem>>, vector<16xf32>,
        %get3A_484 = arith.index_cast %rem3A_144 : i32 to index
        %get3A_485 = arith.index_cast %scan3A_439 : i32 to index
        %get3A_486 = arith.constant 64 : index
        %get3A_487 = tpu.vector_load %arg10[%get3A_484, %get3A_485, %get3A_486] {strides = array<i32>} : memref<2x80x128xf32, #tpu.memory_space<vmem>>, vector<16xf32>,
        %mul3A_488 = arith.mulf %get3A_487, %gather3A_447 : vector<16xf32>
        %swap3A_489 = arith.index_cast %rem3A_144 : i32 to index
        %swap3A_490 = arith.index_cast %scan3A_439 : i32 to index
        %swap3A_491 = arith.constant 64 : index
        %swap3A_492 = tpu.vector_load %arg10[%swap3A_489, %swap3A_490, %swap3A_491] {strides = array<i32>} : memref<2x80x128xf32, #tpu.memory_space<vmem>>, vector<16xf32>,
        tpu.vector_store %arg10[%swap3A_489, %swap3A_490, %swap3A_491], %mul3A_488 {strides = array<i32>} : memref<2x80x128xf32, #tpu.memory_space<vmem>>, vector<16xf32>,
        %get3A_493 = arith.index_cast %rem3A_144 : i32 to index
        %get3A_494 = arith.index_cast %scan3A_439 : i32 to index
        %get3A_495 = arith.constant 80 : index
        %get3A_496 = tpu.vector_load %arg10[%get3A_493, %get3A_494, %get3A_495] {strides = array<i32>} : memref<2x80x128xf32, #tpu.memory_space<vmem>>, vector<16xf32>,
        %mul3A_497 = arith.mulf %get3A_496, %gather3A_447 : vector<16xf32>
        %swap3A_498 = arith.index_cast %rem3A_144 : i32 to index
        %swap3A_499 = arith.index_cast %scan3A_439 : i32 to index
        %swap3A_500 = arith.constant 80 : index
        %swap3A_501 = tpu.vector_load %arg10[%swap3A_498, %swap3A_499, %swap3A_500] {strides = array<i32>} : memref<2x80x128xf32, #tpu.memory_space<vmem>>, vector<16xf32>,
        tpu.vector_store %arg10[%swap3A_498, %swap3A_499, %swap3A_500], %mul3A_497 {strides = array<i32>} : memref<2x80x128xf32, #tpu.memory_space<vmem>>, vector<16xf32>,
        %get3A_502 = arith.index_cast %rem3A_144 : i32 to index
        %get3A_503 = arith.index_cast %scan3A_439 : i32 to index
        %get3A_504 = arith.constant 96 : index
        %get3A_505 = tpu.vector_load %arg10[%get3A_502, %get3A_503, %get3A_504] {strides = array<i32>} : memref<2x80x128xf32, #tpu.memory_space<vmem>>, vector<16xf32>,
        %mul3A_506 = arith.mulf %get3A_505, %gather3A_447 : vector<16xf32>
        %swap3A_507 = arith.index_cast %rem3A_144 : i32 to index
        %swap3A_508 = arith.index_cast %scan3A_439 : i32 to index
        %swap3A_509 = arith.constant 96 : index
        %swap3A_510 = tpu.vector_load %arg10[%swap3A_507, %swap3A_508, %swap3A_509] {strides = array<i32>} : memref<2x80x128xf32, #tpu.memory_space<vmem>>, vector<16xf32>,
        tpu.vector_store %arg10[%swap3A_507, %swap3A_508, %swap3A_509], %mul3A_506 {strides = array<i32>} : memref<2x80x128xf32, #tpu.memory_space<vmem>>, vector<16xf32>,
        %get3A_511 = arith.index_cast %rem3A_144 : i32 to index
        %get3A_512 = arith.index_cast %scan3A_439 : i32 to index
        %get3A_513 = arith.constant 112 : index
        %get3A_514 = tpu.vector_load %arg10[%get3A_511, %get3A_512, %get3A_513] {strides = array<i32>} : memref<2x80x128xf32, #tpu.memory_space<vmem>>, vector<16xf32>,
        %mul3A_515 = arith.mulf %get3A_514, %gather3A_447 : vector<16xf32>
        %swap3A_516 = arith.index_cast %rem3A_144 : i32 to index
        %swap3A_517 = arith.index_cast %scan3A_439 : i32 to index
        %swap3A_518 = arith.constant 112 : index
        %swap3A_519 = tpu.vector_load %arg10[%swap3A_516, %swap3A_517, %swap3A_518] {strides = array<i32>} : memref<2x80x128xf32, #tpu.memory_space<vmem>>, vector<16xf32>,
        tpu.vector_store %arg10[%swap3A_516, %swap3A_517, %swap3A_518], %mul3A_515 {strides = array<i32>} : memref<2x80x128xf32, #tpu.memory_space<vmem>>, vector<16xf32>,
        %scan3A_520 = arith.constant 2 : i32
        %scan3A_521 = arith.addi %scan3A_357, %scan3A_520 : i32
        %broadcast_in_dim3A_522 = arith.constant 0 : i32
        %broadcast_in_dim3A_523 = vector.broadcast %broadcast_in_dim3A_522 : i32 to vector<16xi32>
        %add3A_524 = vector.broadcast %scan3A_521 : i32 to vector<16xi32>
        %add3A_525 = arith.addi %broadcast_in_dim3A_523, %add3A_524 : vector<16xi32>
        %gather3A_526 = arith.constant 0 : i32
        %gather3A_527 = tpu.memref_slice %arg11[%rem3A_144, %gather3A_526] : memref<2x80xf32, #tpu.memory_space<vmem>> -> memref<1x80xf32, #tpu.memory_space<vmem>>
        %gather3A_528 = tpu.memref_squeeze %gather3A_527 : memref<1x80xf32, #tpu.memory_space<vmem>> -> memref<80xf32, #tpu.memory_space<vmem>>
        %gather3A_529 = tpu.vector_load_idx %gather3A_528[%add3A_525] : memref<80xf32, #tpu.memory_space<vmem>>[vector<16xi32>], vector<16xf32>,
        %get3A_530 = arith.index_cast %rem3A_144 : i32 to index
        %get3A_531 = arith.index_cast %scan3A_521 : i32 to index
        %get3A_532 = arith.constant 0 : index
        %get3A_533 = tpu.vector_load %arg10[%get3A_530, %get3A_531, %get3A_532] {strides = array<i32>} : memref<2x80x128xf32, #tpu.memory_space<vmem>>, vector<16xf32>,
        %mul3A_534 = arith.mulf %get3A_533, %gather3A_529 : vector<16xf32>
        %swap3A_535 = arith.index_cast %rem3A_144 : i32 to index
        %swap3A_536 = arith.index_cast %scan3A_521 : i32 to index
        %swap3A_537 = arith.constant 0 : index
        %swap3A_538 = tpu.vector_load %arg10[%swap3A_535, %swap3A_536, %swap3A_537] {strides = array<i32>} : memref<2x80x128xf32, #tpu.memory_space<vmem>>, vector<16xf32>,
        tpu.vector_store %arg10[%swap3A_535, %swap3A_536, %swap3A_537], %mul3A_534 {strides = array<i32>} : memref<2x80x128xf32, #tpu.memory_space<vmem>>, vector<16xf32>,
        %get3A_539 = arith.index_cast %rem3A_144 : i32 to index
        %get3A_540 = arith.index_cast %scan3A_521 : i32 to index
        %get3A_541 = arith.constant 16 : index
        %get3A_542 = tpu.vector_load %arg10[%get3A_539, %get3A_540, %get3A_541] {strides = array<i32>} : memref<2x80x128xf32, #tpu.memory_space<vmem>>, vector<16xf32>,
        %mul3A_543 = arith.mulf %get3A_542, %gather3A_529 : vector<16xf32>
        %swap3A_544 = arith.index_cast %rem3A_144 : i32 to index
        %swap3A_545 = arith.index_cast %scan3A_521 : i32 to index
        %swap3A_546 = arith.constant 16 : index
        %swap3A_547 = tpu.vector_load %arg10[%swap3A_544, %swap3A_545, %swap3A_546] {strides = array<i32>} : memref<2x80x128xf32, #tpu.memory_space<vmem>>, vector<16xf32>,
        tpu.vector_store %arg10[%swap3A_544, %swap3A_545, %swap3A_546], %mul3A_543 {strides = array<i32>} : memref<2x80x128xf32, #tpu.memory_space<vmem>>, vector<16xf32>,
        %get3A_548 = arith.index_cast %rem3A_144 : i32 to index
        %get3A_549 = arith.index_cast %scan3A_521 : i32 to index
        %get3A_550 = arith.constant 32 : index
        %get3A_551 = tpu.vector_load %arg10[%get3A_548, %get3A_549, %get3A_550] {strides = array<i32>} : memref<2x80x128xf32, #tpu.memory_space<vmem>>, vector<16xf32>,
        %mul3A_552 = arith.mulf %get3A_551, %gather3A_529 : vector<16xf32>
        %swap3A_553 = arith.index_cast %rem3A_144 : i32 to index
        %swap3A_554 = arith.index_cast %scan3A_521 : i32 to index
        %swap3A_555 = arith.constant 32 : index
        %swap3A_556 = tpu.vector_load %arg10[%swap3A_553, %swap3A_554, %swap3A_555] {strides = array<i32>} : memref<2x80x128xf32, #tpu.memory_space<vmem>>, vector<16xf32>,
        tpu.vector_store %arg10[%swap3A_553, %swap3A_554, %swap3A_555], %mul3A_552 {strides = array<i32>} : memref<2x80x128xf32, #tpu.memory_space<vmem>>, vector<16xf32>,
        %get3A_557 = arith.index_cast %rem3A_144 : i32 to index
        %get3A_558 = arith.index_cast %scan3A_521 : i32 to index
        %get3A_559 = arith.constant 48 : index
        %get3A_560 = tpu.vector_load %arg10[%get3A_557, %get3A_558, %get3A_559] {strides = array<i32>} : memref<2x80x128xf32, #tpu.memory_space<vmem>>, vector<16xf32>,
        %mul3A_561 = arith.mulf %get3A_560, %gather3A_529 : vector<16xf32>
        %swap3A_562 = arith.index_cast %rem3A_144 : i32 to index
        %swap3A_563 = arith.index_cast %scan3A_521 : i32 to index
        %swap3A_564 = arith.constant 48 : index
        %swap3A_565 = tpu.vector_load %arg10[%swap3A_562, %swap3A_563, %swap3A_564] {strides = array<i32>} : memref<2x80x128xf32, #tpu.memory_space<vmem>>, vector<16xf32>,
        tpu.vector_store %arg10[%swap3A_562, %swap3A_563, %swap3A_564], %mul3A_561 {strides = array<i32>} : memref<2x80x128xf32, #tpu.memory_space<vmem>>, vector<16xf32>,
        %get3A_566 = arith.index_cast %rem3A_144 : i32 to index
        %get3A_567 = arith.index_cast %scan3A_521 : i32 to index
        %get3A_568 = arith.constant 64 : index
        %get3A_569 = tpu.vector_load %arg10[%get3A_566, %get3A_567, %get3A_568] {strides = array<i32>} : memref<2x80x128xf32, #tpu.memory_space<vmem>>, vector<16xf32>,
        %mul3A_570 = arith.mulf %get3A_569, %gather3A_529 : vector<16xf32>
        %swap3A_571 = arith.index_cast %rem3A_144 : i32 to index
        %swap3A_572 = arith.index_cast %scan3A_521 : i32 to index
        %swap3A_573 = arith.constant 64 : index
        %swap3A_574 = tpu.vector_load %arg10[%swap3A_571, %swap3A_572, %swap3A_573] {strides = array<i32>} : memref<2x80x128xf32, #tpu.memory_space<vmem>>, vector<16xf32>,
        tpu.vector_store %arg10[%swap3A_571, %swap3A_572, %swap3A_573], %mul3A_570 {strides = array<i32>} : memref<2x80x128xf32, #tpu.memory_space<vmem>>, vector<16xf32>,
        %get3A_575 = arith.index_cast %rem3A_144 : i32 to index
        %get3A_576 = arith.index_cast %scan3A_521 : i32 to index
        %get3A_577 = arith.constant 80 : index
        %get3A_578 = tpu.vector_load %arg10[%get3A_575, %get3A_576, %get3A_577] {strides = array<i32>} : memref<2x80x128xf32, #tpu.memory_space<vmem>>, vector<16xf32>,
        %mul3A_579 = arith.mulf %get3A_578, %gather3A_529 : vector<16xf32>
        %swap3A_580 = arith.index_cast %rem3A_144 : i32 to index
        %swap3A_581 = arith.index_cast %scan3A_521 : i32 to index
        %swap3A_582 = arith.constant 80 : index
        %swap3A_583 = tpu.vector_load %arg10[%swap3A_580, %swap3A_581, %swap3A_582] {strides = array<i32>} : memref<2x80x128xf32, #tpu.memory_space<vmem>>, vector<16xf32>,
        tpu.vector_store %arg10[%swap3A_580, %swap3A_581, %swap3A_582], %mul3A_579 {strides = array<i32>} : memref<2x80x128xf32, #tpu.memory_space<vmem>>, vector<16xf32>,
        %get3A_584 = arith.index_cast %rem3A_144 : i32 to index
        %get3A_585 = arith.index_cast %scan3A_521 : i32 to index
        %get3A_586 = arith.constant 96 : index
        %get3A_587 = tpu.vector_load %arg10[%get3A_584, %get3A_585, %get3A_586] {strides = array<i32>} : memref<2x80x128xf32, #tpu.memory_space<vmem>>, vector<16xf32>,
        %mul3A_588 = arith.mulf %get3A_587, %gather3A_529 : vector<16xf32>
        %swap3A_589 = arith.index_cast %rem3A_144 : i32 to index
        %swap3A_590 = arith.index_cast %scan3A_521 : i32 to index
        %swap3A_591 = arith.constant 96 : index
        %swap3A_592 = tpu.vector_load %arg10[%swap3A_589, %swap3A_590, %swap3A_591] {strides = array<i32>} : memref<2x80x128xf32, #tpu.memory_space<vmem>>, vector<16xf32>,
        tpu.vector_store %arg10[%swap3A_589, %swap3A_590, %swap3A_591], %mul3A_588 {strides = array<i32>} : memref<2x80x128xf32, #tpu.memory_space<vmem>>, vector<16xf32>,
        %get3A_593 = arith.index_cast %rem3A_144 : i32 to index
        %get3A_594 = arith.index_cast %scan3A_521 : i32 to index
        %get3A_595 = arith.constant 112 : index
        %get3A_596 = tpu.vector_load %arg10[%get3A_593, %get3A_594, %get3A_595] {strides = array<i32>} : memref<2x80x128xf32, #tpu.memory_space<vmem>>, vector<16xf32>,
        %mul3A_597 = arith.mulf %get3A_596, %gather3A_529 : vector<16xf32>
        %swap3A_598 = arith.index_cast %rem3A_144 : i32 to index
        %swap3A_599 = arith.index_cast %scan3A_521 : i32 to index
        %swap3A_600 = arith.constant 112 : index
        %swap3A_601 = tpu.vector_load %arg10[%swap3A_598, %swap3A_599, %swap3A_600] {strides = array<i32>} : memref<2x80x128xf32, #tpu.memory_space<vmem>>, vector<16xf32>,
        tpu.vector_store %arg10[%swap3A_598, %swap3A_599, %swap3A_600], %mul3A_597 {strides = array<i32>} : memref<2x80x128xf32, #tpu.memory_space<vmem>>, vector<16xf32>,
        %scan3A_602 = arith.constant 3 : i32
        %scan3A_603 = arith.addi %scan3A_357, %scan3A_602 : i32
        %broadcast_in_dim3A_604 = arith.constant 0 : i32
        %broadcast_in_dim3A_605 = vector.broadcast %broadcast_in_dim3A_604 : i32 to vector<16xi32>
        %add3A_606 = vector.broadcast %scan3A_603 : i32 to vector<16xi32>
        %add3A_607 = arith.addi %broadcast_in_dim3A_605, %add3A_606 : vector<16xi32>
        %gather3A_608 = arith.constant 0 : i32
        %gather3A_609 = tpu.memref_slice %arg11[%rem3A_144, %gather3A_608] : memref<2x80xf32, #tpu.memory_space<vmem>> -> memref<1x80xf32, #tpu.memory_space<vmem>>
        %gather3A_610 = tpu.memref_squeeze %gather3A_609 : memref<1x80xf32, #tpu.memory_space<vmem>> -> memref<80xf32, #tpu.memory_space<vmem>>
        %gather3A_611 = tpu.vector_load_idx %gather3A_610[%add3A_607] : memref<80xf32, #tpu.memory_space<vmem>>[vector<16xi32>], vector<16xf32>,
        %get3A_612 = arith.index_cast %rem3A_144 : i32 to index
        %get3A_613 = arith.index_cast %scan3A_603 : i32 to index
        %get3A_614 = arith.constant 0 : index
        %get3A_615 = tpu.vector_load %arg10[%get3A_612, %get3A_613, %get3A_614] {strides = array<i32>} : memref<2x80x128xf32, #tpu.memory_space<vmem>>, vector<16xf32>,
        %mul3A_616 = arith.mulf %get3A_615, %gather3A_611 : vector<16xf32>
        %swap3A_617 = arith.index_cast %rem3A_144 : i32 to index
        %swap3A_618 = arith.index_cast %scan3A_603 : i32 to index
        %swap3A_619 = arith.constant 0 : index
        %swap3A_620 = tpu.vector_load %arg10[%swap3A_617, %swap3A_618, %swap3A_619] {strides = array<i32>} : memref<2x80x128xf32, #tpu.memory_space<vmem>>, vector<16xf32>,
        tpu.vector_store %arg10[%swap3A_617, %swap3A_618, %swap3A_619], %mul3A_616 {strides = array<i32>} : memref<2x80x128xf32, #tpu.memory_space<vmem>>, vector<16xf32>,
        %get3A_621 = arith.index_cast %rem3A_144 : i32 to index
        %get3A_622 = arith.index_cast %scan3A_603 : i32 to index
        %get3A_623 = arith.constant 16 : index
        %get3A_624 = tpu.vector_load %arg10[%get3A_621, %get3A_622, %get3A_623] {strides = array<i32>} : memref<2x80x128xf32, #tpu.memory_space<vmem>>, vector<16xf32>,
        %mul3A_625 = arith.mulf %get3A_624, %gather3A_611 : vector<16xf32>
        %swap3A_626 = arith.index_cast %rem3A_144 : i32 to index
        %swap3A_627 = arith.index_cast %scan3A_603 : i32 to index
        %swap3A_628 = arith.constant 16 : index
        %swap3A_629 = tpu.vector_load %arg10[%swap3A_626, %swap3A_627, %swap3A_628] {strides = array<i32>} : memref<2x80x128xf32, #tpu.memory_space<vmem>>, vector<16xf32>,
        tpu.vector_store %arg10[%swap3A_626, %swap3A_627, %swap3A_628], %mul3A_625 {strides = array<i32>} : memref<2x80x128xf32, #tpu.memory_space<vmem>>, vector<16xf32>,
        %get3A_630 = arith.index_cast %rem3A_144 : i32 to index
        %get3A_631 = arith.index_cast %scan3A_603 : i32 to index
        %get3A_632 = arith.constant 32 : index
        %get3A_633 = tpu.vector_load %arg10[%get3A_630, %get3A_631, %get3A_632] {strides = array<i32>} : memref<2x80x128xf32, #tpu.memory_space<vmem>>, vector<16xf32>,
        %mul3A_634 = arith.mulf %get3A_633, %gather3A_611 : vector<16xf32>
        %swap3A_635 = arith.index_cast %rem3A_144 : i32 to index
        %swap3A_636 = arith.index_cast %scan3A_603 : i32 to index
        %swap3A_637 = arith.constant 32 : index
        %swap3A_638 = tpu.vector_load %arg10[%swap3A_635, %swap3A_636, %swap3A_637] {strides = array<i32>} : memref<2x80x128xf32, #tpu.memory_space<vmem>>, vector<16xf32>,
        tpu.vector_store %arg10[%swap3A_635, %swap3A_636, %swap3A_637], %mul3A_634 {strides = array<i32>} : memref<2x80x128xf32, #tpu.memory_space<vmem>>, vector<16xf32>,
        %get3A_639 = arith.index_cast %rem3A_144 : i32 to index
        %get3A_640 = arith.index_cast %scan3A_603 : i32 to index
        %get3A_641 = arith.constant 48 : index
        %get3A_642 = tpu.vector_load %arg10[%get3A_639, %get3A_640, %get3A_641] {strides = array<i32>} : memref<2x80x128xf32, #tpu.memory_space<vmem>>, vector<16xf32>,
        %mul3A_643 = arith.mulf %get3A_642, %gather3A_611 : vector<16xf32>
        %swap3A_644 = arith.index_cast %rem3A_144 : i32 to index
        %swap3A_645 = arith.index_cast %scan3A_603 : i32 to index
        %swap3A_646 = arith.constant 48 : index
        %swap3A_647 = tpu.vector_load %arg10[%swap3A_644, %swap3A_645, %swap3A_646] {strides = array<i32>} : memref<2x80x128xf32, #tpu.memory_space<vmem>>, vector<16xf32>,
        tpu.vector_store %arg10[%swap3A_644, %swap3A_645, %swap3A_646], %mul3A_643 {strides = array<i32>} : memref<2x80x128xf32, #tpu.memory_space<vmem>>, vector<16xf32>,
        %get3A_648 = arith.index_cast %rem3A_144 : i32 to index
        %get3A_649 = arith.index_cast %scan3A_603 : i32 to index
        %get3A_650 = arith.constant 64 : index
        %get3A_651 = tpu.vector_load %arg10[%get3A_648, %get3A_649, %get3A_650] {strides = array<i32>} : memref<2x80x128xf32, #tpu.memory_space<vmem>>, vector<16xf32>,
        %mul3A_652 = arith.mulf %get3A_651, %gather3A_611 : vector<16xf32>
        %swap3A_653 = arith.index_cast %rem3A_144 : i32 to index
        %swap3A_654 = arith.index_cast %scan3A_603 : i32 to index
        %swap3A_655 = arith.constant 64 : index
        %swap3A_656 = tpu.vector_load %arg10[%swap3A_653, %swap3A_654, %swap3A_655] {strides = array<i32>} : memref<2x80x128xf32, #tpu.memory_space<vmem>>, vector<16xf32>,
        tpu.vector_store %arg10[%swap3A_653, %swap3A_654, %swap3A_655], %mul3A_652 {strides = array<i32>} : memref<2x80x128xf32, #tpu.memory_space<vmem>>, vector<16xf32>,
        %get3A_657 = arith.index_cast %rem3A_144 : i32 to index
        %get3A_658 = arith.index_cast %scan3A_603 : i32 to index
        %get3A_659 = arith.constant 80 : index
        %get3A_660 = tpu.vector_load %arg10[%get3A_657, %get3A_658, %get3A_659] {strides = array<i32>} : memref<2x80x128xf32, #tpu.memory_space<vmem>>, vector<16xf32>,
        %mul3A_661 = arith.mulf %get3A_660, %gather3A_611 : vector<16xf32>
        %swap3A_662 = arith.index_cast %rem3A_144 : i32 to index
        %swap3A_663 = arith.index_cast %scan3A_603 : i32 to index
        %swap3A_664 = arith.constant 80 : index
        %swap3A_665 = tpu.vector_load %arg10[%swap3A_662, %swap3A_663, %swap3A_664] {strides = array<i32>} : memref<2x80x128xf32, #tpu.memory_space<vmem>>, vector<16xf32>,
        tpu.vector_store %arg10[%swap3A_662, %swap3A_663, %swap3A_664], %mul3A_661 {strides = array<i32>} : memref<2x80x128xf32, #tpu.memory_space<vmem>>, vector<16xf32>,
        %get3A_666 = arith.index_cast %rem3A_144 : i32 to index
        %get3A_667 = arith.index_cast %scan3A_603 : i32 to index
        %get3A_668 = arith.constant 96 : index
        %get3A_669 = tpu.vector_load %arg10[%get3A_666, %get3A_667, %get3A_668] {strides = array<i32>} : memref<2x80x128xf32, #tpu.memory_space<vmem>>, vector<16xf32>,
        %mul3A_670 = arith.mulf %get3A_669, %gather3A_611 : vector<16xf32>
        %swap3A_671 = arith.index_cast %rem3A_144 : i32 to index
        %swap3A_672 = arith.index_cast %scan3A_603 : i32 to index
        %swap3A_673 = arith.constant 96 : index
        %swap3A_674 = tpu.vector_load %arg10[%swap3A_671, %swap3A_672, %swap3A_673] {strides = array<i32>} : memref<2x80x128xf32, #tpu.memory_space<vmem>>, vector<16xf32>,
        tpu.vector_store %arg10[%swap3A_671, %swap3A_672, %swap3A_673], %mul3A_670 {strides = array<i32>} : memref<2x80x128xf32, #tpu.memory_space<vmem>>, vector<16xf32>,
        %get3A_675 = arith.index_cast %rem3A_144 : i32 to index
        %get3A_676 = arith.index_cast %scan3A_603 : i32 to index
        %get3A_677 = arith.constant 112 : index
        %get3A_678 = tpu.vector_load %arg10[%get3A_675, %get3A_676, %get3A_677] {strides = array<i32>} : memref<2x80x128xf32, #tpu.memory_space<vmem>>, vector<16xf32>,
        %mul3A_679 = arith.mulf %get3A_678, %gather3A_611 : vector<16xf32>
        %swap3A_680 = arith.index_cast %rem3A_144 : i32 to index
        %swap3A_681 = arith.index_cast %scan3A_603 : i32 to index
        %swap3A_682 = arith.constant 112 : index
        %swap3A_683 = tpu.vector_load %arg10[%swap3A_680, %swap3A_681, %swap3A_682] {strides = array<i32>} : memref<2x80x128xf32, #tpu.memory_space<vmem>>, vector<16xf32>,
        tpu.vector_store %arg10[%swap3A_680, %swap3A_681, %swap3A_682], %mul3A_679 {strides = array<i32>} : memref<2x80x128xf32, #tpu.memory_space<vmem>>, vector<16xf32>,
      }
      %scan3A_336 = arith.constant 80 : i32
      %dma_start3A_337 = arith.constant 0 : i32
      %dma_start3A_338 = arith.constant 0 : i32
      %dma_start3A_339 = arith.constant 0 : i32
      %dma_start3A_340 = tpu.memref_slice %arg10[%rem3A_144, %dma_start3A_338, %dma_start3A_339] : memref<2x80x128xf32, #tpu.memory_space<vmem>> -> memref<1x80x128xf32, #tpu.memory_space<vmem>>
      %dma_start3A_341 = tpu.memref_squeeze %dma_start3A_340 : memref<1x80x128xf32, #tpu.memory_space<vmem>> -> memref<80x128xf32, #tpu.memory_space<vmem>>
      %dma_start3A_342 = arith.constant 0 : i32
      %dma_start3A_343 = tpu.memref_slice %arg9[%rem3A_150, %scan3A_143, %dma_start3A_337, %dma_start3A_342] : memref<2x5x1x80xi32, #tpu.memory_space<vmem>> -> memref<1x1x1x80xi32, #tpu.memory_space<vmem>>
      %dma_start3A_344 = tpu.memref_squeeze %dma_start3A_343 : memref<1x1x1x80xi32, #tpu.memory_space<vmem>> -> memref<80xi32, #tpu.memory_space<vmem>>
      %dma_start3A_345 = arith.constant 0 : i32
      %dma_start3A_346 = arith.constant 0 : i32
      %dma_start3A_347 = tpu.memref_slice %arg13[%dma_start3A_345, %dma_start3A_346] : memref<10000x128xf32, #tpu.memory_space<vmem_shared>> -> memref<10000x128xf32, #tpu.memory_space<vmem_shared>>
      tpu.enqueue_indirect_dma source(%dma_start3A_341 : memref<80x128xf32, #tpu.memory_space<vmem>>) target(%dma_start3A_347 : memref<10000x128xf32, #tpu.memory_space<vmem_shared>>) offsets(%dma_start3A_344 : memref<80xi32, #tpu.memory_space<vmem>>) semaphore(%arg17 : memref<!tpu.dma_semaphore, #tpu.memory_space<semaphore_mem>>) {add = true}
      %dma_start3A_348 = arith.constant 0 : i32
      %dma_start3A_349 = arith.constant 0 : i32
      %dma_start3A_350 = tpu.memref_slice %arg11[%rem3A_144, %dma_start3A_349] : memref<2x80xf32, #tpu.memory_space<vmem>> -> memref<1x80xf32, #tpu.memory_space<vmem>>
      %dma_start3A_351 = tpu.memref_squeeze %dma_start3A_350 : memref<1x80xf32, #tpu.memory_space<vmem>> -> memref<80xf32, #tpu.memory_space<vmem>>
      %dma_start3A_352 = arith.constant 0 : i32
      %dma_start3A_353 = tpu.memref_slice %arg9[%rem3A_150, %scan3A_143, %dma_start3A_348, %dma_start3A_352] : memref<2x5x1x80xi32, #tpu.memory_space<vmem>> -> memref<1x1x1x80xi32, #tpu.memory_space<vmem>>
      %dma_start3A_354 = tpu.memref_squeeze %dma_start3A_353 : memref<1x1x1x80xi32, #tpu.memory_space<vmem>> -> memref<80xi32, #tpu.memory_space<vmem>>
      %dma_start3A_355 = arith.constant 0 : i32
      %dma_start3A_356 = tpu.memref_slice %arg14[%dma_start3A_355] : memref<10000xf32, #tpu.memory_space<vmem_shared>> -> memref<10000xf32, #tpu.memory_space<vmem_shared>>
      tpu.enqueue_indirect_dma source(%dma_start3A_351 : memref<80xf32, #tpu.memory_space<vmem>>) target(%dma_start3A_356 : memref<10000xf32, #tpu.memory_space<vmem_shared>>) offsets(%dma_start3A_354 : memref<80xi32, #tpu.memory_space<vmem>>) semaphore(%arg17 : memref<!tpu.dma_semaphore, #tpu.memory_space<semaphore_mem>>) {add = true}
      scf.yield %select_n3A_161, %select_n3A_158 : i32, i32
    }
    %scan3A_108 = arith.constant 125 : i32
    %dma_wait3A_109 = arith.constant 0 : i32
    %dma_wait3A_110 = arith.constant 0 : i32
    %dma_wait3A_111 = arith.constant 0 : i32
    %dma_wait3A_112 = arith.constant 0 : i32
    %dma_wait3A_113 = arith.constant 0 : i32
    %dma_wait3A_114 = arith.constant 0 : i32
    %dma_wait3A_115 = tpu.memref_slice %arg10[%dma_wait3A_109, %dma_wait3A_113, %dma_wait3A_114] : memref<2x80x128xf32, #tpu.memory_space<vmem>> -> memref<1x80x128xf32, #tpu.memory_space<vmem>>
    %dma_wait3A_116 = tpu.memref_squeeze %dma_wait3A_115 : memref<1x80x128xf32, #tpu.memory_space<vmem>> -> memref<80x128xf32, #tpu.memory_space<vmem>>
    %dma_wait3A_117 = arith.constant 0 : i32
    %dma_wait3A_118 = tpu.memref_slice %arg9[%dma_wait3A_110, %dma_wait3A_111, %dma_wait3A_112, %dma_wait3A_117] : memref<2x5x1x80xi32, #tpu.memory_space<vmem>> -> memref<1x1x1x80xi32, #tpu.memory_space<vmem>>
    %dma_wait3A_119 = tpu.memref_squeeze %dma_wait3A_118 : memref<1x1x1x80xi32, #tpu.memory_space<vmem>> -> memref<80xi32, #tpu.memory_space<vmem>>
    %dma_wait3A_120 = arith.constant 0 : i32
    %dma_wait3A_121 = arith.constant 0 : i32
    %dma_wait3A_122 = tpu.memref_slice %arg13[%dma_wait3A_120, %dma_wait3A_121] : memref<10000x128xf32, #tpu.memory_space<vmem_shared>> -> memref<10000x128xf32, #tpu.memory_space<vmem_shared>>
    tpu.wait_indirect_dma semaphore(%arg17 : memref<!tpu.dma_semaphore, #tpu.memory_space<semaphore_mem>>) src(%dma_wait3A_116 : memref<80x128xf32, #tpu.memory_space<vmem>>) dst(%dma_wait3A_122 : memref<10000x128xf32, #tpu.memory_space<vmem_shared>>)
    %dma_wait3A_123 = arith.constant 0 : i32
    %dma_wait3A_124 = arith.constant 0 : i32
    %dma_wait3A_125 = arith.constant 0 : i32
    %dma_wait3A_126 = arith.constant 0 : i32
    %dma_wait3A_127 = arith.constant 0 : i32
    %dma_wait3A_128 = tpu.memref_slice %arg11[%dma_wait3A_123, %dma_wait3A_127] : memref<2x80xf32, #tpu.memory_space<vmem>> -> memref<1x80xf32, #tpu.memory_space<vmem>>
    %dma_wait3A_129 = tpu.memref_squeeze %dma_wait3A_128 : memref<1x80xf32, #tpu.memory_space<vmem>> -> memref<80xf32, #tpu.memory_space<vmem>>
    %dma_wait3A_130 = arith.constant 0 : i32
    %dma_wait3A_131 = tpu.memref_slice %arg9[%dma_wait3A_124, %dma_wait3A_125, %dma_wait3A_126, %dma_wait3A_130] : memref<2x5x1x80xi32, #tpu.memory_space<vmem>> -> memref<1x1x1x80xi32, #tpu.memory_space<vmem>>
    %dma_wait3A_132 = tpu.memref_squeeze %dma_wait3A_131 : memref<1x1x1x80xi32, #tpu.memory_space<vmem>> -> memref<80xi32, #tpu.memory_space<vmem>>
    %dma_wait3A_133 = arith.constant 0 : i32
    %dma_wait3A_134 = tpu.memref_slice %arg14[%dma_wait3A_133] : memref<10000xf32, #tpu.memory_space<vmem_shared>> -> memref<10000xf32, #tpu.memory_space<vmem_shared>>
    tpu.wait_indirect_dma semaphore(%arg17 : memref<!tpu.dma_semaphore, #tpu.memory_space<semaphore_mem>>) src(%dma_wait3A_129 : memref<80xf32, #tpu.memory_space<vmem>>) dst(%dma_wait3A_134 : memref<10000xf32, #tpu.memory_space<vmem_shared>>)
    %barrier3A_135 = arith.constant 0 : index
    tpu.barrier barrier_id(%barrier3A_135)
    %lt3A_136 = arith.constant 10 : i32
    %lt3A_137 = arith.cmpi slt, %arg1, %lt3A_136 : i32
    %convert_element_type3A_138 = arith.extui %lt3A_137 : i1 to i32
    %cond3A_139 = arith.constant 0 : i32
    %cond3A_140 = arith.cmpi ne, %convert_element_type3A_138, %cond3A_139 : i32
    scf.if %cond3A_140 {
      "tpu.region"() ({
        %run_scoped3A = tpu.sem_alloc : memref<!tpu.dma_semaphore, #tpu.memory_space<semaphore_mem>>
        %dma_start3A_144 = arith.constant 0 : i32
        %dma_start3A_145 = tpu.memref_slice %arg5[%arg0, %mul3A_3, %dma_start3A_144] : memref<2x10000x128xf32, #tpu.memory_space<hbm>> -> memref<1x1000x128xf32, #tpu.memory_space<hbm>>
        %dma_start3A_146 = tpu.memref_squeeze %dma_start3A_145 : memref<1x1000x128xf32, #tpu.memory_space<hbm>> -> memref<1000x128xf32, #tpu.memory_space<hbm>>
        %dma_start3A_147 = arith.constant 0 : i32
        %dma_start3A_148 = tpu.memref_slice %arg13[%mul3A_3, %dma_start3A_147] : memref<10000x128xf32, #tpu.memory_space<vmem_shared>> -> memref<1000x128xf32, #tpu.memory_space<vmem_shared>>
        tpu.enqueue_dma source(%dma_start3A_148 : memref<1000x128xf32, #tpu.memory_space<vmem_shared>>) target(%dma_start3A_146 : memref<1000x128xf32, #tpu.memory_space<hbm>>) target_semaphore(%run_scoped3A : memref<!tpu.dma_semaphore, #tpu.memory_space<semaphore_mem>>)
        %dma_wait3A_149 = arith.constant 0 : i32
        %dma_wait3A_150 = tpu.memref_slice %arg5[%arg0, %mul3A_3, %dma_wait3A_149] : memref<2x10000x128xf32, #tpu.memory_space<hbm>> -> memref<1x1000x128xf32, #tpu.memory_space<hbm>>
        %dma_wait3A_151 = tpu.memref_squeeze %dma_wait3A_150 : memref<1x1000x128xf32, #tpu.memory_space<hbm>> -> memref<1000x128xf32, #tpu.memory_space<hbm>>
        %dma_wait3A_152 = arith.constant 0 : i32
        %dma_wait3A_153 = tpu.memref_slice %arg13[%mul3A_3, %dma_wait3A_152] : memref<10000x128xf32, #tpu.memory_space<vmem_shared>> -> memref<1000x128xf32, #tpu.memory_space<vmem_shared>>
        tpu.wait_dma2 semaphore(%run_scoped3A : memref<!tpu.dma_semaphore, #tpu.memory_space<semaphore_mem>>) src(%dma_wait3A_153 : memref<1000x128xf32, #tpu.memory_space<vmem_shared>>) dst(%dma_wait3A_151 : memref<1000x128xf32, #tpu.memory_space<hbm>>)
        tpu.yield
      }) : () -> ()
      "tpu.region"() ({
        %run_scoped3A = tpu.sem_alloc : memref<!tpu.dma_semaphore, #tpu.memory_space<semaphore_mem>>
        %dma_start3A_144 = arith.constant 0 : i32
        %dma_start3A_145 = tpu.memref_slice %arg12[%dma_start3A_144] : memref<1008xf32, #tpu.memory_space<vmem>> -> memref<1000xf32, #tpu.memory_space<vmem>>
        %dma_start3A_146 = tpu.memref_slice %arg14[%mul3A_3] : memref<10000xf32, #tpu.memory_space<vmem_shared>> -> memref<1000xf32, #tpu.memory_space<vmem_shared>>
        %dma_start3A_147 = arith.constant 0 : i32
        %dma_start3A_148 = tpu.memref_slice %arg12[%dma_start3A_147] : memref<1008xf32, #tpu.memory_space<vmem>> -> memref<1000xf32, #tpu.memory_space<vmem>>
        %dma_start3A_149 = tpu.memref_slice %arg14[%mul3A_3] : memref<10000xf32, #tpu.memory_space<vmem_shared>> -> memref<1000xf32, #tpu.memory_space<vmem_shared>>
        tpu.enqueue_dma source(%dma_start3A_149 : memref<1000xf32, #tpu.memory_space<vmem_shared>>) target(%dma_start3A_148 : memref<1000xf32, #tpu.memory_space<vmem>>) target_semaphore(%run_scoped3A : memref<!tpu.dma_semaphore, #tpu.memory_space<semaphore_mem>>)
        %dma_wait3A_150 = arith.constant 0 : i32
        %dma_wait3A_151 = tpu.memref_slice %arg12[%dma_wait3A_150] : memref<1008xf32, #tpu.memory_space<vmem>> -> memref<1000xf32, #tpu.memory_space<vmem>>
        %dma_wait3A_152 = tpu.memref_slice %arg14[%mul3A_3] : memref<10000xf32, #tpu.memory_space<vmem_shared>> -> memref<1000xf32, #tpu.memory_space<vmem_shared>>
        %dma_wait3A_153 = arith.constant 0 : i32
        %dma_wait3A_154 = tpu.memref_slice %arg12[%dma_wait3A_153] : memref<1008xf32, #tpu.memory_space<vmem>> -> memref<1000xf32, #tpu.memory_space<vmem>>
        %dma_wait3A_155 = tpu.memref_slice %arg14[%mul3A_3] : memref<10000xf32, #tpu.memory_space<vmem_shared>> -> memref<1000xf32, #tpu.memory_space<vmem_shared>>
        tpu.wait_dma2 semaphore(%run_scoped3A : memref<!tpu.dma_semaphore, #tpu.memory_space<semaphore_mem>>) src(%dma_wait3A_155 : memref<1000xf32, #tpu.memory_space<vmem_shared>>) dst(%dma_wait3A_154 : memref<1000xf32, #tpu.memory_space<vmem>>)
        tpu.yield
      }) : () -> ()
      %mul3A_141 = arith.constant 10000 : i32
      %mul3A_142 = arith.muli %arg0, %mul3A_141 : i32
      %add3A_143 = arith.addi %mul3A_142, %mul3A_3 : i32
      "tpu.region"() ({
        %run_scoped3A = tpu.sem_alloc : memref<!tpu.dma_semaphore, #tpu.memory_space<semaphore_mem>>
        %dma_start3A_144 = arith.constant 0 : i32
        %dma_start3A_145 = tpu.memref_slice %arg12[%dma_start3A_144] : memref<1008xf32, #tpu.memory_space<vmem>> -> memref<1000xf32, #tpu.memory_space<vmem>>
        %dma_start3A_146 = tpu.memref_slice %arg6[%add3A_143] : memref<20000xf32, #tpu.memory_space<hbm>> -> memref<1000xf32, #tpu.memory_space<hbm>>
        %dma_start3A_147 = tpu.memref_slice %arg6[%add3A_143] : memref<20000xf32, #tpu.memory_space<hbm>> -> memref<1000xf32, #tpu.memory_space<hbm>>
        %dma_start3A_148 = arith.constant 0 : i32
        %dma_start3A_149 = tpu.memref_slice %arg12[%dma_start3A_148] : memref<1008xf32, #tpu.memory_space<vmem>> -> memref<1000xf32, #tpu.memory_space<vmem>>
        tpu.enqueue_dma source(%dma_start3A_149 : memref<1000xf32, #tpu.memory_space<vmem>>) target(%dma_start3A_147 : memref<1000xf32, #tpu.memory_space<hbm>>) target_semaphore(%run_scoped3A : memref<!tpu.dma_semaphore, #tpu.memory_space<semaphore_mem>>)
        %dma_wait3A_150 = arith.constant 0 : i32
        %dma_wait3A_151 = tpu.memref_slice %arg12[%dma_wait3A_150] : memref<1008xf32, #tpu.memory_space<vmem>> -> memref<1000xf32, #tpu.memory_space<vmem>>
        %dma_wait3A_152 = tpu.memref_slice %arg6[%add3A_143] : memref<20000xf32, #tpu.memory_space<hbm>> -> memref<1000xf32, #tpu.memory_space<hbm>>
        %dma_wait3A_153 = tpu.memref_slice %arg6[%add3A_143] : memref<20000xf32, #tpu.memory_space<hbm>> -> memref<1000xf32, #tpu.memory_space<hbm>>
        %dma_wait3A_154 = arith.constant 0 : i32
        %dma_wait3A_155 = tpu.memref_slice %arg12[%dma_wait3A_154] : memref<1008xf32, #tpu.memory_space<vmem>> -> memref<1000xf32, #tpu.memory_space<vmem>>
        tpu.wait_dma2 semaphore(%run_scoped3A : memref<!tpu.dma_semaphore, #tpu.memory_space<semaphore_mem>>) src(%dma_wait3A_155 : memref<1000xf32, #tpu.memory_space<vmem>>) dst(%dma_wait3A_153 : memref<1000xf32, #tpu.memory_space<hbm>>)
        tpu.yield
      }) : () -> ()
    } else {
    }
    return
  }
}

module attributes {stable_mosaic.version = 14 : i64} {
  func.func @_pre_body(%arg0: i32, %arg1: memref<1000x128xf32, #tpu.memory_space<vmem>>, %arg2: memref<128x128xf32, #tpu.memory_space<vmem>>, %arg3: memref<128x2xf32, #tpu.memory_space<vmem>>, %arg4: memref<1000x128xf32, #tpu.memory_space<vmem>>, %arg5: memref<1000x2xf32, #tpu.memory_space<vmem>>) attributes {dimension_semantics = [#tpu.dimension_semantics<arbitrary>], iteration_bounds = array<i64: 10>, scalar_prefetch = 0 : i64, scratch_operands = 0 : i64, tpu.core_type = #tpu.core_type<tc>, window_params = [{transform_indices = @transform_0, window_bounds = array<i64: 1000, 128>}, {pipeline_mode = #tpu.pipeline_mode<synchronous>, transform_indices = @transform_1, window_bounds = array<i64: 128, 128>}, {pipeline_mode = #tpu.pipeline_mode<synchronous>, transform_indices = @transform_2, window_bounds = array<i64: 128, 2>}, {transform_indices = @transform_3, window_bounds = array<i64: 1000, 128>}, {transform_indices = @transform_4, window_bounds = array<i64: 1000, 2>}]} {
    %get3A = arith.constant 0 : index
    %get3A_0 = arith.constant 0 : index
    %get3A_1 = vector.load %arg1[%get3A, %get3A_0] : memref<1000x128xf32, #tpu.memory_space<vmem>>, vector<1000x128xf32>
    %get3A_2 = arith.constant 0 : index
    %get3A_3 = arith.constant 0 : index
    %get3A_4 = vector.load %arg2[%get3A_2, %get3A_3] : memref<128x128xf32, #tpu.memory_space<vmem>>, vector<128x128xf32>
    %dot_general3A = arith.constant dense<0.000000e+00> : vector<1000x128xf32>
    %dot_general3A_5 = tpu.matmul %get3A_1, %get3A_4, %dot_general3A {dimension_numbers = #tpu.dot_dimension_numbers<[1], [0], [0], [1], [0, 0, 1, 1], [], []>, transpose_lhs_hint = false} : vector<1000x128xf32>, vector<128x128xf32>, vector<1000x128xf32> -> vector<1000x128xf32>
    %swap3A = arith.constant 0 : index
    %swap3A_6 = arith.constant 0 : index
    %swap3A_7 = vector.load %arg4[%swap3A, %swap3A_6] : memref<1000x128xf32, #tpu.memory_space<vmem>>, vector<1000x128xf32>
    tpu.vector_store %arg4[%swap3A, %swap3A_6], %dot_general3A_5 {strides = array<i32>} : memref<1000x128xf32, #tpu.memory_space<vmem>>, vector<1000x128xf32>,
    %get3A_8 = arith.constant 0 : index
    %get3A_9 = arith.constant 0 : index
    %get3A_10 = vector.load %arg3[%get3A_8, %get3A_9] : memref<128x2xf32, #tpu.memory_space<vmem>>, vector<128x2xf32>
    %dot_general3A_11 = arith.constant dense<0.000000e+00> : vector<1000x2xf32>
    %dot_general3A_12 = tpu.matmul %dot_general3A_5, %get3A_10, %dot_general3A_11 {dimension_numbers = #tpu.dot_dimension_numbers<[1], [0], [0], [1], [0, 0, 1, 1], [], []>, transpose_lhs_hint = false} : vector<1000x128xf32>, vector<128x2xf32>, vector<1000x2xf32> -> vector<1000x2xf32>
    %swap3A_13 = arith.constant 0 : index
    %swap3A_14 = arith.constant 0 : index
    %swap3A_15 = vector.load %arg5[%swap3A_13, %swap3A_14] : memref<1000x2xf32, #tpu.memory_space<vmem>>, vector<1000x2xf32>
    tpu.vector_store %arg5[%swap3A_13, %swap3A_14], %dot_general3A_12 {strides = array<i32>} : memref<1000x2xf32, #tpu.memory_space<vmem>>, vector<1000x2xf32>,
    return
  }
  func.func @transform_0(%arg0: i32) -> (i32, i32) {
    %c0_i32 = arith.constant 0 : i32
    %c0_i32_0 = arith.constant 0 : i32
    return %arg0, %c0_i32 : i32, i32
  }
  func.func @transform_1(%arg0: i32) -> (i32, i32) {
    %c0_i32 = arith.constant 0 : i32
    %c0_i32_0 = arith.constant 0 : i32
    %c0_i32_1 = arith.constant 0 : i32
    return %c0_i32, %c0_i32_0 : i32, i32
  }
  func.func @transform_2(%arg0: i32) -> (i32, i32) {
    %c0_i32 = arith.constant 0 : i32
    %c0_i32_0 = arith.constant 0 : i32
    %c0_i32_1 = arith.constant 0 : i32
    return %c0_i32, %c0_i32_0 : i32, i32
  }
  func.func @transform_3(%arg0: i32) -> (i32, i32) {
    %c0_i32 = arith.constant 0 : i32
    %c0_i32_0 = arith.constant 0 : i32
    return %arg0, %c0_i32 : i32, i32
  }
  func.func @transform_4(%arg0: i32) -> (i32, i32) {
    %c0_i32 = arith.constant 0 : i32
    %c0_i32_0 = arith.constant 0 : i32
    return %arg0, %c0_i32 : i32, i32
  }
}

module attributes {stable_mosaic.version = 14 : i64} {
  func.func @_post_body(%arg0: i32, %arg1: memref<1000x128xf32, #tpu.memory_space<vmem>>, %arg2: memref<2x1000x128xf32, #tpu.memory_space<vmem>>, %arg3: memref<2x1000x1xf32, #tpu.memory_space<vmem>>, %arg4: memref<1000x2xf32, #tpu.memory_space<vmem>>, %arg5: memref<1x128xf32, #tpu.memory_space<vmem>>, %arg6: memref<1000x128xf32, #tpu.memory_space<vmem>>) attributes {dimension_semantics = [#tpu.dimension_semantics<arbitrary>], iteration_bounds = array<i64: 10>, scalar_prefetch = 0 : i64, scratch_operands = 0 : i64, tpu.core_type = #tpu.core_type<tc>, window_params = [{transform_indices = @transform_0, window_bounds = array<i64: 1000, 128>}, {transform_indices = @transform_1, window_bounds = array<i64: 2, 1000, 128>}, {transform_indices = @transform_2, window_bounds = array<i64: 2, 1000, 1>}, {transform_indices = @transform_3, window_bounds = array<i64: 1000, 2>}, {pipeline_mode = #tpu.pipeline_mode<synchronous>, transform_indices = @transform_4, window_bounds = array<i64: 1, 128>}, {transform_indices = @transform_5, window_bounds = array<i64: 1000, 128>}]} {
    %get3A = arith.constant 0 : index
    %get3A_0 = arith.constant 0 : index
    %get3A_1 = vector.load %arg4[%get3A, %get3A_0] : memref<1000x2xf32, #tpu.memory_space<vmem>>, vector<1000x2xf32>
    %slice3A = vector.extract_strided_slice %get3A_1 {offsets = [0, 0], sizes = [1000, 1], strides = [1, 1]} : vector<1000x2xf32> to vector<1000x1xf32>
    %slice3A_2 = vector.extract_strided_slice %get3A_1 {offsets = [0, 1], sizes = [1000, 1], strides = [1, 1]} : vector<1000x2xf32> to vector<1000x1xf32>
    %add3A = arith.addf %slice3A, %slice3A_2 : vector<1000x1xf32>
    %ge3A = arith.constant 0.000000e+00 : f32
    %ge3A_3 = vector.broadcast %ge3A : f32 to vector<1000x1xf32>
    %ge3A_4 = arith.cmpf oge, %add3A, %ge3A_3 : vector<1000x1xf32>
    %mul3A = arith.constant 2.000000e-01 : f32
    %mul3A_5 = vector.broadcast %mul3A : f32 to vector<1000x1xf32>
    %mul3A_6 = arith.mulf %mul3A_5, %add3A : vector<1000x1xf32>
    %select_n3A = arith.select %ge3A_4, %add3A, %mul3A_6 : vector<1000x1xi1>, vector<1000x1xf32>
    %exp3A = math.exp %select_n3A : vector<1000x1xf32>
    %get3A_7 = arith.constant 0 : index
    %get3A_8 = arith.constant 0 : index
    %get3A_9 = arith.constant 0 : index
    %get3A_10 = vector.load %arg3[%get3A_7, %get3A_8, %get3A_9] : memref<2x1000x1xf32, #tpu.memory_space<vmem>>, vector<2x1000x1xf32>
    %slice3A_11 = vector.extract_strided_slice %get3A_10 {offsets = [0, 0, 0], sizes = [1, 1000, 1], strides = [1, 1, 1]} : vector<2x1000x1xf32> to vector<1x1000x1xf32>
    %squeeze3A = vector.shape_cast %slice3A_11 : vector<1x1000x1xf32> to vector<1000x1xf32>
    %slice3A_12 = vector.extract_strided_slice %get3A_10 {offsets = [1, 0, 0], sizes = [1, 1000, 1], strides = [1, 1, 1]} : vector<2x1000x1xf32> to vector<1x1000x1xf32>
    %squeeze3A_13 = vector.shape_cast %slice3A_12 : vector<1x1000x1xf32> to vector<1000x1xf32>
    %add3A_14 = arith.addf %squeeze3A, %squeeze3A_13 : vector<1000x1xf32>
    %add3A_15 = arith.addf %add3A_14, %exp3A : vector<1000x1xf32>
    %get3A_16 = arith.constant 0 : index
    %get3A_17 = arith.constant 0 : index
    %get3A_18 = arith.constant 0 : index
    %get3A_19 = vector.load %arg2[%get3A_16, %get3A_17, %get3A_18] : memref<2x1000x128xf32, #tpu.memory_space<vmem>>, vector<2x1000x128xf32>
    %slice3A_20 = vector.extract_strided_slice %get3A_19 {offsets = [0, 0, 0], sizes = [1, 1000, 128], strides = [1, 1, 1]} : vector<2x1000x128xf32> to vector<1x1000x128xf32>
    %squeeze3A_21 = vector.shape_cast %slice3A_20 : vector<1x1000x128xf32> to vector<1000x128xf32>
    %slice3A_22 = vector.extract_strided_slice %get3A_19 {offsets = [1, 0, 0], sizes = [1, 1000, 128], strides = [1, 1, 1]} : vector<2x1000x128xf32> to vector<1x1000x128xf32>
    %squeeze3A_23 = vector.shape_cast %slice3A_22 : vector<1x1000x128xf32> to vector<1000x128xf32>
    %add3A_24 = arith.addf %squeeze3A_21, %squeeze3A_23 : vector<1000x128xf32>
    %get3A_25 = arith.constant 0 : index
    %get3A_26 = arith.constant 0 : index
    %get3A_27 = vector.load %arg1[%get3A_25, %get3A_26] : memref<1000x128xf32, #tpu.memory_space<vmem>>, vector<1000x128xf32>
    %mul3A_28 = vector.broadcast %exp3A : vector<1000x1xf32> to vector<1000x128xf32>
    %mul3A_29 = arith.mulf %mul3A_28, %get3A_27 : vector<1000x128xf32>
    %add3A_30 = arith.addf %add3A_24, %mul3A_29 : vector<1000x128xf32>
    %div3A = vector.broadcast %add3A_15 : vector<1000x1xf32> to vector<1000x128xf32>
    %div3A_31 = arith.divf %add3A_30, %div3A : vector<1000x128xf32>
    %get3A_32 = arith.constant 0 : index
    %get3A_33 = arith.constant 0 : index
    %get3A_34 = vector.load %arg5[%get3A_32, %get3A_33] : memref<1x128xf32, #tpu.memory_space<vmem>>, vector<1x128xf32>
    %add3A_35 = vector.broadcast %get3A_34 : vector<1x128xf32> to vector<1000x128xf32>
    %add3A_36 = arith.addf %div3A_31, %add3A_35 : vector<1000x128xf32>
    %tanh3A = math.tanh %add3A_36 : vector<1000x128xf32>
    %swap3A = arith.constant 0 : index
    %swap3A_37 = arith.constant 0 : index
    %swap3A_38 = vector.load %arg6[%swap3A, %swap3A_37] : memref<1000x128xf32, #tpu.memory_space<vmem>>, vector<1000x128xf32>
    tpu.vector_store %arg6[%swap3A, %swap3A_37], %tanh3A {strides = array<i32>} : memref<1000x128xf32, #tpu.memory_space<vmem>>, vector<1000x128xf32>,
    return
  }
  func.func @transform_0(%arg0: i32) -> (i32, i32) {
    %c0_i32 = arith.constant 0 : i32
    %c0_i32_0 = arith.constant 0 : i32
    return %arg0, %c0_i32 : i32, i32
  }
  func.func @transform_1(%arg0: i32) -> (i32, i32, i32) {
    %c0_i32 = arith.constant 0 : i32
    %c0_i32_0 = arith.constant 0 : i32
    %c0_i32_1 = arith.constant 0 : i32
    return %c0_i32, %arg0, %c0_i32_0 : i32, i32, i32
  }
  func.func @transform_2(%arg0: i32) -> (i32, i32, i32) {
    %c0_i32 = arith.constant 0 : i32
    %c0_i32_0 = arith.constant 0 : i32
    %c0_i32_1 = arith.constant 0 : i32
    return %c0_i32, %arg0, %c0_i32_0 : i32, i32, i32
  }
  func.func @transform_3(%arg0: i32) -> (i32, i32) {
    %c0_i32 = arith.constant 0 : i32
    %c0_i32_0 = arith.constant 0 : i32
    return %arg0, %c0_i32 : i32, i32
  }
  func.func @transform_4(%arg0: i32) -> (i32, i32) {
    %c0_i32 = arith.constant 0 : i32
    %c0_i32_0 = arith.constant 0 : i32
    %c0_i32_1 = arith.constant 0 : i32
    return %c0_i32, %c0_i32_0 : i32, i32
  }
  func.func @transform_5(%arg0: i32) -> (i32, i32) {
    %c0_i32 = arith.constant 0 : i32
    %c0_i32_0 = arith.constant 0 : i32
    return %arg0, %c0_i32 : i32, i32
  }
}

</mosaic_0001>

<sc_bundles>
// kernel: kernel.5.cloned.1.call-start
scs
__scs_entry_jumppad:
0x0: {  	(pc) =	sbr.rel $0x88, $3  }
0x1: {  	(tag) =	ssettag $0x0;
	lr =	simm.s32 $0x1  }
0x2: {  	[smem:$0x3F9B] =	sst lr;
	_ =	strace $0xD0000000  }
0x3: {  	_ = 	snop  }
0x4: {  	_ = 	snop  }
0x5: {  	_ = 	snop  }
0x6: {  	_ = 	snop  }
0x7: {  	_ = 	snop  }
__scs_overlays_trampoline_lowered:
0x8: {  	[smem:$0x3FAA] =	sst s0  }
0x9: {  	[smem:$0x3FAB] =	sst s1  }
0xa: {  	[smem:$0x3FAC] =	sst s2  }
0xb: {  	[smem:$0x3FAD] =	sst s3  }
0xc: {  	[smem:$0x3FAE] =	sst s4  }
0xd: {  	[smem:$0x3FAF] =	sst s5  }
0xe: {  	[smem:$0x3FB0] =	sst s6  }
0xf: {  	[smem:$0x3FB1] =	sst s7  }
0x10: {  	[smem:$0x3FB2] =	sst s8  }
0x11: {  	[smem:$0x3FB3] =	sst s9;
	s0 =	simm.s32 @!p0 $0x0  }
0x12: {  	s1 =	sld [smem:$0x3F99];
	s0 =	simm.s32 @p0 $0x1  }
0x13: {  	[smem:$0x3FB4] =	sst s0;
	s0 =	simm.s32 @!p1 $0x0  }
0x14: {  	s2 =	sld [smem:$0x3F98];
	s0 =	simm.s32 @p1 $0x1  }
0x15: {  	[smem:$0x3FB5] =	sst s0;
	s0 =	simm.s32 @!p2 $0x0  }
0x16: {  	s3 =	sld [smem:$0x3FDB];
	s0 =	simm.s32 @p2 $0x1  }
0x17: {  	s4 =	simm.s32 $0x1BF5;
	[smem:$0x3FB7] =	sst s0  }
0x18: {  	s0 =	sld [smem:$0x3F9A];
	_ =	swait.ge [sflag:s4], $0x0  }
0x19: {  	s7 =	sld [smem:$0x3F9B]  }
0x1a: {  	s8 =	sadd.s32 $0xFFFFE003, lr  }
0x1b: {  	s9 =	sadd.s32 $0xFFFFFEF7, lr;
	s5 =	simm.s32 $0xFFFFFFFF;
	p2 =	slt.u32 s8, $0xFFFFF086  }
0x1c: {  	p1 =	slt.u32 s9, $0xF7A;
	s5 =	simm.s32 @!p2 $0x0  }
0x1d: {  	s5 =	simm.s32 @p1 $0x1;
	p0 =	seq.s32 s7, s2  }
0x1e: {  	s7 =	smul.u32 @!p0 $0xF7A, s2;
	p2 =	seq.s32 @!p0 s5, $0x0  }
0x1f: {  	s9 =	smul.u32 $0xF7A, s1;
	s8 =	simm.s32 @!p0 $0x1BF5;
	p2 =	por !p2, p0  }
0x20: {  	[sflag:s8] =	ssyncset.s32 @!p0 $0xFFFFF086;
	s6 =	sadd.s32 @!p0 s3, s7;
	s7 =	simm.s32 @!p0 $0x108  }
0x21: {  	s3 =	sadd.s32 s3, s9;
	s6 =	sadd.s32 @!p0 $0x88, s6;
	s7 =	simm.s32 @p2 $0x1082  }
0x22: {  	[simem:s7], [sflag:s8] =	dma.local @!p0 [hbm:s6], $0xF7A  }
0x23: {  	s9 =	sor.u32 $0xD0000000, s2;
	s6 =	simm.s32 $0x108;
	_ =	swait.ge @!p0 [sflag:s8], $0x0  }
0x24: {  	s3 =	sadd.s32 $0x88, s3;
	s6 =	simm.s32 @!p1 $0x1082;
	[sflag:s4] =	ssyncset.s32 $0xFFFFF086  }
0x25: {  	[simem:s6], [sflag:s4] =	dma.local [hbm:s3], $0xF7A  }
0x26: {  	[smem:$0x3F9B] =	sst s1;
	(tag) =	ssettag s2;
	_ =	strace s9  }
0x27: {  	s1 =	sld [smem:$0x3FAB]  }
0x28: {  	s2 =	sld [smem:$0x3FAC]  }
0x29: {  	s4 =	sld [smem:$0x3FAE]  }
0x2a: {  	p0 =	seq.s32 s5, $0x0;
	s5 =	sld [smem:$0x3FAF]  }
0x2b: {  	s6 =	sld [smem:$0x3FB0]  }
0x2c: {  	s7 =	sld [smem:$0x3FB1]  }
0x2d: {  	s3 =	simm.s32 $0x108;
	s8 =	sld [smem:$0x3FB2]  }
0x2e: {  	s3 =	simm.s32 @!p0 $0x1082;
	s9 =	sld [smem:$0x3FB3]  }
0x2f: {  	lr =	sadd.s32 s0, s3;
	s0 =	sld [smem:$0x3FAA]  }
0x30: {  	s3 =	sld [smem:$0x3FAD]  }
0x31: {  	[smem:$0x3FB6] =	sst s10  }
0x32: {  	s10 =	sld [smem:$0x3FB4];
	_ =	sdelay $0x3  }
0x33: {  	p0 =	seq.s32 s10, $0x1;
	s10 =	sld [smem:$0x3FB6];
	_ =	sdelay $0x3  }
0x34: {  	[smem:$0x3FB6] =	sst s10  }
0x35: {  	s10 =	sld [smem:$0x3FB5];
	_ =	sdelay $0x3  }
0x36: {  	p1 =	seq.s32 s10, $0x1;
	s10 =	sld [smem:$0x3FB6];
	_ =	sdelay $0x3  }
0x37: {  	[smem:$0x3FB6] =	sst s10  }
0x38: {  	s10 =	sld [smem:$0x3FB7]  }
0x39: {  	_ = 	snop;
	(pc) =	sbr.ind lr, $3  }
0x3a: {  	_ = 	snop  }
0x3b: {  	_ = 	snop  }
0x3c: {  	p2 =	seq.s32 s10, $0x1;
	s10 =	sld [smem:$0x3FB6]  }
0x3d: {  	_ =	shalt  }
0x3e: {  	_ =	shalt  }
0x3f: {  	_ =	shalt  }
0x40: {  	_ =	shalt  }
0x41: {  	_ =	shalt  }
0x42: {  	_ =	shalt  }
0x43: {  	_ =	shalt  }
0x44: {  	_ =	shalt  }
0x45: {  	_ =	shalt  }
0x46: {  	_ =	shalt  }
0x47: {  	_ =	shalt  }
0x48: {  	_ =	shalt  }
0x49: {  	_ =	shalt  }
0x4a: {  	_ =	shalt  }
0x4b: {  	_ =	shalt  }
0x4c: {  	_ =	shalt  }
0x4d: {  	_ =	shalt  }
0x4e: {  	_ =	shalt  }
0x4f: {  	_ =	shalt  }
0x50: {  	_ =	shalt  }
0x51: {  	_ =	shalt  }
0x52: {  	_ =	shalt  }
0x53: {  	_ =	shalt  }
0x54: {  	_ =	shalt  }
0x55: {  	_ =	shalt  }
0x56: {  	_ =	shalt  }
0x57: {  	_ =	shalt  }
0x58: {  	_ =	shalt  }
0x59: {  	_ =	shalt  }
0x5a: {  	_ =	shalt  }
0x5b: {  	_ =	shalt  }
0x5c: {  	_ =	shalt  }
0x5d: {  	_ =	shalt  }
0x5e: {  	_ =	shalt  }
0x5f: {  	_ =	shalt  }
0x60: {  	_ =	shalt  }
0x61: {  	_ =	shalt  }
0x62: {  	_ =	shalt  }
0x63: {  	_ =	shalt  }
0x64: {  	_ =	shalt  }
0x65: {  	_ =	shalt  }
0x66: {  	_ =	shalt  }
0x67: {  	_ =	shalt  }
0x68: {  	_ =	shalt  }
0x69: {  	_ =	shalt  }
0x6a: {  	_ =	shalt  }
0x6b: {  	_ =	shalt  }
0x6c: {  	_ =	shalt  }
0x6d: {  	_ =	shalt  }
0x6e: {  	_ =	shalt  }
0x6f: {  	_ =	shalt  }
0x70: {  	_ =	shalt  }
0x71: {  	_ =	shalt  }
0x72: {  	_ =	shalt  }
0x73: {  	_ =	shalt  }
0x74: {  	_ =	shalt  }
0x75: {  	_ =	shalt  }
0x76: {  	_ =	shalt  }
0x77: {  	_ =	shalt  }
0x78: {  	_ =	shalt  }
0x79: {  	_ =	shalt  }
0x7a: {  	_ =	shalt  }
0x7b: {  	_ =	shalt  }
0x7c: {  	_ =	shalt  }
0x7d: {  	_ =	shalt  }
0x7e: {  	_ =	shalt  }
0x7f: {  	_ =	shalt  }
0x80: {  	_ =	shalt  }
0x81: {  	_ =	shalt  }
0x82: {  	_ =	shalt  }
0x83: {  	_ =	shalt  }
0x84: {  	_ =	shalt  }
0x85: {  	_ =	shalt  }
0x86: {  	_ =	shalt  }
0x87: {  	_ =	shalt  }
.Lfunc_end0:
.L_simem_size_0:
called_computation_lowered:
.L_overlay_start_0:
0x88: {  	s2 =	sld [smem:$0x3FD9]  }
0x89: {  	s3 =	sld [smem:$0x3FFE];
	_ =	sdelay $0x1  }
0x8a: {  	s1 =	srdreg.scid  }
0x8b: {  	s0 =	sand.u32 $0x1, s1  }
0x8c: {  	s17 =	sshll.u32 s0, $0xA;
	s2 =	sadd.s32 s3, s2  }
0x8d: {  	s2 =	sadd.s32 s2, s17  }
0x8e: {  	[smem:$0x3FC2] =	sst s2  }
0x8f: {  	_ = 	snop  }
0x90: {  	s2 =	sld [smem:$0x3FD0];
	(tm) =	ssettm $0x1  }
0x91: {  	s18 =	sld [smem:$0x3FFB];
	_ =	sdelay $0x3  }
0x92: {  	_ =	strace s18  }
0x93: {  	s3 =	sld [smem:$0x3FFC];
	_ =	sdelay $0x3  }
0x94: {  	_ =	strace s3  }
0x95: {  	s3 =	sld [smem:$0x3FFD];
	_ =	sdelay $0x3  }
0x96: {  	_ =	strace s3  }
0x97: {  	_ =	strace $0x8FFFFFFF  }
0x98: {  	s19 =	sld [smem:$0x3FDB];
	_ =	sdelay $0x1  }
0x99: {  	s4 =	simm.s32 $_scs_section_size  }
0x9a: {  	s5 =	simm.s32 $_size__tile_overlayer_lowered;
	s6 =	simm.s32 $_tile_overlayer_lowered  }
0x9b: {  	s22 =	simm.s32 $0x1BFF;
	s21 =	sshll.u32 s6, $0x1;
	s3 =	sadd.s32 s4, s19  }
0x9c: {  	s7 =	simm.s32 $0x0;
	s20 =	sshll.u32 s5, $0x1;
	s5 =	sadd.s32 s21, s3  }
0x9d: {  	[timem:s7], [sflag:s22] =	dma.local [hbm:s5], s20  }
0x9e: {  	_ =	swait.ge [sflag:s22], s20  }
0x9f: {  	s4 =	ssub.s32 $0x0, s20;
	[sflag:s22] =	ssyncset.done $0x0  }
0xa0: {  	[sflag:s22] =	ssyncadd.s32 s4;
	_ =	sdelay $0x1  }
0xa1: {  	s23 =	simm.s32 $0x1B8B  }
0xa2: {  	_ =	swait.ge [sflag:s23], $0x1  }
0xa3: {  	[sflag:s23] =	ssyncset.done $0x0  }
0xa4: {  	s25 =	simm.s32 $0x1B8E;
	s24 =	sld [smem:$0x3FFE];
	[sflag:s23] =	ssyncadd.s32 $0xFFFFFFFF  }
0xa5: {  	s26 =	simm.s32 $execute0_lowered;
	[smem:$0x3FD2] =	sst s25  }
0xa6: {  	s5 =	sshll.u32 s26, $0x1;
	_ =	strace $0x80000046;
	[dreg:$0x1] =	wrdreg $0xFFFFFFFF  }
0xa7: {  	s28 =	simm.s32 $_size_execute0_lowered;
	s3 =	sadd.s32 s3, s5;
	[dreg:$0x0] =	wrdreg $0x0  }
0xa8: {  	s5 =	sshll.u32 s28, $0x1;
	[dreg:$0x2] =	wrdreg s3  }
0xa9: {  	[dreg:$0x3] =	wrdreg s5  }
0xaa: {  	[dreg:$0x4] =	wrdreg $0xC0  }
0xab: {  	_ =	task [dreg:s7], $0x5FFFF  }
0xac: {  	[dreg:$0x1] =	wrdreg $0xFFFFFFFF  }
0xad: {  	[dreg:$0x0] =	wrdreg $0x60  }
0xae: {  	[dreg:$0x2] =	wrdreg s2  }
0xaf: {  	[dreg:$0x3] =	wrdreg s24  }
0xb0: {  	[dreg:$0x4] =	wrdreg $0xAD800  }
0xb1: {  	[dreg:$0x5] =	wrdreg $0x1E6000  }
0xb2: {  	[dreg:$0x6] =	wrdreg $0x9  }
0xb3: {  	_ =	task.clear_ibuf [dreg:s7], $0x7FFFF;
	_ =	strace $0x90000046  }
0xb4: {  	s29 =	simm.s32 $0x9;
	_ =	strace $0x80000048  }
0xb5: {  	_ =	swait.ge [sflag:s29], $0x1  }
0xb6: {  	[sflag:s29] =	ssyncadd.s32 $0xFFFFFFFF  }
0xb7: {  	_ =	strace $0x90000048  }
0xb8: {  	_ =	sfence  }
0xb9: {  	s30 =	sld [smem:$0x0];
	_ =	sdelay $0x2  }
0xba: {  	s31 =	sshll.u32 s1, $0xD;
	s1 =	sshrl.u32 s1, $0x2  }
0xbb: {  	s3 =	sand.u32 $0x4000, s31;
	s1 =	sadd.s32 s1, s30  }
0xbc: {  	s0 =	sor.u32 s3, s0;
	s1 =	sshll.u32 s1, $0x11  }
0xbd: {  	s0 =	sor.u32 s1, s0  }
0xbe: {  	s0 =	sadd.s32 $0x8F2B, s0  }
0xbf: {  	[sflag:s0] =	ssyncadd.remote.s32 $0x1  }
0xc0: {  	_ =	sfence.sel $0xFFFF  }
0xc1: {  	[dreg:$0x0] =	wrdreg $0xFFFFFFFF;
	(pc) =	sbr.abs _section_cstart, $3  }
0xc2: {  	[dreg:$0x1] =	wrdreg $0xFFFFFFFF  }
0xc3: {  	_ =	task.clear_ibuf [dreg:s7], $0x2FFFF;
	_ =	strace $0x9FFFFFFF  }
0xc4: {  	(tm) =	ssettm $0x7FFFFFFF  }
0xc5: {  	_ =	shalt  }
tec
execute0_lowered:
.L_overlay_start_1:
0x0: {  	(tag) =	ssettag $0x1  }
0x1: {  	s0 =	rddreg [dreg:$0x0]  }
0x2: {  	s1 =	rddreg [dreg:$0x1]  }
0x3: {  	s2 =	srdreg.scid;
	s12 =	stileid.u32  }
0x4: {  	s3 =	rddreg [dreg:$0x2];
	s6 =	smul.u32 $0x1F400, s12  }
0x5: {  	s4 =	rddreg [dreg:$0x3];
	s7 =	simm.s32 $0x0;
	s9 =	smul.u32 $0x3E8, s12  }
0x6: {  	s2 =	sand.u32 $0x1, s2;
	[smem:$0x7FF] =	sst s7;
	s11 =	smul.u32 $0x7D000, s12  }
0x7: {  	s8 =	sadd.s32 $0x20A00, s1;
	s7 =	sadd.s32 $0x1600, s1;
	s5 =	smul.u32 $0x138800, s2  }
0x8: {  	_ =	strace $0x80000047;
	[dreg:$0x5] =	wrdreg s8;
	s8 =	sshrl.u32 s11, $0x2  }
0x9: {  	p0 =	sgt.u32 s12, $0x9;
	s26 =	smul.u32 $0x2710, s2;
	s8 =	sadd.s32 s8, s3  }
0xa: {  	s13 =	ssub.s32 $0x2, s2;
	s2 =	sshll.u32 s2, $0x4;
	s14 =	sadd.s32 $0x1400, s8  }
0xb: {  	s2 =	sor.u32 s12, s2;
	s15 =	sadd.s32 $0x2800, s8;
	[dreg:$0x6] =	wrdreg s14  }
0xc: {  	s5 =	sadd.s32 s6, s5;
	s16 =	sadd.s32 $0x3C00, s8;
	[dreg:$0x7] =	wrdreg s15  }
0xd: {  	s10 =	sadd.s32 s9, s26;
	s17 =	sadd.s32 $0x5000, s8;
	[dreg:$0x8] =	wrdreg s16  }
0xe: {  	s22 =	smul.u32 $0x7D0, s2;
	s18 =	sadd.s32 $0x6400, s8;
	[dreg:$0x9] =	wrdreg s17  }
0xf: {  	s5 =	sshrl.u32 s5, $0x3;
	s19 =	sadd.s32 $0x7800, s8;
	[dreg:$0xa] =	wrdreg s18  }
0x10: {  	s6 =	sshrl.u32 s10, $0x3;
	s11 =	sadd.s32 $0x8C00, s8;
	[dreg:$0xb] =	wrdreg s19  }
0x11: {  	s10 =	sshrl.u32 s13, $0x1;
	s21 =	sadd.s32 $0xA000, s8;
	[dreg:$0xc] =	wrdreg s11  }
0x12: {  	s24 =	sadd.s32 $0xC800, s8;
	s12 =	sadd.s32 $0x12C00, s8;
	[dreg:$0xd] =	wrdreg s21  }
0x13: {  	s5 =	sadd.s32 s5, s1;
	s1 =	sadd.s32 s6, s1;
	[dreg:$0xf] =	wrdreg s24  }
0x14: {  	s6 =	ssub.s32 s13, s10;
	s13 =	sadd.s32 $0xB400, s8;
	[dreg:$0x17] =	wrdreg s12  }
0x15: {  	s25 =	sadd.s32 s7, s22;
	[dreg:$0xe] =	wrdreg s13  }
0x16: {  	s23 =	simm.s32 $0x0;
	s11 =	sadd.s32 $0x11800, s8;
	[dreg:$0x10] =	wrdreg s25  }
0x17: {  	s28 =	simm.s32 $0x2;
	s14 =	sadd.s32 $0x15400, s8;
	[dreg:$0x16] =	wrdreg s11  }
0x18: {  	s29 =	simm.s32 $0x50;
	s15 =	sadd.s32 $0x16800, s8;
	[dreg:$0x19] =	wrdreg s14  }
0x19: {  	s30 =	simm.s32 $0x1;
	s16 =	sadd.s32 $0x17C00, s8;
	[dreg:$0x1a] =	wrdreg s15  }
0x1a: {  	s20 =	smul.u32 $0x3E80, s2;
	s17 =	sadd.s32 $0x19000, s8;
	[dreg:$0x1b] =	wrdreg s16  }
0x1b: {  	s31 =	simm.s32 $0x3;
	s18 =	sadd.s32 $0x1A400, s8;
	[dreg:$0x1c] =	wrdreg s17  }
0x1c: {  	s10 =	sshrl.u32 s20, $0x3;
	s20 =	sadd.s32 $0x1B800, s8;
	[dreg:$0x1d] =	wrdreg s18  }
0x1d: {  	s19 =	sadd.s32 s9, s4;
	s21 =	sadd.s32 $0x1CC00, s8;
	[dreg:$0x1e] =	wrdreg s20  }
0x1e: {  	s22 =	smul.u32 $0x19, s2;
	s5 =	sadd.s32 $0x21E00, s5;
	[dreg:$0x1f] =	wrdreg s21  }
0x1f: {  	s25 =	smax.u32 s6, $0x1;
	s6 =	sadd.s32 $0xDC00, s8;
	[dreg:$0x12] =	wrdreg s5  }
0x20: {  	s26 =	sadd.s32 s7, s10;
	s10 =	sadd.s32 $0x10400, s8;
	[dreg:$0x13] =	wrdreg s6  }
0x21: {  	s2 =	simm.s32 $0x0;
	s13 =	sadd.s32 $0x14000, s8;
	[dreg:$0x15] =	wrdreg s10  }
0x22: {  	s24 =	sadd.s32 $0x21400, s1;
	s9 =	sadd.s32 $0xFA00, s26;
	[dreg:$0x18] =	wrdreg s13  }
0x23: {  	s17 =	simm.s32 $0x4;
	s26 =	sadd.s32 $0x1E000, s8;
	[dreg:$0x11] =	wrdreg s9  }
0x24: {  	s18 =	simm.s32 $0x5880;
	s9 =	sadd.s32 $0xF000, s8;
	[smem:$0x7FD] =	sst s26  }
0x25: {  	v0 =	vimm.f32 $0.0e+00;
	s26 =	simm.s32 $0x4E80;
	[dreg:$0x14] =	wrdreg s9;
	s9 =	simm.s32 $0x0  }
.LBB2_1:
.Ltmp0:
0x26: {  	s1 =	rddreg [dreg:$0x5];
	(pc) =	sbr.rel @p0 .LBB2_7-.Ltmp0, $4  }
0x27: {  	[tilespmem:s23], [sflag:$0x4] =	stream.linear.gather [hbm4b:s1+s23], $0x4E80, $0x38;
	[tilespmem:$0x1E878] =	vst v63  }
0x28: {  	_ =	swait.ge [sflag:s17], $0x4E80  }
0x29: {  	[sflag:s17] =	ssyncset.done $0x0  }
0x2a: {  	[sflag:s17] =	ssyncadd.s32 $0xFFFFB180  }
0x2b: {  	s5 =	simm.s32 $0x0  }
0x2c: {  	s23 =	simm.s32 $0x0;
	s1 =	sshra.s32 s5, $0x2;
	s5 =	sadd.s32 $0x200, s5  }
.LBB2_3:
0x2d: {  	p1 =	sne.s32 s5, $0x4E00;
	[tilespmem:s1+$0x58F0] =	vst v0  }
0x2e: {  	[tilespmem:s1+$0x5880] =	vst v0  }
0x2f: {  	[tilespmem:s1+$0x5890] =	vst v0  }
.Ltmp1:
0x30: {  	[tilespmem:s1+$0x58A0] =	vst v0;
	(pc) =	sbr.rel @p1 .LBB2_3-.Ltmp1, $4  }
0x31: {  	[tilespmem:s1+$0x58B0] =	vst v0  }
0x32: {  	[tilespmem:s1+$0x58C0] =	vst v0  }
0x33: {  	[tilespmem:s1+$0x58D0] =	vst v0  }
0x34: {  	[tilespmem:s1+$0x58E0] =	vst v0;
	s1 =	sshra.s32 s5, $0x2;
	s5 =	sadd.s32 $0x200, s5  }
0x35: {  	[tilespmem:s1+$0x58F0] =	vst v0  }
0x36: {  	[tilespmem:s1+$0x5880] =	vst v0  }
0x37: {  	[tilespmem:s1+$0x5890] =	vst v0  }
0x38: {  	[tilespmem:s1+$0x58A0] =	vst v0  }
0x39: {  	[tilespmem:s1+$0x58B0] =	vst v0  }
0x3a: {  	[tilespmem:s1+$0x58C0] =	vst v0  }
0x3b: {  	[tilespmem:s1+$0x58D0] =	vst v0  }
0x3c: {  	[tilespmem:s1+$0x58E0] =	vst v0;
	s1 =	simm.s32 $0x40;
	s5 =	simm.s32 $0x0  }
.LBB2_5:
0x3d: {  	p1 =	sne.s32 s1, $0xF80;
	[tilespmem:s5+$0xA980] =	vst v0;
	s5 =	smov.u32 s1;
	s1 =	sadd.s32 $0x40, s1  }
.Ltmp2:
0x3e: {  	(pc) =	sbr.rel @p1 .LBB2_5-.Ltmp2, $2  }
0x3f: {  	_ =	sdelay $0x2  }
0x40: {  	s5 =	sshra.s32 s5, $0x2  }
0x41: {  	[tilespmem:s5+$0xA980] =	vst v0  }
0x42: {  	[spmem:s8] =	stream.linear.scatter [tilespmem:s18], [sflag:$0x4], $0x1400, $0x38;
	[tilespmem:$0x1E878] =	vst v63  }
0x43: {  	_ =	swait.ge [sflag:s17], $0x1400  }
0x44: {  	[sflag:s17] =	ssyncset.done $0x0  }
0x45: {  	s1 =	rddreg [dreg:$0x6];
	[sflag:s17] =	ssyncadd.s32 $0xFFFFEC00  }
0x46: {  	[spmem:s1] =	stream.linear.scatter [tilespmem:s18], [sflag:$0x4], $0x1400, $0x38;
	[tilespmem:$0x1E878] =	vst v63  }
0x47: {  	_ =	swait.ge [sflag:s17], $0x1400  }
0x48: {  	[sflag:s17] =	ssyncset.done $0x0  }
0x49: {  	s20 =	rddreg [dreg:$0x7];
	[sflag:s17] =	ssyncadd.s32 $0xFFFFEC00  }
0x4a: {  	[spmem:s20] =	stream.linear.scatter [tilespmem:s18], [sflag:$0x4], $0x1400, $0x38;
	[tilespmem:$0x1E878] =	vst v63  }
0x4b: {  	_ =	swait.ge [sflag:s17], $0x1400  }
0x4c: {  	[sflag:s17] =	ssyncset.done $0x0  }
0x4d: {  	s21 =	rddreg [dreg:$0x8];
	[sflag:s17] =	ssyncadd.s32 $0xFFFFEC00  }
0x4e: {  	[spmem:s21] =	stream.linear.scatter [tilespmem:s18], [sflag:$0x4], $0x1400, $0x38;
	[tilespmem:$0x1E878] =	vst v63  }
0x4f: {  	_ =	swait.ge [sflag:s17], $0x1400  }
0x50: {  	[sflag:s17] =	ssyncset.done $0x0  }
0x51: {  	s5 =	rddreg [dreg:$0x9];
	[sflag:s17] =	ssyncadd.s32 $0xFFFFEC00  }
0x52: {  	[spmem:s5] =	stream.linear.scatter [tilespmem:s18], [sflag:$0x4], $0x1400, $0x38;
	[tilespmem:$0x1E878] =	vst v63  }
0x53: {  	_ =	swait.ge [sflag:s17], $0x1400  }
0x54: {  	[sflag:s17] =	ssyncset.done $0x0  }
0x55: {  	s6 =	rddreg [dreg:$0xa];
	[sflag:s17] =	ssyncadd.s32 $0xFFFFEC00  }
0x56: {  	[spmem:s6] =	stream.linear.scatter [tilespmem:s18], [sflag:$0x4], $0x1400, $0x38;
	[tilespmem:$0x1E878] =	vst v63  }
0x57: {  	_ =	swait.ge [sflag:s17], $0x1400  }
0x58: {  	[sflag:s17] =	ssyncset.done $0x0  }
0x59: {  	s10 =	rddreg [dreg:$0xb];
	[sflag:s17] =	ssyncadd.s32 $0xFFFFEC00  }
0x5a: {  	[spmem:s10] =	stream.linear.scatter [tilespmem:s18], [sflag:$0x4], $0x1400, $0x38;
	[tilespmem:$0x1E878] =	vst v63  }
0x5b: {  	_ =	swait.ge [sflag:s17], $0x1400  }
0x5c: {  	[sflag:s17] =	ssyncset.done $0x0  }
0x5d: {  	s11 =	rddreg [dreg:$0xc];
	[sflag:s17] =	ssyncadd.s32 $0xFFFFEC00  }
0x5e: {  	[spmem:s11] =	stream.linear.scatter [tilespmem:s18], [sflag:$0x4], $0x1400, $0x38;
	[tilespmem:$0x1E878] =	vst v63  }
0x5f: {  	_ =	swait.ge [sflag:s17], $0x1400  }
0x60: {  	[sflag:s17] =	ssyncset.done $0x0  }
0x61: {  	s12 =	rddreg [dreg:$0xd];
	[sflag:s17] =	ssyncadd.s32 $0xFFFFEC00  }
0x62: {  	[spmem:s12] =	stream.linear.scatter [tilespmem:s18], [sflag:$0x4], $0x1400, $0x38;
	[tilespmem:$0x1E878] =	vst v63  }
0x63: {  	_ =	swait.ge [sflag:s17], $0x1400  }
0x64: {  	[sflag:s17] =	ssyncset.done $0x0  }
0x65: {  	s13 =	rddreg [dreg:$0xe];
	[sflag:s17] =	ssyncadd.s32 $0xFFFFEC00  }
0x66: {  	[spmem:s13] =	stream.linear.scatter [tilespmem:s18], [sflag:$0x4], $0x1400, $0x38;
	[tilespmem:$0x1E878] =	vst v63  }
0x67: {  	_ =	swait.ge [sflag:s17], $0x1400  }
0x68: {  	[sflag:s17] =	ssyncset.done $0x0  }
0x69: {  	s14 =	rddreg [dreg:$0xf];
	[sflag:s17] =	ssyncadd.s32 $0xFFFFEC00  }
0x6a: {  	[spmem:s14] =	stream.linear.scatter [tilespmem:s18], [sflag:$0x4], $0x1400, $0x38;
	[tilespmem:$0x1E878] =	vst v63  }
0x6b: {  	_ =	swait.ge [sflag:s17], $0x1400  }
0x6c: {  	[sflag:s17] =	ssyncset.done $0x0  }
0x6d: {  	s15 =	rddreg [dreg:$0x13];
	[sflag:s17] =	ssyncadd.s32 $0xFFFFEC00  }
0x6e: {  	[spmem:s15] =	stream.linear.scatter [tilespmem:s18], [sflag:$0x4], $0x1400, $0x38;
	[tilespmem:$0x1E878] =	vst v63  }
0x6f: {  	_ =	swait.ge [sflag:s17], $0x1400  }
0x70: {  	[sflag:s17] =	ssyncset.done $0x0  }
0x71: {  	s16 =	rddreg [dreg:$0x14];
	[sflag:s17] =	ssyncadd.s32 $0xFFFFEC00  }
0x72: {  	[spmem:s16] =	stream.linear.scatter [tilespmem:s18], [sflag:$0x4], $0x1400, $0x38;
	[tilespmem:$0x1E878] =	vst v63  }
0x73: {  	_ =	swait.ge [sflag:s17], $0x1400  }
0x74: {  	[sflag:s17] =	ssyncset.done $0x0  }
0x75: {  	s20 =	rddreg [dreg:$0x15];
	[sflag:s17] =	ssyncadd.s32 $0xFFFFEC00  }
0x76: {  	[spmem:s20] =	stream.linear.scatter [tilespmem:s18], [sflag:$0x4], $0x1400, $0x38;
	[tilespmem:$0x1E878] =	vst v63  }
0x77: {  	_ =	swait.ge [sflag:s17], $0x1400  }
0x78: {  	[sflag:s17] =	ssyncset.done $0x0  }
0x79: {  	s21 =	rddreg [dreg:$0x16];
	[sflag:s17] =	ssyncadd.s32 $0xFFFFEC00  }
0x7a: {  	[spmem:s21] =	stream.linear.scatter [tilespmem:s18], [sflag:$0x4], $0x1400, $0x38;
	[tilespmem:$0x1E878] =	vst v63  }
0x7b: {  	_ =	swait.ge [sflag:s17], $0x1400  }
0x7c: {  	[sflag:s17] =	ssyncset.done $0x0  }
0x7d: {  	s5 =	rddreg [dreg:$0x17];
	[sflag:s17] =	ssyncadd.s32 $0xFFFFEC00  }
0x7e: {  	[spmem:s5] =	stream.linear.scatter [tilespmem:s18], [sflag:$0x4], $0x1400, $0x38;
	[tilespmem:$0x1E878] =	vst v63  }
0x7f: {  	_ =	swait.ge [sflag:s17], $0x1400  }
0x80: {  	[sflag:s17] =	ssyncset.done $0x0  }
0x81: {  	s6 =	rddreg [dreg:$0x18];
	[sflag:s17] =	ssyncadd.s32 $0xFFFFEC00  }
0x82: {  	[spmem:s6] =	stream.linear.scatter [tilespmem:s18], [sflag:$0x4], $0x1400, $0x38;
	[tilespmem:$0x1E878] =	vst v63  }
0x83: {  	_ =	swait.ge [sflag:s17], $0x1400  }
0x84: {  	[sflag:s17] =	ssyncset.done $0x0  }
0x85: {  	s10 =	rddreg [dreg:$0x19];
	[sflag:s17] =	ssyncadd.s32 $0xFFFFEC00  }
0x86: {  	[spmem:s10] =	stream.linear.scatter [tilespmem:s18], [sflag:$0x4], $0x1400, $0x38;
	[tilespmem:$0x1E878] =	vst v63  }
0x87: {  	_ =	swait.ge [sflag:s17], $0x1400  }
0x88: {  	[sflag:s17] =	ssyncset.done $0x0  }
0x89: {  	s11 =	rddreg [dreg:$0x1a];
	[sflag:s17] =	ssyncadd.s32 $0xFFFFEC00  }
0x8a: {  	[spmem:s11] =	stream.linear.scatter [tilespmem:s18], [sflag:$0x4], $0x1400, $0x38;
	[tilespmem:$0x1E878] =	vst v63  }
0x8b: {  	_ =	swait.ge [sflag:s17], $0x1400  }
0x8c: {  	[sflag:s17] =	ssyncset.done $0x0  }
0x8d: {  	s12 =	rddreg [dreg:$0x1b];
	[sflag:s17] =	ssyncadd.s32 $0xFFFFEC00  }
0x8e: {  	[spmem:s12] =	stream.linear.scatter [tilespmem:s18], [sflag:$0x4], $0x1400, $0x38;
	[tilespmem:$0x1E878] =	vst v63  }
0x8f: {  	_ =	swait.ge [sflag:s17], $0x1400  }
0x90: {  	[sflag:s17] =	ssyncset.done $0x0  }
0x91: {  	s13 =	rddreg [dreg:$0x1c];
	[sflag:s17] =	ssyncadd.s32 $0xFFFFEC00  }
0x92: {  	[spmem:s13] =	stream.linear.scatter [tilespmem:s18], [sflag:$0x4], $0x1400, $0x38;
	[tilespmem:$0x1E878] =	vst v63  }
0x93: {  	_ =	swait.ge [sflag:s17], $0x1400  }
0x94: {  	[sflag:s17] =	ssyncset.done $0x0  }
0x95: {  	s14 =	rddreg [dreg:$0x1d];
	[sflag:s17] =	ssyncadd.s32 $0xFFFFEC00  }
0x96: {  	[spmem:s14] =	stream.linear.scatter [tilespmem:s18], [sflag:$0x4], $0x1400, $0x38;
	[tilespmem:$0x1E878] =	vst v63  }
0x97: {  	_ =	swait.ge [sflag:s17], $0x1400  }
0x98: {  	[sflag:s17] =	ssyncset.done $0x0  }
0x99: {  	s15 =	rddreg [dreg:$0x1e];
	[sflag:s17] =	ssyncadd.s32 $0xFFFFEC00  }
0x9a: {  	[spmem:s15] =	stream.linear.scatter [tilespmem:s18], [sflag:$0x4], $0x1400, $0x38;
	[tilespmem:$0x1E878] =	vst v63  }
0x9b: {  	_ =	swait.ge [sflag:s17], $0x1400  }
0x9c: {  	[sflag:s17] =	ssyncset.done $0x0  }
0x9d: {  	s16 =	rddreg [dreg:$0x1f];
	[sflag:s17] =	ssyncadd.s32 $0xFFFFEC00  }
0x9e: {  	[spmem:s16] =	stream.linear.scatter [tilespmem:s18], [sflag:$0x4], $0x1400, $0x38;
	[tilespmem:$0x1E878] =	vst v63  }
0x9f: {  	_ =	swait.ge [sflag:s17], $0x1400  }
0xa0: {  	s20 =	sld [smem:$0x7FD]  }
0xa1: {  	[sflag:s17] =	ssyncset.done $0x0  }
0xa2: {  	[sflag:s17] =	ssyncadd.s32 $0xFFFFEC00  }
0xa3: {  	[spmem:s20] =	stream.linear.scatter [tilespmem:s18], [sflag:$0x4], $0x1400, $0x38;
	[tilespmem:$0x1E878] =	vst v63  }
0xa4: {  	_ =	swait.ge [sflag:s17], $0x1400  }
0xa5: {  	[sflag:s17] =	ssyncset.done $0x0  }
0xa6: {  	s21 =	simm.s32 $0xA980;
	[sflag:s17] =	ssyncadd.s32 $0xFFFFEC00  }
0xa7: {  	[spmem:s19] =	stream.linear.scatter [tilespmem:s21], [sflag:$0x4], $0x3E8, $0x38;
	[tilespmem:$0x1E878] =	vst v63  }
0xa8: {  	_ =	swait.ge [sflag:s17], $0x3E8  }
0xa9: {  	[sflag:s17] =	ssyncset.done $0x0  }
0xaa: {  	[sflag:s17] =	ssyncadd.s32 $0xFFFFFC18  }
.LBB2_7:
0xab: {  	[bflag:$0x0] =	sbarrier.arrive $0xFFFF  }
0xac: {  	s1 =	rddreg [dreg:$0x10]  }
0xad: {  	[tilespmem:s26], [sflag:$0x2] =	stream.linear.gather [hbm4b:s1+s9], $0x280, $0x38;
	[tilespmem:$0x1E878] =	vst v63  }
0xae: {  	s5 =	simm.s32 $0x5380;
	s21 =	rddreg [dreg:$0x11]  }
0xaf: {  	[tilespmem:s5], [sflag:$0x2] =	stream.linear.gather [hbm4b:s21+s9], $0x280, $0x38;
	[tilespmem:$0x1E878] =	vst v63  }
0xb0: {  	_ =	swait.ge [sflag:s28], $0x280  }
0xb1: {  	[sflag:s28] =	ssyncset.done $0x0  }
0xb2: {  	[sflag:s28] =	ssyncadd.s32 $0xFFFFFD80  }
0xb3: {  	_ =	swait.ge [sflag:s28], $0x280  }
0xb4: {  	p1 =	por $0x0, $0x0;
	s11 =	simm.s32 $0x0;
	[sflag:s28] =	ssyncset.done $0x0  }
0xb5: {  	s10 =	simm.s32 $0x0;
	s12 =	simm.s32 $0x0;
	[sflag:s28] =	ssyncadd.s32 $0xFFFFFD80  }
0xb6: {  	[tilespmem:s18], [sflag:$0x1] =	stream.indirect.gather [hbm4b:s0+s29], $0x80, s26, s29, $0xb8;
	[tilespmem:$0x1E878] =	vst v63  }
.LBB2_8:
0xb7: {  	s5 =	smov.u32 s12;
	_ =	swait.ge [sflag:s30], $0x2800;
	s15 =	sadd.s32 $0x1, s10  }
0xb8: {  	p2 =	seq.s32 s12, $0x0;
	s1 =	smov.u32 s11;
	[sflag:s30] =	ssyncset.done $0x0  }
0xb9: {  	p3 =	sgt.s32 s10, $0x17;
	s11 =	simm.s32 @!p2 $0x3;
	[sflag:s30] =	ssyncadd.s32 $0xFFFFD800  }
0xba: {  	s6 =	sshrl.u32 s15, $0x1F;
	p4 =	sne.s32 @!p3 s1, $0x0;
	_ =	swait.ge @!p2 [sflag:s11], $0x2800  }
0xbb: {  	s12 =	sadd.s32 s6, s15;
	p3 =	por p4, p3;
	[sflag:s11] =	ssyncset.done @!p2 $0x0  }
0xbc: {  	s12 =	sand.u32 $0xFFFFFFFE, s12;
	s13 =	sadd.s32 @!p3 s22, s15;
	[sflag:s11] =	ssyncadd.s32 @!p2 $0xFFFFD800  }
0xbd: {  	s14 =	ssub.s32 s15, s12;
	s12 =	smul.u32 @!p3 $0x280, s13;
	_ =	swait.ge @!p2 [sflag:s11], $0x50  }
0xbe: {  	s13 =	smul.u32 @!p3 $0x280, s14;
	[sflag:s11] =	ssyncset.done @!p2 $0x0  }
0xbf: {  	[sflag:s11] =	ssyncadd.s32 @!p2 $0xFFFFFFB0;
	s11 =	sshrl.u32 @!p3 s12, $0x3  }
0xc0: {  	s20 =	simm.s32 @!p3 $0x0;
	s16 =	sadd.s32 @!p3 $0x4E80, s13;
	s11 =	sadd.s32 @!p3 s7, s11  }
0xc1: {  	[tilespmem:s16], [sflag:$0x2] =	stream.linear.gather @!p3 [hbm4b:s11+s20], $0x280, $0x38;
	[tilespmem:$0x1E878] =	vst v63  }
0xc2: {  	s11 =	sadd.s32 @!p3 $0x7D000, s12  }
0xc3: {  	s11 =	sshrl.u32 @!p3 s11, $0x3  }
0xc4: {  	s12 =	sadd.s32 @!p3 $0x5380, s13;
	s11 =	sadd.s32 @!p3 s7, s11  }
0xc5: {  	[tilespmem:s12], [sflag:$0x2] =	stream.linear.gather @!p3 [hbm4b:s11+s20], $0x280, $0x38;
	[tilespmem:$0x1E878] =	vst v63  }
0xc6: {  	p3 =	seq.s32 s5, $0x7C  }
0xc7: {  	s13 =	sshrl.u32 s10, $0x1F;
	p2 =	sne.s32 @!p3 s1, $0x4  }
0xc8: {  	s11 =	sadd.s32 s13, s10;
	p4 =	por p2, p3  }
0xc9: {  	s12 =	sadd.s32 $0x1, s5;
	s11 =	sand.u32 $0xFFFFFFFE, s11;
	s13 =	simm.s32 @!p4 $0x2  }
0xca: {  	s6 =	ssub.s32 s10, s11;
	p2 =	seq.s32 s1, $0x4;
	_ =	swait.ge @!p4 [sflag:s13], $0x280  }
0xcb: {  	s11 =	sadd.s32 $0x1, s1;
	s1 =	sshll.u32 s1, $0x7;
	[sflag:s13] =	ssyncset.done @!p4 $0x0  }
0xcc: {  	s16 =	smov.u32 s6;
	s11 =	simm.s32 @p2 $0x0;
	[sflag:s13] =	ssyncadd.s32 @!p4 $0xFFFFFD80  }
0xcd: {  	s6 =	smul.u32 $0x280, s6;
	s16 =	smov.u32 @p2 s14;
	_ =	swait.ge @!p4 [sflag:s13], $0x280  }
0xce: {  	s14 =	smul.u32 @!p3 $0xA00, s16;
	s16 =	sshll.u32 @!p3 s11, $0x9;
	[sflag:s13] =	ssyncset.done @!p4 $0x0  }
0xcf: {  	s1 =	sadd.s32 s1, s6;
	[sflag:s13] =	ssyncadd.s32 @!p4 $0xFFFFFD80;
	s13 =	sand.u32 @!p3 $0x1, s12  }
0xd0: {  	p4 =	seq.s32 @!p3 s13, $0x1;
	s13 =	sshra.s32 @!p3 s14, $0x2;
	s14 =	sshra.s32 @!p3 s16, $0x2  }
0xd1: {  	s16 =	simm.s32 @!p3 $0x8080;
	p4 =	por !p4, p3;
	s13 =	sadd.s32 @!p3 s14, s13  }
0xd2: {  	s14 =	simm.s32 @!p3 $0x50;
	s16 =	simm.s32 @p4 $0x5880;
	s13 =	sadd.s32 @!p3 $0x4E80, s13  }
0xd3: {  	[tilespmem:s16], [sflag:$0x1] =	stream.indirect.gather @!p3 [hbm4b:s0+s14], $0x80, s13, s14, $0xb8;
	[tilespmem:$0x1E878] =	vst v63  }
0xd4: {  	v1 =	vld [tilespmem:s1+$0x4E80]  }
0xd5: {  	v2 =	vld [tilespmem:s1+$0x5380];
	_ =	sdelay $0x4  }
0xd6: {  	v1 =	vshll.u32 v1, $0x1;
	v2 =	vshll.u32 v2, $0x1  }
0xd7: {  	v2 =	vor.u32 $0x1, v2;
	_ =	sdelay $0x3  }
0xd8: {  	v1 =	vld.idx.msk [tilespmem:v1+s9+$0x0], $0xffff  }
0xd9: {  	v2 =	vld.idx.msk [tilespmem:v2+s9+$0x0], $0xffff;
	_ =	sdelay $0x4  }
0xda: {  	v1 =	vadd.f32 v2, v1;
	_ =	sdelay $0x1  }
0xdb: {  	v2 =	vmul.f32 $2.000000030e-01, v1  }
0xdc: {  	vm0 =	vge.f32 v1, $0.0e+00  }
0xdd: {  	v1 =	vsel vm0, v1, v2  }
0xde: {  	v1 =	vmul.f32 $1.442695020e+00, v1;
	_ =	sdelay $0x1  }
0xdf: {  	(erf) = vpow2.f32 v1;
	_ =	sdelay $0x7  }
0xe0: {  	s5 =	sand.u32 $0x1, s5  }
0xe1: {  	s14 =	sshll.u32 s5, $0x7;
	v1 =	vpop (erf)  }
0xe2: {  	[tilespmem:s14+$0xA880] =	vst v1  }
0xe3: {  	v1 =	vld [tilespmem:s1+$0x4E90]  }
0xe4: {  	v2 =	vld [tilespmem:s1+$0x5390];
	_ =	sdelay $0x4  }
0xe5: {  	v1 =	vshll.u32 v1, $0x1;
	v2 =	vshll.u32 v2, $0x1  }
0xe6: {  	v2 =	vor.u32 $0x1, v2;
	_ =	sdelay $0x3  }
0xe7: {  	v1 =	vld.idx.msk [tilespmem:v1+s9+$0x0], $0xffff  }
0xe8: {  	v2 =	vld.idx.msk [tilespmem:v2+s9+$0x0], $0xffff;
	_ =	sdelay $0x4  }
0xe9: {  	v1 =	vadd.f32 v2, v1;
	_ =	sdelay $0x1  }
0xea: {  	v2 =	vmul.f32 $2.000000030e-01, v1  }
0xeb: {  	vm12 =	vge.f32 v1, $0.0e+00  }
0xec: {  	v1 =	vsel vm12, v1, v2  }
0xed: {  	v1 =	vmul.f32 $1.442695020e+00, v1;
	_ =	sdelay $0x1  }
0xee: {  	(erf) = vpow2.f32 v1;
	_ =	sdelay $0x8  }
0xef: {  	v1 =	vpop (erf)  }
0xf0: {  	[tilespmem:s14+$0xA890] =	vst v1  }
0xf1: {  	v1 =	vld [tilespmem:s1+$0x4EA0]  }
0xf2: {  	v2 =	vld [tilespmem:s1+$0x53A0];
	_ =	sdelay $0x4  }
0xf3: {  	v1 =	vshll.u32 v1, $0x1;
	v2 =	vshll.u32 v2, $0x1  }
0xf4: {  	v2 =	vor.u32 $0x1, v2;
	_ =	sdelay $0x3  }
0xf5: {  	v1 =	vld.idx.msk [tilespmem:v1+s9+$0x0], $0xffff  }
0xf6: {  	v2 =	vld.idx.msk [tilespmem:v2+s9+$0x0], $0xffff;
	_ =	sdelay $0x4  }
0xf7: {  	v1 =	vadd.f32 v2, v1;
	_ =	sdelay $0x1  }
0xf8: {  	v2 =	vmul.f32 $2.000000030e-01, v1  }
0xf9: {  	vm13 =	vge.f32 v1, $0.0e+00  }
0xfa: {  	v1 =	vsel vm13, v1, v2  }
0xfb: {  	v1 =	vmul.f32 $1.442695020e+00, v1;
	_ =	sdelay $0x1  }
0xfc: {  	(erf) = vpow2.f32 v1;
	_ =	sdelay $0x8  }
0xfd: {  	v1 =	vpop (erf)  }
0xfe: {  	[tilespmem:s14+$0xA8A0] =	vst v1  }
0xff: {  	v1 =	vld [tilespmem:s1+$0x4EB0]  }
0x100: {  	v2 =	vld [tilespmem:s1+$0x53B0];
	_ =	sdelay $0x4  }
0x101: {  	v1 =	vshll.u32 v1, $0x1;
	v2 =	vshll.u32 v2, $0x1  }
0x102: {  	v2 =	vor.u32 $0x1, v2;
	_ =	sdelay $0x3  }
0x103: {  	v1 =	vld.idx.msk [tilespmem:v1+s9+$0x0], $0xffff  }
0x104: {  	v2 =	vld.idx.msk [tilespmem:v2+s9+$0x0], $0xffff;
	_ =	sdelay $0x4  }
0x105: {  	v1 =	vadd.f32 v2, v1;
	_ =	sdelay $0x1  }
0x106: {  	v2 =	vmul.f32 $2.000000030e-01, v1  }
0x107: {  	vm14 =	vge.f32 v1, $0.0e+00  }
0x108: {  	v1 =	vsel vm14, v1, v2  }
0x109: {  	v1 =	vmul.f32 $1.442695020e+00, v1;
	_ =	sdelay $0x1  }
0x10a: {  	(erf) = vpow2.f32 v1;
	_ =	sdelay $0x8  }
0x10b: {  	v1 =	vpop (erf)  }
0x10c: {  	[tilespmem:s14+$0xA8B0] =	vst v1  }
0x10d: {  	v1 =	vld [tilespmem:s1+$0x4EC0]  }
0x10e: {  	v2 =	vld [tilespmem:s1+$0x53C0];
	_ =	sdelay $0x4  }
0x10f: {  	v1 =	vshll.u32 v1, $0x1;
	v2 =	vshll.u32 v2, $0x1  }
0x110: {  	v2 =	vor.u32 $0x1, v2;
	_ =	sdelay $0x3  }
0x111: {  	v1 =	vld.idx.msk [tilespmem:v1+s9+$0x0], $0xffff  }
0x112: {  	v2 =	vld.idx.msk [tilespmem:v2+s9+$0x0], $0xffff;
	_ =	sdelay $0x4  }
0x113: {  	v1 =	vadd.f32 v2, v1;
	_ =	sdelay $0x1  }
0x114: {  	v2 =	vmul.f32 $2.000000030e-01, v1  }
0x115: {  	vm15 =	vge.f32 v1, $0.0e+00  }
0x116: {  	v1 =	vsel vm15, v1, v2  }
0x117: {  	v1 =	vmul.f32 $1.442695020e+00, v1;
	_ =	sdelay $0x1  }
0x118: {  	(erf) = vpow2.f32 v1;
	_ =	sdelay $0x3  }
0x119: {  	v1 =	vmov s9  }
0x11a: {  	s6 =	simm.s32 $0x1;
	v1 =	vand.u32 $0xFFFFFFFC, v1  }
0x11b: {  	s6 =	simm.s32 @!p1 $0x0;
	v1 =	vbroadcast v1, $0x0  }
0x11c: {  	s6 =	smul.u32 $0xA000, s6;
	_ =	sdelay $0x1  }
0x11d: {  	s6 =	sshrl.u32 s6, $0x2;
	v2 =	vpop (erf)  }
0x11e: {  	s6 =	sadd.s32 $0x5980, s6;
	[tilespmem:s14+$0xA8C0] =	vst v2  }
0x11f: {  	s13 =	sadd.s32 $0xA880, s14;
	v2 =	vld [tilespmem:s6+$0xFFFFFF70]  }
0x120: {  	v1 =	vld.idx.msk [tilespmem:v1+s13+$0x0], $0xffff  }
0x121: {  	v3 =	vld [tilespmem:s6+$0xFFFFFF00]  }
0x122: {  	v4 =	vld [tilespmem:s6+$0xFFFFFF20]  }
0x123: {  	v5 =	vld [tilespmem:s6+$0xFFFFFF50]  }
0x124: {  	v6 =	vld [tilespmem:s6+$0xFFFFFF40]  }
0x125: {  	v7 =	vld [tilespmem:s6+$0xFFFFFF60];
	v2 =	vmul.f32 v2, v1  }
0x126: {  	s16 =	simm.s32 $0x1;
	v8 =	vld [tilespmem:s6+$0xFFFFFF30];
	v3 =	vmul.f32 v3, v1  }
0x127: {  	v9 =	vld [tilespmem:s6+$0xFFFFFF10];
	v4 =	vmul.f32 v4, v1;
	[tilespmem:s6+$0xFFFFFF70] =	vst v2;
	v2 =	vmov s16  }
0x128: {  	v5 =	vmul.f32 v5, v1;
	[tilespmem:s6+$0xFFFFFF00] =	vst v3;
	v2 =	vand.u32 $0xFFFFFFFD, v2  }
0x129: {  	v3 =	vmul.f32 v6, v1;
	[tilespmem:s6+$0xFFFFFF20] =	vst v4;
	v2 =	vbroadcast v2, $0x0  }
0x12a: {  	v4 =	vmul.f32 v7, v1;
	[tilespmem:s6+$0xFFFFFF50] =	vst v5  }
0x12b: {  	v5 =	vmul.f32 v8, v1;
	[tilespmem:s6+$0xFFFFFF40] =	vst v3  }
0x12c: {  	v1 =	vmul.f32 v9, v1;
	[tilespmem:s6+$0xFFFFFF60] =	vst v4  }
0x12d: {  	[tilespmem:s6+$0xFFFFFF30] =	vst v5  }
0x12e: {  	[tilespmem:s6+$0xFFFFFF10] =	vst v1;
	v1 =	vld [tilespmem:s6+$0xFFFFFF90]  }
0x12f: {  	v3 =	vld.idx.msk [tilespmem:v2+s13+$0x0], $0xffff  }
0x130: {  	v2 =	vld [tilespmem:s6+$0xFFFFFFA0]  }
0x131: {  	v4 =	vld [tilespmem:s6+$0xFFFFFF80]  }
0x132: {  	v5 =	vld [tilespmem:s6+$0xFFFFFFB0]  }
0x133: {  	v6 =	vld [tilespmem:s6+$0xFFFFFFC0]  }
0x134: {  	v7 =	vld [tilespmem:s6+$0xFFFFFFD0];
	v1 =	vmul.f32 v1, v3  }
0x135: {  	s20 =	simm.s32 $0x2;
	v8 =	vld [tilespmem:s6+$0xFFFFFFF0];
	v2 =	vmul.f32 v2, v3  }
0x136: {  	v63 =	vld [tilespmem:s6+$0xFFFFFFE0];
	v4 =	vmul.f32 v4, v3;
	[tilespmem:s6+$0xFFFFFF90] =	vst v1;
	v1 =	vmov s20  }
0x137: {  	v5 =	vmul.f32 v5, v3;
	[tilespmem:s6+$0xFFFFFFA0] =	vst v2;
	v1 =	vand.u32 $0xFFFFFFFE, v1  }
0x138: {  	v2 =	vmul.f32 v6, v3;
	[tilespmem:s6+$0xFFFFFF80] =	vst v4;
	v6 =	vld [tilespmem:s6+$0x60];
	v10 =	vbroadcast v1, $0x0  }
0x139: {  	v4 =	vmul.f32 v7, v3;
	[tilespmem:s6+$0xFFFFFFB0] =	vst v5;
	v7 =	vld [tilespmem:s6+$0x0]  }
0x13a: {  	v5 =	vmul.f32 v8, v3;
	v1 =	vld [tilespmem:s6+$0x20];
	[tilespmem:s6+$0xFFFFFFC0] =	vst v2  }
0x13b: {  	s5 =	smul.u32 $0xA000, s5;
	v3 =	vmul.f32 v63, v3;
	v2 =	vld [tilespmem:s6+$0x30];
	[tilespmem:s6+$0xFFFFFFD0] =	vst v4  }
0x13c: {  	s10 =	smov.u32 @p2 s15;
	[tilespmem:s6+$0xFFFFFFF0] =	vst v5;
	v4 =	vld [tilespmem:s6+$0x40]  }
0x13d: {  	s15 =	sadd.s32 $0x5380, s1;
	s21 =	sshrl.u32 s5, $0x2;
	s5 =	simm.s32 $0x4;
	[tilespmem:s6+$0xFFFFFFE0] =	vst v3;
	v5 =	vld [tilespmem:s6+$0x10]  }
0x13e: {  	s1 =	simm.s32 $0x0;
	s14 =	smov.u32 s6;
	s16 =	sadd.s32 $0x5880, s21;
	v3 =	vld.idx.msk [tilespmem:v10+s13+$0x0], $0xffff  }
.LBB2_9:
0x13f: {  	p2 =	slt.u32 s5, $0x4C  }
0x140: {  	v8 =	vld [tilespmem:s6+$0x50];
	s14 =	sadd.s32 $0x200, s14;
	s20 =	smov.u32 s5;
	s5 =	sadd.s32 $0x4, s5  }
0x141: {  	v9 =	vld [tilespmem:s6+$0x70];
	_ =	sdelay $0x1  }
0x142: {  	v6 =	vmul.f32 v6, v3;
	v7 =	vmul.f32 v7, v3  }
0x143: {  	v4 =	vmul.f32 v4, v3;
	v5 =	vmul.f32 v5, v3  }
0x144: {  	v1 =	vmul.f32 v1, v3;
	v2 =	vmul.f32 v2, v3;
	[tilespmem:s6+$0x60] =	vst v6  }
0x145: {  	[tilespmem:s6+$0x40] =	vst v4;
	v4 =	vmul.f32 v8, v3;
	v3 =	vmul.f32 v9, v3  }
0x146: {  	s21 =	sadd.s32 $0x3, s1;
	s1 =	smov.u32 s20;
	[tilespmem:s6+$0x20] =	vst v1;
	v6 =	vld [tilespmem:s6+$0x80]  }
0x147: {  	v1 =	vld [tilespmem:s14+$0x20];
	[tilespmem:s6+$0x0] =	vst v7;
	v7 =	vmov s21  }
0x148: {  	[tilespmem:s6+$0x50] =	vst v4;
	v4 =	vld [tilespmem:s6+$0xE0]  }
0x149: {  	[tilespmem:s6+$0x30] =	vst v2;
	v8 =	vld [tilespmem:s6+$0xC0]  }
0x14a: {  	v2 =	vld [tilespmem:s14+$0x30];
	[tilespmem:s6+$0x10] =	vst v5  }
0x14b: {  	[tilespmem:s6+$0x70] =	vst v3;
	v3 =	vld [tilespmem:s6+$0xA0]  }
0x14c: {  	v5 =	vld.idx.msk [tilespmem:v7+s13+$0x0], $0xffff  }
0x14d: {  	v7 =	vld [tilespmem:s6+$0x90]  }
0x14e: {  	v9 =	vld [tilespmem:s6+$0xB0]  }
0x14f: {  	v10 =	vld [tilespmem:s6+$0xD0]  }
0x150: {  	v11 =	vld [tilespmem:s6+$0xF0];
	_ =	sdelay $0x1  }
0x151: {  	v6 =	vmul.f32 v6, v5;
	v7 =	vmul.f32 v7, v5  }
0x152: {  	v3 =	vmul.f32 v3, v5;
	v9 =	vmul.f32 v9, v5  }
0x153: {  	v12 =	vmov s1;
	[tilespmem:s6+$0x80] =	vst v6;
	v6 =	vmul.f32 v8, v5;
	v8 =	vmul.f32 v10, v5  }
0x154: {  	v10 =	vand.u32 $0xFFFFFFFC, v12;
	[tilespmem:s6+$0xA0] =	vst v3;
	v3 =	vmul.f32 v4, v5;
	v4 =	vmul.f32 v11, v5  }
0x155: {  	v5 =	vbroadcast v10, $0x0;
	[tilespmem:s6+$0xC0] =	vst v6  }
0x156: {  	[tilespmem:s6+$0xF0] =	vst v4  }
0x157: {  	v4 =	vld [tilespmem:s14+$0xFFFFFF40];
	[tilespmem:s6+$0xE0] =	vst v3  }
0x158: {  	v3 =	vld [tilespmem:s14+$0xFFFFFF50];
	[tilespmem:s6+$0x90] =	vst v7  }
0x159: {  	v6 =	vld [tilespmem:s14+$0xFFFFFF60];
	[tilespmem:s6+$0xB0] =	vst v9  }
0x15a: {  	v7 =	vld [tilespmem:s14+$0xFFFFFF70];
	[tilespmem:s6+$0xD0] =	vst v8;
	s6 =	smov.u32 s14  }
0x15b: {  	v5 =	vld.idx.msk [tilespmem:v5+s13+$0x0], $0xffff  }
0x15c: {  	v8 =	vld [tilespmem:s14+$0xFFFFFF00]  }
0x15d: {  	v9 =	vld [tilespmem:s14+$0xFFFFFF20]  }
0x15e: {  	v10 =	vld [tilespmem:s14+$0xFFFFFF10]  }
0x15f: {  	v11 =	vld [tilespmem:s14+$0xFFFFFF30];
	_ =	sdelay $0x1  }
0x160: {  	v7 =	vmul.f32 v7, v5;
	v8 =	vmul.f32 v8, v5  }
0x161: {  	s20 =	sadd.s32 $0x1, s1;
	v6 =	vmul.f32 v6, v5;
	v9 =	vmul.f32 v9, v5  }
0x162: {  	v3 =	vmul.f32 v3, v5;
	v10 =	vmul.f32 v10, v5;
	[tilespmem:s14+$0xFFFFFF70] =	vst v7;
	v7 =	vmov s20  }
0x163: {  	v4 =	vmul.f32 v4, v5;
	[tilespmem:s14+$0xFFFFFF00] =	vst v8;
	v8 =	vmul.f32 v11, v5;
	v5 =	vand.u32 $0xFFFFFFFD, v7  }
0x164: {  	[tilespmem:s14+$0xFFFFFF20] =	vst v9;
	v5 =	vbroadcast v5, $0x0  }
0x165: {  	[tilespmem:s14+$0xFFFFFF50] =	vst v3  }
0x166: {  	[tilespmem:s14+$0xFFFFFF40] =	vst v4;
	v3 =	vld [tilespmem:s14+$0xFFFFFFF0]  }
0x167: {  	[tilespmem:s14+$0xFFFFFF60] =	vst v6;
	v4 =	vld [tilespmem:s14+$0xFFFFFFC0]  }
0x168: {  	[tilespmem:s14+$0xFFFFFF30] =	vst v8;
	v6 =	vld [tilespmem:s14+$0xFFFFFFD0]  }
0x169: {  	[tilespmem:s14+$0xFFFFFF10] =	vst v10;
	v7 =	vld [tilespmem:s14+$0xFFFFFF90]  }
0x16a: {  	v5 =	vld.idx.msk [tilespmem:v5+s13+$0x0], $0xffff  }
0x16b: {  	v8 =	vld [tilespmem:s14+$0xFFFFFF80]  }
0x16c: {  	v9 =	vld [tilespmem:s14+$0xFFFFFFA0]  }
0x16d: {  	v10 =	vld [tilespmem:s14+$0xFFFFFFB0]  }
0x16e: {  	v11 =	vld [tilespmem:s14+$0xFFFFFFE0];
	_ =	sdelay $0x1  }
0x16f: {  	v7 =	vmul.f32 v7, v5;
	v8 =	vmul.f32 v8, v5  }
0x170: {  	s20 =	sadd.s32 $0x2, s1;
	v6 =	vmul.f32 v6, v5;
	v9 =	vmul.f32 v9, v5  }
0x171: {  	v4 =	vmul.f32 v4, v5;
	[tilespmem:s14+$0xFFFFFF90] =	vst v7;
	v7 =	vmul.f32 v10, v5;
	v10 =	vmov s20  }
0x172: {  	v3 =	vmul.f32 v3, v5;
	[tilespmem:s14+$0xFFFFFFA0] =	vst v9;
	v9 =	vmul.f32 v11, v5;
	v5 =	vand.u32 $0xFFFFFFFE, v10  }
0x173: {  	[tilespmem:s14+$0xFFFFFF80] =	vst v8;
	v5 =	vbroadcast v5, $0x0  }
0x174: {  	[tilespmem:s14+$0xFFFFFFB0] =	vst v7  }
0x175: {  	[tilespmem:s14+$0xFFFFFFC0] =	vst v4  }
0x176: {  	[tilespmem:s14+$0xFFFFFFD0] =	vst v6  }
.Ltmp3:
0x177: {  	[tilespmem:s14+$0xFFFFFFF0] =	vst v3;
	v4 =	vld [tilespmem:s14+$0x40];
	(pc) =	sbr.rel @p2 .LBB2_9-.Ltmp3, $4  }
0x178: {  	[tilespmem:s14+$0xFFFFFFE0] =	vst v9;
	v6 =	vld [tilespmem:s14+$0x60]  }
0x179: {  	v3 =	vld.idx.msk [tilespmem:v5+s13+$0x0], $0xffff  }
0x17a: {  	v7 =	vld [tilespmem:s14+$0x0]  }
0x17b: {  	v5 =	vld [tilespmem:s14+$0x10]  }
0x17c: {  	_ =	sdelay $0x1  }
0x17d: {  	v6 =	vmul.f32 v6, v3  }
0x17e: {  	v8 =	vld [tilespmem:s6+$0x50];
	v4 =	vmul.f32 v4, v3  }
0x17f: {  	v9 =	vld [tilespmem:s6+$0x70];
	v1 =	vmul.f32 v1, v3;
	[tilespmem:s6+$0x60] =	vst v6  }
0x180: {  	v54 =	vmul.f32 v7, v3;
	[tilespmem:s6+$0x40] =	vst v4  }
0x181: {  	s1 =	sadd.s32 $0x3, s1;
	[tilespmem:s6+$0x20] =	vst v1;
	v1 =	vmul.f32 v2, v3  }
0x182: {  	v56 =	vmov s1;
	v5 =	vmul.f32 v5, v3;
	[tilespmem:s6+$0x0] =	vst v54  }
0x183: {  	v55 =	vmul.f32 v8, v3;
	[tilespmem:s6+$0x30] =	vst v1  }
0x184: {  	v3 =	vmul.f32 v9, v3;
	[tilespmem:s6+$0x10] =	vst v5  }
0x185: {  	[tilespmem:s6+$0x50] =	vst v55  }
0x186: {  	v2 =	vld [tilespmem:s6+$0x80];
	[tilespmem:s6+$0x70] =	vst v3  }
0x187: {  	v1 =	vld.idx.msk [tilespmem:v56+s13+$0x0], $0xffff  }
0x188: {  	v3 =	vld [tilespmem:s6+$0xA0]  }
0x189: {  	v59 =	vld [tilespmem:s6+$0xE0]  }
0x18a: {  	v57 =	vld [tilespmem:s6+$0xC0]  }
0x18b: {  	v58 =	vld [tilespmem:s6+$0xF0]  }
0x18c: {  	v60 =	vld [tilespmem:s6+$0x90];
	v2 =	vmul.f32 v2, v1  }
0x18d: {  	v61 =	vld [tilespmem:s6+$0xB0];
	v3 =	vmul.f32 v3, v1  }
0x18e: {  	v62 =	vld [tilespmem:s6+$0xD0];
	v63 =	vmul.f32 v59, v1;
	[tilespmem:s6+$0x80] =	vst v2  }
0x18f: {  	v2 =	vmul.f32 v57, v1;
	[tilespmem:s6+$0xA0] =	vst v3  }
0x190: {  	v3 =	vmul.f32 v58, v1;
	[tilespmem:s6+$0xE0] =	vst v63  }
0x191: {  	[tilespmem:s6+$0xC0] =	vst v2;
	v2 =	vmul.f32 v60, v1  }
0x192: {  	[tilespmem:s6+$0xF0] =	vst v3;
	v3 =	vmul.f32 v61, v1  }
0x193: {  	p2 =	sne.s32 s12, $0x7D;
	v1 =	vmul.f32 v62, v1;
	[tilespmem:s6+$0x90] =	vst v2  }
.Ltmp4:
0x194: {  	[tilespmem:s6+$0xB0] =	vst v3;
	(pc) =	sbr.rel @p2 .LBB2_8-.Ltmp4, $4  }
0x195: {  	[tilespmem:s6+$0xD0] =	vst v1  }
0x196: {  	[spmem:s3] =	stream.indirect.scatter.add.f32 [tilespmem:s16], [sflag:$0x3], $0x80, s15, s29, $0xb8;
	[tilespmem:$0x1E878] =	vst v63  }
0x197: {  	p1 =	por !p1, !p1  }
0x198: {  	[spmem:s4] =	stream.indirect.scatter.add.f32 [tilespmem:s13], [sflag:$0x3], $0x1, s15, s29, $0xb8;
	[tilespmem:$0x1E878] =	vst v63  }
0x199: {  	_ =	swait.ge [sflag:s31], $0x2800  }
0x19a: {  	[sflag:s31] =	ssyncset.done $0x0  }
0x19b: {  	[sflag:s31] =	ssyncadd.s32 $0xFFFFD800  }
0x19c: {  	_ =	swait.ge [sflag:s31], $0x50  }
0x19d: {  	[sflag:s31] =	ssyncset.done $0x0  }
0x19e: {  	s1 =	stileid.u32;
	[sflag:s31] =	ssyncadd.s32 $0xFFFFFFB0  }
0x19f: {  	s1 =	sshll.u32 @!p0 s1, $0x6;
	[bflag:$0x0] =	sbarrier.arrive $0xFFFF  }
0x1a0: {  	s5 =	sshrl.u32 @!p0 s8, $0x3;
	s1 =	sor.u32 @!p0 $0x1C04, s1;
	s6 =	rddreg [dreg:$0x12]  }
0x1a1: {  	[hbm:s6], [sflag:s1] =	dma.local @!p0 [spmem:s5], $0x3E80  }
0x1a2: {  	s1 =	simm.s32 @!p0 $0x4  }
0x1a3: {  	_ =	swait.ge @!p0 [sflag:s1], $0x3E80  }
0x1a4: {  	[sflag:s1] =	ssyncset.done @!p0 $0x0  }
0x1a5: {  	s5 =	simm.s32 @!p0 $0xA980;
	[sflag:s1] =	ssyncadd.s32 @!p0 $0xFFFFC180  }
0x1a6: {  	[tilespmem:s5], [sflag:$0x4] =	stream.linear.gather @!p0 [spmem:s19], $0x3E8, $0x38;
	[tilespmem:$0x1E878] =	vst v63  }
0x1a7: {  	s2 =	sadd.s32 $0x1, s2;
	_ =	swait.ge @!p0 [sflag:s1], $0x3E8  }
0x1a8: {  	p1 =	sne.s32 s2, s25;
	[sflag:s1] =	ssyncset.done @!p0 $0x0  }
.Ltmp5:
0x1a9: {  	s6 =	simm.s32 @!p0 $0x0;
	[sflag:s1] =	ssyncadd.s32 @!p0 $0xFFFFFC18;
	(pc) =	sbr.rel @p1 .LBB2_1-.Ltmp5, $4  }
0x1aa: {  	[hbm4b:s24+s6] =	stream.linear.scatter @!p0 [tilespmem:s5], [sflag:$0x4], $0x3E8, $0x38;
	[tilespmem:$0x1E878] =	vst v63  }
0x1ab: {  	_ =	swait.ge @!p0 [sflag:s1], $0x3E8  }
0x1ac: {  	[sflag:s1] =	ssyncset.done @!p0 $0x0  }
0x1ad: {  	[sflag:s1] =	ssyncadd.s32 @!p0 $0xFFFFFC18  }
0x1ae: {  	_ =	sfence.sel $0x180000  }
0x1af: {  	[bflag:$0x0] =	sbarrier.arrive $0xFFFF  }
0x1b0: {  	_ =	strace $0x90000047  }
0x1b1: {  	s0 =	stileid.u32;
	[bflag:$0x2] =	sbarrier.arrive $0xFFFF  }
0x1b2: {  	p0 =	sne.s32 s0, $0x0;
	s0 =	rddreg [dreg:$0x4]  }
0x1b3: {  	s0 =	sadd.s32 @!p0 $0x100000, s0  }
0x1b4: {  	[sflag:s0] =	ssyncadd.tile.s32 @!p0 $0x1;
	_ =	shalt  }
.Lfunc_end2:
_tile_overlayer_lowered:
.L_overlay_start_2:
0x1b5: {  	(tag) =	ssettag $0x2  }
0x1b6: {  	s0 =	rddreg [dreg:$0x0];
	s2 =	stileid.u32  }
0x1b7: {  	s1 =	rddreg [dreg:$0x1];
	p0 =	sne.s32 s2, $0x0  }
0x1b8: {  	s3 =	rddreg [dreg:$0x2];
	[bflag:$0x3] =	sbarrier.arrive $0xFFFF;
	s2 =	simm.s32 @!p0 $0x1C04  }
0x1b9: {  	[timem:s3], [sflag:s2] =	dma.local @!p0 [hbm:s0], s1  }
0x1ba: {  	s0 =	simm.s32 @!p0 $0x4  }
0x1bb: {  	_ =	swait.ge @!p0 [sflag:s0], s1  }
0x1bc: {  	s1 =	ssub.s32 @!p0 $0x0, s1;
	[sflag:s0] =	ssyncset.done @!p0 $0x0  }
0x1bd: {  	[sflag:s0] =	ssyncadd.s32 @!p0 s1  }
0x1be: {  	[bflag:$0x3] =	sbarrier.arrive $0xFFFF  }
0x1bf: {  	_ =	shalt  }

</sc_bundles>
